<compile_context>
chip_gen: v7x
topology: tpu7x:2x2x1
jax: 0.10.2.dev20260603
libtpu: 0.0.44.dev20260713+nightly
codegen_flags: <defaults>
</compile_context>

<pallas_src>
import functools

import jax
import jax.numpy as jnp
from jax import lax
from jax.experimental import pallas as pl
from jax.experimental.pallas import tpu as pltpu
from jax.experimental.pallas import tpu_sc as plsc

NW = 32
NSC = 2
NSUB = 16
K = 80
LANES = 16


def _node_proj_body(x_ref, w_ref, asrc_ref, adst_ref, h_ref, as_ref, ad_ref):
    h = jnp.dot(x_ref[...], w_ref[...], preferred_element_type=jnp.float32)
    h_ref[...] = h
    as_ref[...] = h @ asrc_ref[...]
    ad_ref[...] = h @ adst_ref[...]


def _node_proj(x_pad, W, att_src, att_dst, n_pad):
    blk = 256
    grid = n_pad // blk
    return pl.pallas_call(
        _node_proj_body,
        grid=(grid,),
        in_specs=[
            pl.BlockSpec((blk, 128), lambda i: (i, 0)),
            pl.BlockSpec((128, 128), lambda i: (0, 0)),
            pl.BlockSpec((128,), lambda i: (0,)),
            pl.BlockSpec((128,), lambda i: (0,)),
        ],
        out_specs=[
            pl.BlockSpec((blk, 128), lambda i: (i, 0)),
            pl.BlockSpec((blk,), lambda i: (i,)),
            pl.BlockSpec((blk,), lambda i: (i,)),
        ],
        out_shape=[
            jax.ShapeDtypeStruct((n_pad, 128), jnp.float32),
            jax.ShapeDtypeStruct((n_pad,), jnp.float32),
            jax.ShapeDtypeStruct((n_pad,), jnp.float32),
        ],
    )(x_pad, W, att_src, att_dst)


def _edge_logit_body(ea_ref, we_ref, ae_att_ref, out_ref):
    v = jnp.sum(we_ref[...] * ae_att_ref[...][None, :], axis=1)
    out_ref[...] = ea_ref[...] @ v


def _edge_logits(ea16, We16, att_edge, e_pad):
    blk = 512
    grid = e_pad // blk
    return pl.pallas_call(
        _edge_logit_body,
        grid=(grid,),
        in_specs=[
            pl.BlockSpec((blk, 16), lambda i: (i, 0)),
            pl.BlockSpec((16, 128), lambda i: (0, 0)),
            pl.BlockSpec((128,), lambda i: (0,)),
        ],
        out_specs=pl.BlockSpec((blk,), lambda i: (i,)),
        out_shape=jax.ShapeDtypeStruct((e_pad,), jnp.float32),
    )(ea16, We16, att_edge)


def _sc_edge_pass(src3, dst3, ae3, asrc, adst, h, n_pad, nch):
    sr = n_pad // NSUB

    mesh = plsc.VectorSubcoreMesh(core_axis_name="c", subcore_axis_name="s")

    @functools.partial(
        pl.kernel,
        out_type=[
            jax.ShapeDtypeStruct((NSC, n_pad, 128), jnp.float32),
            jax.ShapeDtypeStruct((NSC, n_pad), jnp.float32),
            jax.ShapeDtypeStruct((NSC, n_pad), jnp.float32),
            jax.ShapeDtypeStruct((NSC, n_pad), jnp.float32),
        ],
        mesh=mesh,
        compiler_params=pltpu.CompilerParams(needs_layout_passes=False),
        scratch_types=[
            pltpu.VMEM((3, K), jnp.int32),
            pltpu.VMEM((3, K), jnp.int32),
            pltpu.VMEM((3, K), jnp.float32),
            pltpu.VMEM((n_pad,), jnp.float32),
            pltpu.VMEM((n_pad,), jnp.float32),
            pltpu.VMEM((2, K, 128), jnp.float32),
            pltpu.VMEM((2, K), jnp.float32),
            pltpu.VMEM((K,), jnp.float32),
            pltpu.VMEM_SHARED((n_pad, 128), jnp.float32),
            pltpu.VMEM_SHARED((n_pad,), jnp.float32),
            pltpu.VMEM_SHARED((n_pad,), jnp.float32),
            pltpu.VMEM_SHARED((n_pad,), jnp.float32),
            pltpu.SemaphoreType.DMA,
            pltpu.SemaphoreType.DMA,
            pltpu.SemaphoreType.DMA,
        ],
    )
    def body(src_h, dst_h, ae_h, asrc_h, adst_h, h_h,
             acc_o, den_o, deg_o, sae_o,
             src_v, dst_v, ae_v, asrc_v, adst_v, rows_v, w_v, one_v,
             acc_s, den_s, deg_s, sae_s, sem_st, sem_g, sem_sc):
        cid = lax.axis_index("c")
        sid = lax.axis_index("s")
        wid = cid * NSUB + sid

        pltpu.sync_copy(asrc_h, asrc_v)
        pltpu.sync_copy(adst_h, adst_v)

        zv = jnp.zeros((LANES,), jnp.float32)

        def zrow(r, _):
            for j in range(128 // LANES):
                rows_v[0, r, pl.ds(j * LANES, LANES)] = zv
            return 0

        lax.fori_loop(0, K, zrow, 0)
        for g in range(K // LANES):
            w_v[0, pl.ds(g * LANES, LANES)] = zv

        def zcpy(b2, _):
            base = sid * sr + b2 * K
            pltpu.sync_copy(rows_v.at[0], acc_s.at[pl.ds(base, K)])
            pltpu.sync_copy(w_v.at[0], den_s.at[pl.ds(base, K)])
            pltpu.sync_copy(w_v.at[0], deg_s.at[pl.ds(base, K)])
            pltpu.sync_copy(w_v.at[0], sae_s.at[pl.ds(base, K)])
            return 0

        lax.fori_loop(0, sr // K, zcpy, 0)

        ov = jnp.full((LANES,), 1.0, jnp.float32)
        for g in range(K // LANES):
            one_v[pl.ds(g * LANES, LANES)] = ov

        plsc.subcore_barrier()

        def stage(c, cb):
            pltpu.async_copy(src_h.at[wid, c], src_v.at[cb], sem_st)
            pltpu.async_copy(dst_h.at[wid, c], dst_v.at[cb], sem_st)
            pltpu.async_copy(ae_h.at[wid, c], ae_v.at[cb], sem_st)

        def wait_stage():
            pltpu.make_async_copy(src_h.at[wid, 0], src_v.at[0], sem_st).wait()
            pltpu.make_async_copy(dst_h.at[wid, 0], dst_v.at[0], sem_st).wait()
            pltpu.make_async_copy(ae_h.at[wid, 0], ae_v.at[0], sem_st).wait()

        def issue_gather(b, cb):
            pltpu.async_copy(h_h.at[src_v.at[cb]], rows_v.at[b], sem_g)

        def wait_gather():
            pltpu.make_async_copy(h_h.at[src_v.at[0]], rows_v.at[0],
                                  sem_g).wait()

        def issue_scatter_scalars(b, cb):
            idx = dst_v.at[cb]
            pltpu.async_copy(w_v.at[b], den_s.at[idx], sem_sc, add=True)
            pltpu.async_copy(one_v, deg_s.at[idx], sem_sc, add=True)
            pltpu.async_copy(ae_v.at[cb], sae_s.at[idx], sem_sc, add=True)

        def issue_scatter_rows(b, cb):
            pltpu.async_copy(rows_v.at[b], acc_s.at[dst_v.at[cb]], sem_sc,
                             add=True)

        def wait_scatter():
            idx = dst_v.at[0]
            pltpu.make_async_copy(rows_v.at[0], acc_s.at[idx], sem_sc).wait()
            pltpu.make_async_copy(w_v.at[0], den_s.at[idx], sem_sc).wait()
            pltpu.make_async_copy(one_v, deg_s.at[idx], sem_sc).wait()
            pltpu.make_async_copy(ae_v.at[0], sae_s.at[idx], sem_sc).wait()

        stage(0, 0)
        wait_stage()
        issue_gather(0, 0)

        def chunk(c, _):
            b = lax.rem(c, 2)
            cb = lax.rem(c, 3)
            nb = 1 - b
            ncb = lax.rem(c + 1, 3)

            @pl.when(c + 1 < nch)
            def _():
                stage(c + 1, ncb)

            wait_gather()

            for g in range(K // LANES):
                sl = pl.ds(g * LANES, LANES)
                asrc_g = plsc.load_gather(asrc_v, [src_v[cb, sl]])
                adst_g = plsc.load_gather(adst_v, [dst_v[cb, sl]])
                s = asrc_g + adst_g + ae_v[cb, sl]
                s = jnp.where(s >= 0, s, 0.2 * s)
                w_v[b, sl] = jnp.exp(s)

            @pl.when(c >= 1)
            def _():
                wait_scatter()

            issue_scatter_scalars(b, cb)

            @pl.when(c + 1 < nch)
            def _():
                wait_stage()
                issue_gather(nb, ncb)

            def scale(k4, _):
                for u in range(4):
                    k2 = k4 * 4 + u
                    i16 = jnp.full((LANES,), k2, jnp.int32)
                    wk = plsc.load_gather(w_v.at[b], [i16])
                    for j in range(128 // LANES):
                        sl2 = pl.ds(j * LANES, LANES)
                        rows_v[b, k2, sl2] = rows_v[b, k2, sl2] * wk
                return 0

            lax.fori_loop(0, K // 4, scale, 0)
            issue_scatter_rows(b, cb)
            return 0

        lax.fori_loop(0, nch, chunk, 0)
        wait_scatter()
        plsc.subcore_barrier()

        row0 = sid * sr
        sl = pl.ds(row0, sr)
        pltpu.sync_copy(acc_s.at[sl], acc_o.at[cid, sl])
        pltpu.sync_copy(den_s.at[sl], den_o.at[cid, sl])
        pltpu.sync_copy(deg_s.at[sl], deg_o.at[cid, sl])
        pltpu.sync_copy(sae_s.at[sl], sae_o.at[cid, sl])

    return body(src3, dst3, ae3, asrc, adst, h)


def _finalize_body(acc_ref, den_ref, deg_ref, sae_ref, h_ref, as_ref, ad_ref,
                   bias_ref, lw_ref, lb_ref, q_ref):
    deg = deg_ref[0, :] + deg_ref[1, :]
    sae = sae_ref[0, :] + sae_ref[1, :]
    den = den_ref[0, :] + den_ref[1, :]
    acc = acc_ref[0] + acc_ref[1]
    a_loop = sae / jnp.maximum(deg, 1.0)
    s = as_ref[...] + ad_ref[...] + a_loop
    s = jnp.where(s >= 0, s, 0.2 * s)
    wl = jnp.exp(s)
    out = (acc + wl[:, None] * h_ref[...]) / (den + wl + 1e-16)[:, None]
    out = jnp.maximum(out + bias_ref[...][None, :], 0.0)
    q_ref[...] = 0.5 * (out @ lw_ref[...]) + 0.5 * lb_ref[0]


def _finalize(acc, den, deg, sae, h, asrc, adst, bias, lin_w_vec, lin_b, n_pad):
    blk = 256
    grid = n_pad // blk
    return pl.pallas_call(
        _finalize_body,
        grid=(grid,),
        in_specs=[
            pl.BlockSpec((NSC, blk, 128), lambda i: (0, i, 0)),
            pl.BlockSpec((NSC, blk), lambda i: (0, i)),
            pl.BlockSpec((NSC, blk), lambda i: (0, i)),
            pl.BlockSpec((NSC, blk), lambda i: (0, i)),
            pl.BlockSpec((blk, 128), lambda i: (i, 0)),
            pl.BlockSpec((blk,), lambda i: (i,)),
            pl.BlockSpec((blk,), lambda i: (i,)),
            pl.BlockSpec((128,), lambda i: (0,)),
            pl.BlockSpec((128,), lambda i: (0,)),
            pl.BlockSpec((1,), lambda i: (0,)),
        ],
        out_specs=pl.BlockSpec((blk,), lambda i: (i,)),
        out_shape=jax.ShapeDtypeStruct((n_pad,), jnp.float32),
    )(acc, den, deg, sae, h, asrc, adst, bias, lin_w_vec, lin_b)


def _sc_edge_pred(src3, dst3, q, n_pad, nch):
    pt = nch * K
    mesh = plsc.VectorSubcoreMesh(core_axis_name="c", subcore_axis_name="s")

    @functools.partial(
        pl.kernel,
        out_type=jax.ShapeDtypeStruct((NW, pt), jnp.float32),
        mesh=mesh,
        compiler_params=pltpu.CompilerParams(needs_layout_passes=False),
        scratch_types=[
            pltpu.VMEM((nch, K), jnp.int32),
            pltpu.VMEM((nch, K), jnp.int32),
            pltpu.VMEM((n_pad,), jnp.float32),
            pltpu.VMEM((pt,), jnp.float32),
        ],
    )
    def body(src_h, dst_h, q_h, pred_o, src_v, dst_v, q_v, p_v):
        cid = lax.axis_index("c")
        sid = lax.axis_index("s")
        wid = cid * NSUB + sid
        pltpu.sync_copy(src_h.at[wid], src_v)
        pltpu.sync_copy(dst_h.at[wid], dst_v)
        pltpu.sync_copy(q_h, q_v)

        def chunk(c, _):
            for g in range(K // LANES):
                sl = pl.ds(g * LANES, LANES)
                gs = plsc.load_gather(q_v, [src_v[c, sl]])
                gd = plsc.load_gather(q_v, [dst_v[c, sl]])
                s = gs + gd
                p = 1.0 / (1.0 + jnp.exp(-s))
                p_v[pl.ds(c * K + g * LANES, LANES)] = p
            return 0

        lax.fori_loop(0, nch, chunk, 0)
        pltpu.sync_copy(p_v, pred_o.at[wid])

    return body(src3, dst3, q)


def kernel(x, edge_index, edge_attr, W, att_src, att_dst, W_edge, att_edge,
           conv_bias, lin_W, lin_b):
    n_real, _ = x.shape
    e_real = edge_index.shape[1]
    n_pad = ((n_real + NSUB * K - 1) // (NSUB * K)) * (NSUB * K)
    nch = (e_real + NW * K - 1) // (NW * K)
    pt = nch * K
    e_pad = NW * pt

    src = edge_index[0].astype(jnp.int32)
    dst = edge_index[1].astype(jnp.int32)
    src3 = jnp.pad(src, (0, e_pad - e_real)).reshape(NW, nch, K)
    dst3 = jnp.pad(dst, (0, e_pad - e_real)).reshape(NW, nch, K)
    ea16 = jnp.pad(edge_attr, ((0, e_pad - e_real), (0, 16 - edge_attr.shape[1])))
    We16 = jnp.pad(W_edge, ((0, 16 - W_edge.shape[0]), (0, 0)))
    x_pad = jnp.pad(x, ((0, n_pad - n_real), (0, 0)))

    h, asrc, adst = _node_proj(x_pad, W, att_src, att_dst, n_pad)
    ae = _edge_logits(ea16, We16, att_edge, e_pad)
    ae3 = ae.reshape(NW, nch, K)

    acc, den, deg, sae = _sc_edge_pass(src3, dst3, ae3, asrc, adst, h,
                                       n_pad, nch)

    q = _finalize(acc, den, deg, sae, h, asrc, adst, conv_bias,
                  lin_W[:, 0], lin_b, n_pad)

    pred = _sc_edge_pred(src3, dst3, q, n_pad, nch)
    return pred.reshape(-1)[:e_real, None]

# --- scband reference (transcript-rebuilt; emitter-appended) ---
"""Pipeline reference for scband-gcnwith-edge-prediction-34918084116769 (READ-ONLY COPY).

The authoritative reference and input builder live on the scoring server;
editing this copy changes nothing except your own understanding.
"""

import jax, jax.numpy as jnp
import numpy as np


def setup_inputs(seed: int = 0) -> dict:
    key = jax.random.key(seed)
    ks = jax.random.split(key, 12)
    N, E, F_in, C, D_e = 10000, 320000, 128, 128, 9
    x = jax.random.normal(ks[0], (N, F_in), dtype=jnp.float32)
    edge_index = jax.random.randint(ks[1], (2, E), 0, N).astype(jnp.int64)
    edge_attr = jax.random.normal(ks[2], (E, D_e), dtype=jnp.float32)
    # GATConv(in_features, hidden_channels, edge_dim=9), heads=1, concat=True
    W = jax.random.normal(ks[3], (F_in, C), dtype=jnp.float32) * 0.05
    att_src = jax.random.normal(ks[4], (C,), dtype=jnp.float32) * 0.05
    att_dst = jax.random.normal(ks[5], (C,), dtype=jnp.float32) * 0.05
    W_edge = jax.random.normal(ks[6], (D_e, C), dtype=jnp.float32) * 0.05
    att_edge = jax.random.normal(ks[7], (C,), dtype=jnp.float32) * 0.05
    conv_bias = jnp.zeros((C,), dtype=jnp.float32)
    # Linear(hidden_channels, 1)
    lin_W = jax.random.normal(ks[8], (C, 1), dtype=jnp.float32) * 0.05
    lin_b = jnp.zeros((1,), dtype=jnp.float32)
    return {"x": x, "edge_index": edge_index, "edge_attr": edge_attr,
            "W": W, "att_src": att_src, "att_dst": att_dst,
            "W_edge": W_edge, "att_edge": att_edge, "conv_bias": conv_bias,
            "lin_W": lin_W, "lin_b": lin_b}


def reference(x, edge_index, edge_attr, W, att_src, att_dst, W_edge, att_edge, conv_bias, lin_W, lin_b):
    N = x.shape[0]
    src, dst = edge_index[0], edge_index[1]
    # add_self_loops with fill_value='mean': per-node mean of incoming edge attrs
    ones = jnp.ones(dst.shape, dtype=jnp.float32)
    deg = jax.ops.segment_sum(ones, dst, num_segments=N)
    attr_sum = jax.ops.segment_sum(edge_attr, dst, num_segments=N)
    loop_attr = attr_sum / jnp.maximum(deg, 1.0)[:, None]
    loop = jnp.arange(N, dtype=src.dtype)
    src_f = jnp.concatenate([src, loop])
    dst_f = jnp.concatenate([dst, loop])
    ea_f = jnp.concatenate([edge_attr, loop_attr], axis=0)
    # GATConv (heads=1)
    h = x @ W                      # [N, C]
    a_src = h @ att_src            # [N]
    a_dst = h @ att_dst            # [N]
    e_feat = ea_f @ W_edge         # [E+N, C]
    a_e = e_feat @ att_edge        # [E+N]
    alpha = jax.nn.leaky_relu(a_src[src_f] + a_dst[dst_f] + a_e, 0.2)
    amax = jax.ops.segment_max(alpha, dst_f, num_segments=N)
    alpha = jnp.exp(alpha - amax[dst_f])
    denom = jax.ops.segment_sum(alpha, dst_f, num_segments=N)
    alpha = alpha / (denom[dst_f] + 1e-16)
    out = jax.ops.segment_sum(alpha[:, None] * h[src_f], dst_f, num_segments=N)
    out = out + conv_bias
    out = jax.nn.relu(out)
    # edge prediction on original edges
    pe = (out[src] + out[dst]) * 0.5
    pred = pe @ lin_W + lin_b
    return jax.nn.sigmoid(pred)

if __name__ == "__main__":
    import jax
    _d = setup_inputs()
    print(jax.jit(kernel)(*tuple(_d.values())))

</pallas_src>

<mosaic_0001>
#map = affine_map<(d0, d1) -> (0, 0, 0)>
#map1 = affine_map<(d0, d1) -> (0)>
#map2 = affine_map<(d0, d1) -> (0, 0)>
module attributes {stable_mosaic.version = 14 : i64} {
  func.func @body(%arg0: i32, %arg1: i32, %arg2: memref<32x125x80xi32, #tpu.memory_space<hbm>>, %arg3: memref<32x125x80xi32, #tpu.memory_space<hbm>>, %arg4: memref<10240xf32, #tpu.memory_space<hbm>>, %arg5: memref<32x10000xf32, #tpu.memory_space<hbm>>, %arg6: memref<125x80xi32, #tpu.memory_space<vmem>>, %arg7: memref<125x80xi32, #tpu.memory_space<vmem>>, %arg8: memref<10240xf32, #tpu.memory_space<vmem>>, %arg9: memref<10000xf32, #tpu.memory_space<vmem>>) attributes {dimension_semantics = [#tpu.dimension_semantics<core_parallel>, #tpu.dimension_semantics<subcore_parallel>], iteration_bounds = array<i64: 2, 16>, scalar_prefetch = 0 : i64, scratch_operands = 4 : i64, tpu.core_type = #tpu.core_type<sc_vector_subcore>, window_params = [{transform_indices = #map}, {transform_indices = #map}, {transform_indices = #map1}, {transform_indices = #map2}]} {
    %mul3A = arith.constant 16 : i32
    %mul3A_0 = arith.muli %arg0, %mul3A : i32
    %add3A = arith.addi %mul3A_0, %arg1 : i32
    "tpu.region"() ({
      %run_scoped3A = tpu.sem_alloc : memref<!tpu.dma_semaphore, #tpu.memory_space<semaphore_mem>>
      %dma_start3A = arith.constant 0 : i32
      %dma_start3A_7 = arith.constant 0 : i32
      %dma_start3A_8 = tpu.memref_slice %arg2[%add3A, %dma_start3A, %dma_start3A_7] : memref<32x125x80xi32, #tpu.memory_space<hbm>> -> memref<1x125x80xi32, #tpu.memory_space<hbm>>
      %dma_start3A_9 = tpu.memref_squeeze %dma_start3A_8 : memref<1x125x80xi32, #tpu.memory_space<hbm>> -> memref<125x80xi32, #tpu.memory_space<hbm>>
      %dma_start3A_10 = arith.constant 0 : i32
      %dma_start3A_11 = arith.constant 0 : i32
      %dma_start3A_12 = tpu.memref_slice %arg2[%add3A, %dma_start3A_10, %dma_start3A_11] : memref<32x125x80xi32, #tpu.memory_space<hbm>> -> memref<1x125x80xi32, #tpu.memory_space<hbm>>
      %dma_start3A_13 = tpu.memref_squeeze %dma_start3A_12 : memref<1x125x80xi32, #tpu.memory_space<hbm>> -> memref<125x80xi32, #tpu.memory_space<hbm>>
      tpu.enqueue_dma source(%dma_start3A_13 : memref<125x80xi32, #tpu.memory_space<hbm>>) target(%arg6 : memref<125x80xi32, #tpu.memory_space<vmem>>) target_semaphore(%run_scoped3A : memref<!tpu.dma_semaphore, #tpu.memory_space<semaphore_mem>>)
      %dma_wait3A = arith.constant 0 : i32
      %dma_wait3A_14 = arith.constant 0 : i32
      %dma_wait3A_15 = tpu.memref_slice %arg2[%add3A, %dma_wait3A, %dma_wait3A_14] : memref<32x125x80xi32, #tpu.memory_space<hbm>> -> memref<1x125x80xi32, #tpu.memory_space<hbm>>
      %dma_wait3A_16 = tpu.memref_squeeze %dma_wait3A_15 : memref<1x125x80xi32, #tpu.memory_space<hbm>> -> memref<125x80xi32, #tpu.memory_space<hbm>>
      %dma_wait3A_17 = arith.constant 0 : i32
      %dma_wait3A_18 = arith.constant 0 : i32
      %dma_wait3A_19 = tpu.memref_slice %arg2[%add3A, %dma_wait3A_17, %dma_wait3A_18] : memref<32x125x80xi32, #tpu.memory_space<hbm>> -> memref<1x125x80xi32, #tpu.memory_space<hbm>>
      %dma_wait3A_20 = tpu.memref_squeeze %dma_wait3A_19 : memref<1x125x80xi32, #tpu.memory_space<hbm>> -> memref<125x80xi32, #tpu.memory_space<hbm>>
      tpu.wait_dma2 semaphore(%run_scoped3A : memref<!tpu.dma_semaphore, #tpu.memory_space<semaphore_mem>>) src(%dma_wait3A_20 : memref<125x80xi32, #tpu.memory_space<hbm>>) dst(%arg6 : memref<125x80xi32, #tpu.memory_space<vmem>>)
      tpu.yield
    }) : () -> ()
    "tpu.region"() ({
      %run_scoped3A = tpu.sem_alloc : memref<!tpu.dma_semaphore, #tpu.memory_space<semaphore_mem>>
      %dma_start3A = arith.constant 0 : i32
      %dma_start3A_7 = arith.constant 0 : i32
      %dma_start3A_8 = tpu.memref_slice %arg3[%add3A, %dma_start3A, %dma_start3A_7] : memref<32x125x80xi32, #tpu.memory_space<hbm>> -> memref<1x125x80xi32, #tpu.memory_space<hbm>>
      %dma_start3A_9 = tpu.memref_squeeze %dma_start3A_8 : memref<1x125x80xi32, #tpu.memory_space<hbm>> -> memref<125x80xi32, #tpu.memory_space<hbm>>
      %dma_start3A_10 = arith.constant 0 : i32
      %dma_start3A_11 = arith.constant 0 : i32
      %dma_start3A_12 = tpu.memref_slice %arg3[%add3A, %dma_start3A_10, %dma_start3A_11] : memref<32x125x80xi32, #tpu.memory_space<hbm>> -> memref<1x125x80xi32, #tpu.memory_space<hbm>>
      %dma_start3A_13 = tpu.memref_squeeze %dma_start3A_12 : memref<1x125x80xi32, #tpu.memory_space<hbm>> -> memref<125x80xi32, #tpu.memory_space<hbm>>
      tpu.enqueue_dma source(%dma_start3A_13 : memref<125x80xi32, #tpu.memory_space<hbm>>) target(%arg7 : memref<125x80xi32, #tpu.memory_space<vmem>>) target_semaphore(%run_scoped3A : memref<!tpu.dma_semaphore, #tpu.memory_space<semaphore_mem>>)
      %dma_wait3A = arith.constant 0 : i32
      %dma_wait3A_14 = arith.constant 0 : i32
      %dma_wait3A_15 = tpu.memref_slice %arg3[%add3A, %dma_wait3A, %dma_wait3A_14] : memref<32x125x80xi32, #tpu.memory_space<hbm>> -> memref<1x125x80xi32, #tpu.memory_space<hbm>>
      %dma_wait3A_16 = tpu.memref_squeeze %dma_wait3A_15 : memref<1x125x80xi32, #tpu.memory_space<hbm>> -> memref<125x80xi32, #tpu.memory_space<hbm>>
      %dma_wait3A_17 = arith.constant 0 : i32
      %dma_wait3A_18 = arith.constant 0 : i32
      %dma_wait3A_19 = tpu.memref_slice %arg3[%add3A, %dma_wait3A_17, %dma_wait3A_18] : memref<32x125x80xi32, #tpu.memory_space<hbm>> -> memref<1x125x80xi32, #tpu.memory_space<hbm>>
      %dma_wait3A_20 = tpu.memref_squeeze %dma_wait3A_19 : memref<1x125x80xi32, #tpu.memory_space<hbm>> -> memref<125x80xi32, #tpu.memory_space<hbm>>
      tpu.wait_dma2 semaphore(%run_scoped3A : memref<!tpu.dma_semaphore, #tpu.memory_space<semaphore_mem>>) src(%dma_wait3A_20 : memref<125x80xi32, #tpu.memory_space<hbm>>) dst(%arg7 : memref<125x80xi32, #tpu.memory_space<vmem>>)
      tpu.yield
    }) : () -> ()
    "tpu.region"() ({
      %run_scoped3A = tpu.sem_alloc : memref<!tpu.dma_semaphore, #tpu.memory_space<semaphore_mem>>
      tpu.enqueue_dma source(%arg4 : memref<10240xf32, #tpu.memory_space<hbm>>) target(%arg8 : memref<10240xf32, #tpu.memory_space<vmem>>) target_semaphore(%run_scoped3A : memref<!tpu.dma_semaphore, #tpu.memory_space<semaphore_mem>>)
      tpu.wait_dma2 semaphore(%run_scoped3A : memref<!tpu.dma_semaphore, #tpu.memory_space<semaphore_mem>>) src(%arg4 : memref<10240xf32, #tpu.memory_space<hbm>>) dst(%arg8 : memref<10240xf32, #tpu.memory_space<vmem>>)
      tpu.yield
    }) : () -> ()
    %scan3A = arith.constant 0 : i32
    %scan3A_1 = arith.constant 0 : i32
    %scan3A_2 = arith.constant 125 : i32
    %scan3A_3 = arith.addi %scan3A_1, %scan3A_2 : i32
    %scan3A_4 = arith.constant 1 : i32
    %scan3A_5 = scf.for %scan3A_7 = %scan3A_1 to %scan3A_3 step %scan3A_4 iter_args(%scan3A_8 = %scan3A) -> (i32)  : i32 {
      %get3A = arith.index_cast %scan3A_7 : i32 to index
      %get3A_9 = arith.constant 0 : index
      %get3A_10 = tpu.vector_load %arg6[%get3A, %get3A_9] {strides = array<i32>} : memref<125x80xi32, #tpu.memory_space<vmem>>, vector<16xi32>,
      %gather3A = tpu.vector_load_idx %arg8[%get3A_10] : memref<10240xf32, #tpu.memory_space<vmem>>[vector<16xi32>], vector<16xf32>,
      %get3A_11 = arith.index_cast %scan3A_7 : i32 to index
      %get3A_12 = arith.constant 0 : index
      %get3A_13 = tpu.vector_load %arg7[%get3A_11, %get3A_12] {strides = array<i32>} : memref<125x80xi32, #tpu.memory_space<vmem>>, vector<16xi32>,
      %gather3A_14 = tpu.vector_load_idx %arg8[%get3A_13] : memref<10240xf32, #tpu.memory_space<vmem>>[vector<16xi32>], vector<16xf32>,
      %add3A_15 = arith.addf %gather3A, %gather3A_14 : vector<16xf32>
      %neg3A = arith.constant 0.000000e+00 : f32
      %neg3A_16 = vector.broadcast %neg3A : f32 to vector<16xf32>
      %neg3A_17 = arith.subf %neg3A_16, %add3A_15 : vector<16xf32>
      %exp3A = math.exp %neg3A_17 : vector<16xf32>
      %add3A_18 = arith.constant 1.000000e+00 : f32
      %add3A_19 = vector.broadcast %add3A_18 : f32 to vector<16xf32>
      %add3A_20 = arith.addf %add3A_19, %exp3A : vector<16xf32>
      %div3A = arith.constant 1.000000e+00 : f32
      %div3A_21 = vector.broadcast %div3A : f32 to vector<16xf32>
      %div3A_22 = arith.divf %div3A_21, %add3A_20 : vector<16xf32>
      %mul3A_23 = arith.constant 80 : i32
      %mul3A_24 = arith.muli %scan3A_7, %mul3A_23 : i32
      %add3A_25 = arith.constant 0 : i32
      %add3A_26 = arith.addi %mul3A_24, %add3A_25 : i32
      %swap3A = arith.index_cast %add3A_26 : i32 to index
      %swap3A_27 = tpu.vector_load %arg9[%swap3A] {strides = array<i32>} : memref<10000xf32, #tpu.memory_space<vmem>>, vector<16xf32>,
      tpu.vector_store %arg9[%swap3A], %div3A_22 {strides = array<i32>} : memref<10000xf32, #tpu.memory_space<vmem>>, vector<16xf32>,
      %get3A_28 = arith.index_cast %scan3A_7 : i32 to index
      %get3A_29 = arith.constant 16 : index
      %get3A_30 = tpu.vector_load %arg6[%get3A_28, %get3A_29] {strides = array<i32>} : memref<125x80xi32, #tpu.memory_space<vmem>>, vector<16xi32>,
      %gather3A_31 = tpu.vector_load_idx %arg8[%get3A_30] : memref<10240xf32, #tpu.memory_space<vmem>>[vector<16xi32>], vector<16xf32>,
      %get3A_32 = arith.index_cast %scan3A_7 : i32 to index
      %get3A_33 = arith.constant 16 : index
      %get3A_34 = tpu.vector_load %arg7[%get3A_32, %get3A_33] {strides = array<i32>} : memref<125x80xi32, #tpu.memory_space<vmem>>, vector<16xi32>,
      %gather3A_35 = tpu.vector_load_idx %arg8[%get3A_34] : memref<10240xf32, #tpu.memory_space<vmem>>[vector<16xi32>], vector<16xf32>,
      %add3A_36 = arith.addf %gather3A_31, %gather3A_35 : vector<16xf32>
      %neg3A_37 = arith.constant 0.000000e+00 : f32
      %neg3A_38 = vector.broadcast %neg3A_37 : f32 to vector<16xf32>
      %neg3A_39 = arith.subf %neg3A_38, %add3A_36 : vector<16xf32>
      %exp3A_40 = math.exp %neg3A_39 : vector<16xf32>
      %add3A_41 = arith.constant 1.000000e+00 : f32
      %add3A_42 = vector.broadcast %add3A_41 : f32 to vector<16xf32>
      %add3A_43 = arith.addf %add3A_42, %exp3A_40 : vector<16xf32>
      %div3A_44 = arith.constant 1.000000e+00 : f32
      %div3A_45 = vector.broadcast %div3A_44 : f32 to vector<16xf32>
      %div3A_46 = arith.divf %div3A_45, %add3A_43 : vector<16xf32>
      %mul3A_47 = arith.constant 80 : i32
      %mul3A_48 = arith.muli %scan3A_7, %mul3A_47 : i32
      %add3A_49 = arith.constant 16 : i32
      %add3A_50 = arith.addi %mul3A_48, %add3A_49 : i32
      %swap3A_51 = arith.index_cast %add3A_50 : i32 to index
      %swap3A_52 = tpu.vector_load %arg9[%swap3A_51] {strides = array<i32>} : memref<10000xf32, #tpu.memory_space<vmem>>, vector<16xf32>,
      tpu.vector_store %arg9[%swap3A_51], %div3A_46 {strides = array<i32>} : memref<10000xf32, #tpu.memory_space<vmem>>, vector<16xf32>,
      %get3A_53 = arith.index_cast %scan3A_7 : i32 to index
      %get3A_54 = arith.constant 32 : index
      %get3A_55 = tpu.vector_load %arg6[%get3A_53, %get3A_54] {strides = array<i32>} : memref<125x80xi32, #tpu.memory_space<vmem>>, vector<16xi32>,
      %gather3A_56 = tpu.vector_load_idx %arg8[%get3A_55] : memref<10240xf32, #tpu.memory_space<vmem>>[vector<16xi32>], vector<16xf32>,
      %get3A_57 = arith.index_cast %scan3A_7 : i32 to index
      %get3A_58 = arith.constant 32 : index
      %get3A_59 = tpu.vector_load %arg7[%get3A_57, %get3A_58] {strides = array<i32>} : memref<125x80xi32, #tpu.memory_space<vmem>>, vector<16xi32>,
      %gather3A_60 = tpu.vector_load_idx %arg8[%get3A_59] : memref<10240xf32, #tpu.memory_space<vmem>>[vector<16xi32>], vector<16xf32>,
      %add3A_61 = arith.addf %gather3A_56, %gather3A_60 : vector<16xf32>
      %neg3A_62 = arith.constant 0.000000e+00 : f32
      %neg3A_63 = vector.broadcast %neg3A_62 : f32 to vector<16xf32>
      %neg3A_64 = arith.subf %neg3A_63, %add3A_61 : vector<16xf32>
      %exp3A_65 = math.exp %neg3A_64 : vector<16xf32>
      %add3A_66 = arith.constant 1.000000e+00 : f32
      %add3A_67 = vector.broadcast %add3A_66 : f32 to vector<16xf32>
      %add3A_68 = arith.addf %add3A_67, %exp3A_65 : vector<16xf32>
      %div3A_69 = arith.constant 1.000000e+00 : f32
      %div3A_70 = vector.broadcast %div3A_69 : f32 to vector<16xf32>
      %div3A_71 = arith.divf %div3A_70, %add3A_68 : vector<16xf32>
      %mul3A_72 = arith.constant 80 : i32
      %mul3A_73 = arith.muli %scan3A_7, %mul3A_72 : i32
      %add3A_74 = arith.constant 32 : i32
      %add3A_75 = arith.addi %mul3A_73, %add3A_74 : i32
      %swap3A_76 = arith.index_cast %add3A_75 : i32 to index
      %swap3A_77 = tpu.vector_load %arg9[%swap3A_76] {strides = array<i32>} : memref<10000xf32, #tpu.memory_space<vmem>>, vector<16xf32>,
      tpu.vector_store %arg9[%swap3A_76], %div3A_71 {strides = array<i32>} : memref<10000xf32, #tpu.memory_space<vmem>>, vector<16xf32>,
      %get3A_78 = arith.index_cast %scan3A_7 : i32 to index
      %get3A_79 = arith.constant 48 : index
      %get3A_80 = tpu.vector_load %arg6[%get3A_78, %get3A_79] {strides = array<i32>} : memref<125x80xi32, #tpu.memory_space<vmem>>, vector<16xi32>,
      %gather3A_81 = tpu.vector_load_idx %arg8[%get3A_80] : memref<10240xf32, #tpu.memory_space<vmem>>[vector<16xi32>], vector<16xf32>,
      %get3A_82 = arith.index_cast %scan3A_7 : i32 to index
      %get3A_83 = arith.constant 48 : index
      %get3A_84 = tpu.vector_load %arg7[%get3A_82, %get3A_83] {strides = array<i32>} : memref<125x80xi32, #tpu.memory_space<vmem>>, vector<16xi32>,
      %gather3A_85 = tpu.vector_load_idx %arg8[%get3A_84] : memref<10240xf32, #tpu.memory_space<vmem>>[vector<16xi32>], vector<16xf32>,
      %add3A_86 = arith.addf %gather3A_81, %gather3A_85 : vector<16xf32>
      %neg3A_87 = arith.constant 0.000000e+00 : f32
      %neg3A_88 = vector.broadcast %neg3A_87 : f32 to vector<16xf32>
      %neg3A_89 = arith.subf %neg3A_88, %add3A_86 : vector<16xf32>
      %exp3A_90 = math.exp %neg3A_89 : vector<16xf32>
      %add3A_91 = arith.constant 1.000000e+00 : f32
      %add3A_92 = vector.broadcast %add3A_91 : f32 to vector<16xf32>
      %add3A_93 = arith.addf %add3A_92, %exp3A_90 : vector<16xf32>
      %div3A_94 = arith.constant 1.000000e+00 : f32
      %div3A_95 = vector.broadcast %div3A_94 : f32 to vector<16xf32>
      %div3A_96 = arith.divf %div3A_95, %add3A_93 : vector<16xf32>
      %mul3A_97 = arith.constant 80 : i32
      %mul3A_98 = arith.muli %scan3A_7, %mul3A_97 : i32
      %add3A_99 = arith.constant 48 : i32
      %add3A_100 = arith.addi %mul3A_98, %add3A_99 : i32
      %swap3A_101 = arith.index_cast %add3A_100 : i32 to index
      %swap3A_102 = tpu.vector_load %arg9[%swap3A_101] {strides = array<i32>} : memref<10000xf32, #tpu.memory_space<vmem>>, vector<16xf32>,
      tpu.vector_store %arg9[%swap3A_101], %div3A_96 {strides = array<i32>} : memref<10000xf32, #tpu.memory_space<vmem>>, vector<16xf32>,
      %get3A_103 = arith.index_cast %scan3A_7 : i32 to index
      %get3A_104 = arith.constant 64 : index
      %get3A_105 = tpu.vector_load %arg6[%get3A_103, %get3A_104] {strides = array<i32>} : memref<125x80xi32, #tpu.memory_space<vmem>>, vector<16xi32>,
      %gather3A_106 = tpu.vector_load_idx %arg8[%get3A_105] : memref<10240xf32, #tpu.memory_space<vmem>>[vector<16xi32>], vector<16xf32>,
      %get3A_107 = arith.index_cast %scan3A_7 : i32 to index
      %get3A_108 = arith.constant 64 : index
      %get3A_109 = tpu.vector_load %arg7[%get3A_107, %get3A_108] {strides = array<i32>} : memref<125x80xi32, #tpu.memory_space<vmem>>, vector<16xi32>,
      %gather3A_110 = tpu.vector_load_idx %arg8[%get3A_109] : memref<10240xf32, #tpu.memory_space<vmem>>[vector<16xi32>], vector<16xf32>,
      %add3A_111 = arith.addf %gather3A_106, %gather3A_110 : vector<16xf32>
      %neg3A_112 = arith.constant 0.000000e+00 : f32
      %neg3A_113 = vector.broadcast %neg3A_112 : f32 to vector<16xf32>
      %neg3A_114 = arith.subf %neg3A_113, %add3A_111 : vector<16xf32>
      %exp3A_115 = math.exp %neg3A_114 : vector<16xf32>
      %add3A_116 = arith.constant 1.000000e+00 : f32
      %add3A_117 = vector.broadcast %add3A_116 : f32 to vector<16xf32>
      %add3A_118 = arith.addf %add3A_117, %exp3A_115 : vector<16xf32>
      %div3A_119 = arith.constant 1.000000e+00 : f32
      %div3A_120 = vector.broadcast %div3A_119 : f32 to vector<16xf32>
      %div3A_121 = arith.divf %div3A_120, %add3A_118 : vector<16xf32>
      %mul3A_122 = arith.constant 80 : i32
      %mul3A_123 = arith.muli %scan3A_7, %mul3A_122 : i32
      %add3A_124 = arith.constant 64 : i32
      %add3A_125 = arith.addi %mul3A_123, %add3A_124 : i32
      %swap3A_126 = arith.index_cast %add3A_125 : i32 to index
      %swap3A_127 = tpu.vector_load %arg9[%swap3A_126] {strides = array<i32>} : memref<10000xf32, #tpu.memory_space<vmem>>, vector<16xf32>,
      tpu.vector_store %arg9[%swap3A_126], %div3A_121 {strides = array<i32>} : memref<10000xf32, #tpu.memory_space<vmem>>, vector<16xf32>,
      %scan3A_128 = arith.constant 0 : i32
      scf.yield %scan3A_128 : i32
    }
    %scan3A_6 = arith.constant 125 : i32
    "tpu.region"() ({
      %run_scoped3A = tpu.sem_alloc : memref<!tpu.dma_semaphore, #tpu.memory_space<semaphore_mem>>
      %dma_start3A = arith.constant 0 : i32
      %dma_start3A_7 = tpu.memref_slice %arg5[%add3A, %dma_start3A] : memref<32x10000xf32, #tpu.memory_space<hbm>> -> memref<1x10000xf32, #tpu.memory_space<hbm>>
      %dma_start3A_8 = tpu.memref_squeeze %dma_start3A_7 : memref<1x10000xf32, #tpu.memory_space<hbm>> -> memref<10000xf32, #tpu.memory_space<hbm>>
      %dma_start3A_9 = arith.constant 0 : i32
      %dma_start3A_10 = tpu.memref_slice %arg5[%add3A, %dma_start3A_9] : memref<32x10000xf32, #tpu.memory_space<hbm>> -> memref<1x10000xf32, #tpu.memory_space<hbm>>
      %dma_start3A_11 = tpu.memref_squeeze %dma_start3A_10 : memref<1x10000xf32, #tpu.memory_space<hbm>> -> memref<10000xf32, #tpu.memory_space<hbm>>
      tpu.enqueue_dma source(%arg9 : memref<10000xf32, #tpu.memory_space<vmem>>) target(%dma_start3A_11 : memref<10000xf32, #tpu.memory_space<hbm>>) target_semaphore(%run_scoped3A : memref<!tpu.dma_semaphore, #tpu.memory_space<semaphore_mem>>)
      %dma_wait3A = arith.constant 0 : i32
      %dma_wait3A_12 = tpu.memref_slice %arg5[%add3A, %dma_wait3A] : memref<32x10000xf32, #tpu.memory_space<hbm>> -> memref<1x10000xf32, #tpu.memory_space<hbm>>
      %dma_wait3A_13 = tpu.memref_squeeze %dma_wait3A_12 : memref<1x10000xf32, #tpu.memory_space<hbm>> -> memref<10000xf32, #tpu.memory_space<hbm>>
      %dma_wait3A_14 = arith.constant 0 : i32
      %dma_wait3A_15 = tpu.memref_slice %arg5[%add3A, %dma_wait3A_14] : memref<32x10000xf32, #tpu.memory_space<hbm>> -> memref<1x10000xf32, #tpu.memory_space<hbm>>
      %dma_wait3A_16 = tpu.memref_squeeze %dma_wait3A_15 : memref<1x10000xf32, #tpu.memory_space<hbm>> -> memref<10000xf32, #tpu.memory_space<hbm>>
      tpu.wait_dma2 semaphore(%run_scoped3A : memref<!tpu.dma_semaphore, #tpu.memory_space<semaphore_mem>>) src(%arg9 : memref<10000xf32, #tpu.memory_space<vmem>>) dst(%dma_wait3A_16 : memref<10000xf32, #tpu.memory_space<hbm>>)
      tpu.yield
    }) : () -> ()
    return
  }
}

#map = affine_map<(d0, d1) -> (0, 0, 0)>
#map1 = affine_map<(d0, d1) -> (0)>
#map2 = affine_map<(d0, d1) -> (0, 0)>
module attributes {stable_mosaic.version = 14 : i64} {
  func.func @body(%arg0: i32, %arg1: i32, %arg2: memref<32x125x80xi32, #tpu.memory_space<hbm>>, %arg3: memref<32x125x80xi32, #tpu.memory_space<hbm>>, %arg4: memref<32x125x80xf32, #tpu.memory_space<hbm>>, %arg5: memref<10240xf32, #tpu.memory_space<hbm>>, %arg6: memref<10240xf32, #tpu.memory_space<hbm>>, %arg7: memref<10240x128xf32, #tpu.memory_space<hbm>>, %arg8: memref<2x10240x128xf32, #tpu.memory_space<hbm>>, %arg9: memref<2x10240xf32, #tpu.memory_space<hbm>>, %arg10: memref<2x10240xf32, #tpu.memory_space<hbm>>, %arg11: memref<2x10240xf32, #tpu.memory_space<hbm>>, %arg12: memref<3x80xi32, #tpu.memory_space<vmem>>, %arg13: memref<3x80xi32, #tpu.memory_space<vmem>>, %arg14: memref<3x80xf32, #tpu.memory_space<vmem>>, %arg15: memref<10240xf32, #tpu.memory_space<vmem>>, %arg16: memref<10240xf32, #tpu.memory_space<vmem>>, %arg17: memref<2x80x128xf32, #tpu.memory_space<vmem>>, %arg18: memref<2x80xf32, #tpu.memory_space<vmem>>, %arg19: memref<80xf32, #tpu.memory_space<vmem>>, %arg20: memref<10240x128xf32, #tpu.memory_space<vmem_shared>>, %arg21: memref<10240xf32, #tpu.memory_space<vmem_shared>>, %arg22: memref<10240xf32, #tpu.memory_space<vmem_shared>>, %arg23: memref<10240xf32, #tpu.memory_space<vmem_shared>>, %arg24: memref<!tpu.dma_semaphore, #tpu.memory_space<semaphore_mem>>, %arg25: memref<!tpu.dma_semaphore, #tpu.memory_space<semaphore_mem>>, %arg26: memref<!tpu.dma_semaphore, #tpu.memory_space<semaphore_mem>>) attributes {dimension_semantics = [#tpu.dimension_semantics<core_parallel>, #tpu.dimension_semantics<subcore_parallel>], iteration_bounds = array<i64: 2, 16>, scalar_prefetch = 0 : i64, scratch_operands = 15 : i64, tpu.core_type = #tpu.core_type<sc_vector_subcore>, window_params = [{transform_indices = #map}, {transform_indices = #map}, {transform_indices = #map}, {transform_indices = #map1}, {transform_indices = #map1}, {transform_indices = #map2}, {transform_indices = #map}, {transform_indices = #map2}, {transform_indices = #map2}, {transform_indices = #map2}]} {
    %mul3A = arith.constant 16 : i32
    %mul3A_0 = arith.muli %arg0, %mul3A : i32
    %add3A = arith.addi %mul3A_0, %arg1 : i32
    "tpu.region"() ({
      %run_scoped3A = tpu.sem_alloc : memref<!tpu.dma_semaphore, #tpu.memory_space<semaphore_mem>>
      tpu.enqueue_dma source(%arg5 : memref<10240xf32, #tpu.memory_space<hbm>>) target(%arg15 : memref<10240xf32, #tpu.memory_space<vmem>>) target_semaphore(%run_scoped3A : memref<!tpu.dma_semaphore, #tpu.memory_space<semaphore_mem>>)
      tpu.wait_dma2 semaphore(%run_scoped3A : memref<!tpu.dma_semaphore, #tpu.memory_space<semaphore_mem>>) src(%arg5 : memref<10240xf32, #tpu.memory_space<hbm>>) dst(%arg15 : memref<10240xf32, #tpu.memory_space<vmem>>)
      tpu.yield
    }) : () -> ()
    "tpu.region"() ({
      %run_scoped3A = tpu.sem_alloc : memref<!tpu.dma_semaphore, #tpu.memory_space<semaphore_mem>>
      tpu.enqueue_dma source(%arg6 : memref<10240xf32, #tpu.memory_space<hbm>>) target(%arg16 : memref<10240xf32, #tpu.memory_space<vmem>>) target_semaphore(%run_scoped3A : memref<!tpu.dma_semaphore, #tpu.memory_space<semaphore_mem>>)
      tpu.wait_dma2 semaphore(%run_scoped3A : memref<!tpu.dma_semaphore, #tpu.memory_space<semaphore_mem>>) src(%arg6 : memref<10240xf32, #tpu.memory_space<hbm>>) dst(%arg16 : memref<10240xf32, #tpu.memory_space<vmem>>)
      tpu.yield
    }) : () -> ()
    %broadcast_in_dim3A = arith.constant 0.000000e+00 : f32
    %broadcast_in_dim3A_1 = vector.broadcast %broadcast_in_dim3A : f32 to vector<16xf32>
    %scan3A = arith.constant 0 : i32
    %scan3A_2 = arith.constant 0 : i32
    %scan3A_3 = arith.constant 80 : i32
    %scan3A_4 = arith.addi %scan3A_2, %scan3A_3 : i32
    %scan3A_5 = arith.constant 1 : i32
    %scan3A_6 = scf.for %scan3A_188 = %scan3A_2 to %scan3A_4 step %scan3A_5 iter_args(%scan3A_189 = %scan3A) -> (i32)  : i32 {
      %swap3A_190 = arith.constant 0 : i32
      %swap3A_191 = arith.index_cast %swap3A_190 : i32 to index
      %swap3A_192 = arith.index_cast %scan3A_188 : i32 to index
      %swap3A_193 = arith.constant 0 : index
      %swap3A_194 = tpu.vector_load %arg17[%swap3A_191, %swap3A_192, %swap3A_193] {strides = array<i32>} : memref<2x80x128xf32, #tpu.memory_space<vmem>>, vector<16xf32>,
      tpu.vector_store %arg17[%swap3A_191, %swap3A_192, %swap3A_193], %broadcast_in_dim3A_1 {strides = array<i32>} : memref<2x80x128xf32, #tpu.memory_space<vmem>>, vector<16xf32>,
      %swap3A_195 = arith.constant 0 : i32
      %swap3A_196 = arith.index_cast %swap3A_195 : i32 to index
      %swap3A_197 = arith.index_cast %scan3A_188 : i32 to index
      %swap3A_198 = arith.constant 16 : index
      %swap3A_199 = tpu.vector_load %arg17[%swap3A_196, %swap3A_197, %swap3A_198] {strides = array<i32>} : memref<2x80x128xf32, #tpu.memory_space<vmem>>, vector<16xf32>,
      tpu.vector_store %arg17[%swap3A_196, %swap3A_197, %swap3A_198], %broadcast_in_dim3A_1 {strides = array<i32>} : memref<2x80x128xf32, #tpu.memory_space<vmem>>, vector<16xf32>,
      %swap3A_200 = arith.constant 0 : i32
      %swap3A_201 = arith.index_cast %swap3A_200 : i32 to index
      %swap3A_202 = arith.index_cast %scan3A_188 : i32 to index
      %swap3A_203 = arith.constant 32 : index
      %swap3A_204 = tpu.vector_load %arg17[%swap3A_201, %swap3A_202, %swap3A_203] {strides = array<i32>} : memref<2x80x128xf32, #tpu.memory_space<vmem>>, vector<16xf32>,
      tpu.vector_store %arg17[%swap3A_201, %swap3A_202, %swap3A_203], %broadcast_in_dim3A_1 {strides = array<i32>} : memref<2x80x128xf32, #tpu.memory_space<vmem>>, vector<16xf32>,
      %swap3A_205 = arith.constant 0 : i32
      %swap3A_206 = arith.index_cast %swap3A_205 : i32 to index
      %swap3A_207 = arith.index_cast %scan3A_188 : i32 to index
      %swap3A_208 = arith.constant 48 : index
      %swap3A_209 = tpu.vector_load %arg17[%swap3A_206, %swap3A_207, %swap3A_208] {strides = array<i32>} : memref<2x80x128xf32, #tpu.memory_space<vmem>>, vector<16xf32>,
      tpu.vector_store %arg17[%swap3A_206, %swap3A_207, %swap3A_208], %broadcast_in_dim3A_1 {strides = array<i32>} : memref<2x80x128xf32, #tpu.memory_space<vmem>>, vector<16xf32>,
      %swap3A_210 = arith.constant 0 : i32
      %swap3A_211 = arith.index_cast %swap3A_210 : i32 to index
      %swap3A_212 = arith.index_cast %scan3A_188 : i32 to index
      %swap3A_213 = arith.constant 64 : index
      %swap3A_214 = tpu.vector_load %arg17[%swap3A_211, %swap3A_212, %swap3A_213] {strides = array<i32>} : memref<2x80x128xf32, #tpu.memory_space<vmem>>, vector<16xf32>,
      tpu.vector_store %arg17[%swap3A_211, %swap3A_212, %swap3A_213], %broadcast_in_dim3A_1 {strides = array<i32>} : memref<2x80x128xf32, #tpu.memory_space<vmem>>, vector<16xf32>,
      %swap3A_215 = arith.constant 0 : i32
      %swap3A_216 = arith.index_cast %swap3A_215 : i32 to index
      %swap3A_217 = arith.index_cast %scan3A_188 : i32 to index
      %swap3A_218 = arith.constant 80 : index
      %swap3A_219 = tpu.vector_load %arg17[%swap3A_216, %swap3A_217, %swap3A_218] {strides = array<i32>} : memref<2x80x128xf32, #tpu.memory_space<vmem>>, vector<16xf32>,
      tpu.vector_store %arg17[%swap3A_216, %swap3A_217, %swap3A_218], %broadcast_in_dim3A_1 {strides = array<i32>} : memref<2x80x128xf32, #tpu.memory_space<vmem>>, vector<16xf32>,
      %swap3A_220 = arith.constant 0 : i32
      %swap3A_221 = arith.index_cast %swap3A_220 : i32 to index
      %swap3A_222 = arith.index_cast %scan3A_188 : i32 to index
      %swap3A_223 = arith.constant 96 : index
      %swap3A_224 = tpu.vector_load %arg17[%swap3A_221, %swap3A_222, %swap3A_223] {strides = array<i32>} : memref<2x80x128xf32, #tpu.memory_space<vmem>>, vector<16xf32>,
      tpu.vector_store %arg17[%swap3A_221, %swap3A_222, %swap3A_223], %broadcast_in_dim3A_1 {strides = array<i32>} : memref<2x80x128xf32, #tpu.memory_space<vmem>>, vector<16xf32>,
      %swap3A_225 = arith.constant 0 : i32
      %swap3A_226 = arith.index_cast %swap3A_225 : i32 to index
      %swap3A_227 = arith.index_cast %scan3A_188 : i32 to index
      %swap3A_228 = arith.constant 112 : index
      %swap3A_229 = tpu.vector_load %arg17[%swap3A_226, %swap3A_227, %swap3A_228] {strides = array<i32>} : memref<2x80x128xf32, #tpu.memory_space<vmem>>, vector<16xf32>,
      tpu.vector_store %arg17[%swap3A_226, %swap3A_227, %swap3A_228], %broadcast_in_dim3A_1 {strides = array<i32>} : memref<2x80x128xf32, #tpu.memory_space<vmem>>, vector<16xf32>,
      %scan3A_230 = arith.constant 0 : i32
      scf.yield %scan3A_230 : i32
    }
    %scan3A_7 = arith.constant 80 : i32
    %swap3A = arith.constant 0 : i32
    %swap3A_8 = arith.index_cast %swap3A : i32 to index
    %swap3A_9 = arith.constant 0 : index
    %swap3A_10 = tpu.vector_load %arg18[%swap3A_8, %swap3A_9] {strides = array<i32>} : memref<2x80xf32, #tpu.memory_space<vmem>>, vector<16xf32>,
    tpu.vector_store %arg18[%swap3A_8, %swap3A_9], %broadcast_in_dim3A_1 {strides = array<i32>} : memref<2x80xf32, #tpu.memory_space<vmem>>, vector<16xf32>,
    %swap3A_11 = arith.constant 0 : i32
    %swap3A_12 = arith.index_cast %swap3A_11 : i32 to index
    %swap3A_13 = arith.constant 16 : index
    %swap3A_14 = tpu.vector_load %arg18[%swap3A_12, %swap3A_13] {strides = array<i32>} : memref<2x80xf32, #tpu.memory_space<vmem>>, vector<16xf32>,
    tpu.vector_store %arg18[%swap3A_12, %swap3A_13], %broadcast_in_dim3A_1 {strides = array<i32>} : memref<2x80xf32, #tpu.memory_space<vmem>>, vector<16xf32>,
    %swap3A_15 = arith.constant 0 : i32
    %swap3A_16 = arith.index_cast %swap3A_15 : i32 to index
    %swap3A_17 = arith.constant 32 : index
    %swap3A_18 = tpu.vector_load %arg18[%swap3A_16, %swap3A_17] {strides = array<i32>} : memref<2x80xf32, #tpu.memory_space<vmem>>, vector<16xf32>,
    tpu.vector_store %arg18[%swap3A_16, %swap3A_17], %broadcast_in_dim3A_1 {strides = array<i32>} : memref<2x80xf32, #tpu.memory_space<vmem>>, vector<16xf32>,
    %swap3A_19 = arith.constant 0 : i32
    %swap3A_20 = arith.index_cast %swap3A_19 : i32 to index
    %swap3A_21 = arith.constant 48 : index
    %swap3A_22 = tpu.vector_load %arg18[%swap3A_20, %swap3A_21] {strides = array<i32>} : memref<2x80xf32, #tpu.memory_space<vmem>>, vector<16xf32>,
    tpu.vector_store %arg18[%swap3A_20, %swap3A_21], %broadcast_in_dim3A_1 {strides = array<i32>} : memref<2x80xf32, #tpu.memory_space<vmem>>, vector<16xf32>,
    %swap3A_23 = arith.constant 0 : i32
    %swap3A_24 = arith.index_cast %swap3A_23 : i32 to index
    %swap3A_25 = arith.constant 64 : index
    %swap3A_26 = tpu.vector_load %arg18[%swap3A_24, %swap3A_25] {strides = array<i32>} : memref<2x80xf32, #tpu.memory_space<vmem>>, vector<16xf32>,
    tpu.vector_store %arg18[%swap3A_24, %swap3A_25], %broadcast_in_dim3A_1 {strides = array<i32>} : memref<2x80xf32, #tpu.memory_space<vmem>>, vector<16xf32>,
    %scan3A_27 = arith.constant 0 : i32
    %scan3A_28 = arith.constant 0 : i32
    %scan3A_29 = arith.constant 8 : i32
    %scan3A_30 = arith.addi %scan3A_28, %scan3A_29 : i32
    %scan3A_31 = arith.constant 1 : i32
    %scan3A_32 = scf.for %scan3A_188 = %scan3A_28 to %scan3A_30 step %scan3A_31 iter_args(%scan3A_189 = %scan3A_27) -> (i32)  : i32 {
      %mul3A_190 = arith.constant 640 : i32
      %mul3A_191 = arith.muli %arg1, %mul3A_190 : i32
      %mul3A_192 = arith.constant 80 : i32
      %mul3A_193 = arith.muli %scan3A_188, %mul3A_192 : i32
      %add3A_194 = arith.addi %mul3A_191, %mul3A_193 : i32
      %run_scoped3A = arith.constant 0 : i32
      "tpu.region"() ({
        %run_scoped3A_199 = tpu.sem_alloc : memref<!tpu.dma_semaphore, #tpu.memory_space<semaphore_mem>>
        %dma_start3A_200 = arith.constant 0 : i32
        %dma_start3A_201 = arith.constant 0 : i32
        %dma_start3A_202 = tpu.memref_slice %arg17[%run_scoped3A, %dma_start3A_200, %dma_start3A_201] : memref<2x80x128xf32, #tpu.memory_space<vmem>> -> memref<1x80x128xf32, #tpu.memory_space<vmem>>
        %dma_start3A_203 = tpu.memref_squeeze %dma_start3A_202 : memref<1x80x128xf32, #tpu.memory_space<vmem>> -> memref<80x128xf32, #tpu.memory_space<vmem>>
        %dma_start3A_204 = arith.constant 0 : i32
        %dma_start3A_205 = tpu.memref_slice %arg20[%add3A_194, %dma_start3A_204] : memref<10240x128xf32, #tpu.memory_space<vmem_shared>> -> memref<80x128xf32, #tpu.memory_space<vmem_shared>>
        %dma_start3A_206 = arith.constant 0 : i32
        %dma_start3A_207 = tpu.memref_slice %arg20[%add3A_194, %dma_start3A_206] : memref<10240x128xf32, #tpu.memory_space<vmem_shared>> -> memref<80x128xf32, #tpu.memory_space<vmem_shared>>
        %dma_start3A_208 = arith.constant 0 : i32
        %dma_start3A_209 = arith.constant 0 : i32
        %dma_start3A_210 = tpu.memref_slice %arg17[%run_scoped3A, %dma_start3A_208, %dma_start3A_209] : memref<2x80x128xf32, #tpu.memory_space<vmem>> -> memref<1x80x128xf32, #tpu.memory_space<vmem>>
        %dma_start3A_211 = tpu.memref_squeeze %dma_start3A_210 : memref<1x80x128xf32, #tpu.memory_space<vmem>> -> memref<80x128xf32, #tpu.memory_space<vmem>>
        tpu.enqueue_dma source(%dma_start3A_211 : memref<80x128xf32, #tpu.memory_space<vmem>>) target(%dma_start3A_207 : memref<80x128xf32, #tpu.memory_space<vmem_shared>>) target_semaphore(%run_scoped3A_199 : memref<!tpu.dma_semaphore, #tpu.memory_space<semaphore_mem>>)
        %dma_wait3A_212 = arith.constant 0 : i32
        %dma_wait3A_213 = arith.constant 0 : i32
        %dma_wait3A_214 = tpu.memref_slice %arg17[%run_scoped3A, %dma_wait3A_212, %dma_wait3A_213] : memref<2x80x128xf32, #tpu.memory_space<vmem>> -> memref<1x80x128xf32, #tpu.memory_space<vmem>>
        %dma_wait3A_215 = tpu.memref_squeeze %dma_wait3A_214 : memref<1x80x128xf32, #tpu.memory_space<vmem>> -> memref<80x128xf32, #tpu.memory_space<vmem>>
        %dma_wait3A_216 = arith.constant 0 : i32
        %dma_wait3A_217 = tpu.memref_slice %arg20[%add3A_194, %dma_wait3A_216] : memref<10240x128xf32, #tpu.memory_space<vmem_shared>> -> memref<80x128xf32, #tpu.memory_space<vmem_shared>>
        %dma_wait3A_218 = arith.constant 0 : i32
        %dma_wait3A_219 = tpu.memref_slice %arg20[%add3A_194, %dma_wait3A_218] : memref<10240x128xf32, #tpu.memory_space<vmem_shared>> -> memref<80x128xf32, #tpu.memory_space<vmem_shared>>
        %dma_wait3A_220 = arith.constant 0 : i32
        %dma_wait3A_221 = arith.constant 0 : i32
        %dma_wait3A_222 = tpu.memref_slice %arg17[%run_scoped3A, %dma_wait3A_220, %dma_wait3A_221] : memref<2x80x128xf32, #tpu.memory_space<vmem>> -> memref<1x80x128xf32, #tpu.memory_space<vmem>>
        %dma_wait3A_223 = tpu.memref_squeeze %dma_wait3A_222 : memref<1x80x128xf32, #tpu.memory_space<vmem>> -> memref<80x128xf32, #tpu.memory_space<vmem>>
        tpu.wait_dma2 semaphore(%run_scoped3A_199 : memref<!tpu.dma_semaphore, #tpu.memory_space<semaphore_mem>>) src(%dma_wait3A_223 : memref<80x128xf32, #tpu.memory_space<vmem>>) dst(%dma_wait3A_219 : memref<80x128xf32, #tpu.memory_space<vmem_shared>>)
        tpu.yield
      }) : () -> ()
      %run_scoped3A_195 = arith.constant 0 : i32
      "tpu.region"() ({
        %run_scoped3A_199 = tpu.sem_alloc : memref<!tpu.dma_semaphore, #tpu.memory_space<semaphore_mem>>
        %dma_start3A_200 = arith.constant 0 : i32
        %dma_start3A_201 = tpu.memref_slice %arg18[%run_scoped3A_195, %dma_start3A_200] : memref<2x80xf32, #tpu.memory_space<vmem>> -> memref<1x80xf32, #tpu.memory_space<vmem>>
        %dma_start3A_202 = tpu.memref_squeeze %dma_start3A_201 : memref<1x80xf32, #tpu.memory_space<vmem>> -> memref<80xf32, #tpu.memory_space<vmem>>
        %dma_start3A_203 = tpu.memref_slice %arg21[%add3A_194] : memref<10240xf32, #tpu.memory_space<vmem_shared>> -> memref<80xf32, #tpu.memory_space<vmem_shared>>
        %dma_start3A_204 = tpu.memref_slice %arg21[%add3A_194] : memref<10240xf32, #tpu.memory_space<vmem_shared>> -> memref<80xf32, #tpu.memory_space<vmem_shared>>
        %dma_start3A_205 = arith.constant 0 : i32
        %dma_start3A_206 = tpu.memref_slice %arg18[%run_scoped3A_195, %dma_start3A_205] : memref<2x80xf32, #tpu.memory_space<vmem>> -> memref<1x80xf32, #tpu.memory_space<vmem>>
        %dma_start3A_207 = tpu.memref_squeeze %dma_start3A_206 : memref<1x80xf32, #tpu.memory_space<vmem>> -> memref<80xf32, #tpu.memory_space<vmem>>
        tpu.enqueue_dma source(%dma_start3A_207 : memref<80xf32, #tpu.memory_space<vmem>>) target(%dma_start3A_204 : memref<80xf32, #tpu.memory_space<vmem_shared>>) target_semaphore(%run_scoped3A_199 : memref<!tpu.dma_semaphore, #tpu.memory_space<semaphore_mem>>)
        %dma_wait3A_208 = arith.constant 0 : i32
        %dma_wait3A_209 = tpu.memref_slice %arg18[%run_scoped3A_195, %dma_wait3A_208] : memref<2x80xf32, #tpu.memory_space<vmem>> -> memref<1x80xf32, #tpu.memory_space<vmem>>
        %dma_wait3A_210 = tpu.memref_squeeze %dma_wait3A_209 : memref<1x80xf32, #tpu.memory_space<vmem>> -> memref<80xf32, #tpu.memory_space<vmem>>
        %dma_wait3A_211 = tpu.memref_slice %arg21[%add3A_194] : memref<10240xf32, #tpu.memory_space<vmem_shared>> -> memref<80xf32, #tpu.memory_space<vmem_shared>>
        %dma_wait3A_212 = tpu.memref_slice %arg21[%add3A_194] : memref<10240xf32, #tpu.memory_space<vmem_shared>> -> memref<80xf32, #tpu.memory_space<vmem_shared>>
        %dma_wait3A_213 = arith.constant 0 : i32
        %dma_wait3A_214 = tpu.memref_slice %arg18[%run_scoped3A_195, %dma_wait3A_213] : memref<2x80xf32, #tpu.memory_space<vmem>> -> memref<1x80xf32, #tpu.memory_space<vmem>>
        %dma_wait3A_215 = tpu.memref_squeeze %dma_wait3A_214 : memref<1x80xf32, #tpu.memory_space<vmem>> -> memref<80xf32, #tpu.memory_space<vmem>>
        tpu.wait_dma2 semaphore(%run_scoped3A_199 : memref<!tpu.dma_semaphore, #tpu.memory_space<semaphore_mem>>) src(%dma_wait3A_215 : memref<80xf32, #tpu.memory_space<vmem>>) dst(%dma_wait3A_212 : memref<80xf32, #tpu.memory_space<vmem_shared>>)
        tpu.yield
      }) : () -> ()
      %run_scoped3A_196 = arith.constant 0 : i32
      "tpu.region"() ({
        %run_scoped3A_199 = tpu.sem_alloc : memref<!tpu.dma_semaphore, #tpu.memory_space<semaphore_mem>>
        %dma_start3A_200 = arith.constant 0 : i32
        %dma_start3A_201 = tpu.memref_slice %arg18[%run_scoped3A_196, %dma_start3A_200] : memref<2x80xf32, #tpu.memory_space<vmem>> -> memref<1x80xf32, #tpu.memory_space<vmem>>
        %dma_start3A_202 = tpu.memref_squeeze %dma_start3A_201 : memref<1x80xf32, #tpu.memory_space<vmem>> -> memref<80xf32, #tpu.memory_space<vmem>>
        %dma_start3A_203 = tpu.memref_slice %arg22[%add3A_194] : memref<10240xf32, #tpu.memory_space<vmem_shared>> -> memref<80xf32, #tpu.memory_space<vmem_shared>>
        %dma_start3A_204 = tpu.memref_slice %arg22[%add3A_194] : memref<10240xf32, #tpu.memory_space<vmem_shared>> -> memref<80xf32, #tpu.memory_space<vmem_shared>>
        %dma_start3A_205 = arith.constant 0 : i32
        %dma_start3A_206 = tpu.memref_slice %arg18[%run_scoped3A_196, %dma_start3A_205] : memref<2x80xf32, #tpu.memory_space<vmem>> -> memref<1x80xf32, #tpu.memory_space<vmem>>
        %dma_start3A_207 = tpu.memref_squeeze %dma_start3A_206 : memref<1x80xf32, #tpu.memory_space<vmem>> -> memref<80xf32, #tpu.memory_space<vmem>>
        tpu.enqueue_dma source(%dma_start3A_207 : memref<80xf32, #tpu.memory_space<vmem>>) target(%dma_start3A_204 : memref<80xf32, #tpu.memory_space<vmem_shared>>) target_semaphore(%run_scoped3A_199 : memref<!tpu.dma_semaphore, #tpu.memory_space<semaphore_mem>>)
        %dma_wait3A_208 = arith.constant 0 : i32
        %dma_wait3A_209 = tpu.memref_slice %arg18[%run_scoped3A_196, %dma_wait3A_208] : memref<2x80xf32, #tpu.memory_space<vmem>> -> memref<1x80xf32, #tpu.memory_space<vmem>>
        %dma_wait3A_210 = tpu.memref_squeeze %dma_wait3A_209 : memref<1x80xf32, #tpu.memory_space<vmem>> -> memref<80xf32, #tpu.memory_space<vmem>>
        %dma_wait3A_211 = tpu.memref_slice %arg22[%add3A_194] : memref<10240xf32, #tpu.memory_space<vmem_shared>> -> memref<80xf32, #tpu.memory_space<vmem_shared>>
        %dma_wait3A_212 = tpu.memref_slice %arg22[%add3A_194] : memref<10240xf32, #tpu.memory_space<vmem_shared>> -> memref<80xf32, #tpu.memory_space<vmem_shared>>
        %dma_wait3A_213 = arith.constant 0 : i32
        %dma_wait3A_214 = tpu.memref_slice %arg18[%run_scoped3A_196, %dma_wait3A_213] : memref<2x80xf32, #tpu.memory_space<vmem>> -> memref<1x80xf32, #tpu.memory_space<vmem>>
        %dma_wait3A_215 = tpu.memref_squeeze %dma_wait3A_214 : memref<1x80xf32, #tpu.memory_space<vmem>> -> memref<80xf32, #tpu.memory_space<vmem>>
        tpu.wait_dma2 semaphore(%run_scoped3A_199 : memref<!tpu.dma_semaphore, #tpu.memory_space<semaphore_mem>>) src(%dma_wait3A_215 : memref<80xf32, #tpu.memory_space<vmem>>) dst(%dma_wait3A_212 : memref<80xf32, #tpu.memory_space<vmem_shared>>)
        tpu.yield
      }) : () -> ()
      %run_scoped3A_197 = arith.constant 0 : i32
      "tpu.region"() ({
        %run_scoped3A_199 = tpu.sem_alloc : memref<!tpu.dma_semaphore, #tpu.memory_space<semaphore_mem>>
        %dma_start3A_200 = arith.constant 0 : i32
        %dma_start3A_201 = tpu.memref_slice %arg18[%run_scoped3A_197, %dma_start3A_200] : memref<2x80xf32, #tpu.memory_space<vmem>> -> memref<1x80xf32, #tpu.memory_space<vmem>>
        %dma_start3A_202 = tpu.memref_squeeze %dma_start3A_201 : memref<1x80xf32, #tpu.memory_space<vmem>> -> memref<80xf32, #tpu.memory_space<vmem>>
        %dma_start3A_203 = tpu.memref_slice %arg23[%add3A_194] : memref<10240xf32, #tpu.memory_space<vmem_shared>> -> memref<80xf32, #tpu.memory_space<vmem_shared>>
        %dma_start3A_204 = tpu.memref_slice %arg23[%add3A_194] : memref<10240xf32, #tpu.memory_space<vmem_shared>> -> memref<80xf32, #tpu.memory_space<vmem_shared>>
        %dma_start3A_205 = arith.constant 0 : i32
        %dma_start3A_206 = tpu.memref_slice %arg18[%run_scoped3A_197, %dma_start3A_205] : memref<2x80xf32, #tpu.memory_space<vmem>> -> memref<1x80xf32, #tpu.memory_space<vmem>>
        %dma_start3A_207 = tpu.memref_squeeze %dma_start3A_206 : memref<1x80xf32, #tpu.memory_space<vmem>> -> memref<80xf32, #tpu.memory_space<vmem>>
        tpu.enqueue_dma source(%dma_start3A_207 : memref<80xf32, #tpu.memory_space<vmem>>) target(%dma_start3A_204 : memref<80xf32, #tpu.memory_space<vmem_shared>>) target_semaphore(%run_scoped3A_199 : memref<!tpu.dma_semaphore, #tpu.memory_space<semaphore_mem>>)
        %dma_wait3A_208 = arith.constant 0 : i32
        %dma_wait3A_209 = tpu.memref_slice %arg18[%run_scoped3A_197, %dma_wait3A_208] : memref<2x80xf32, #tpu.memory_space<vmem>> -> memref<1x80xf32, #tpu.memory_space<vmem>>
        %dma_wait3A_210 = tpu.memref_squeeze %dma_wait3A_209 : memref<1x80xf32, #tpu.memory_space<vmem>> -> memref<80xf32, #tpu.memory_space<vmem>>
        %dma_wait3A_211 = tpu.memref_slice %arg23[%add3A_194] : memref<10240xf32, #tpu.memory_space<vmem_shared>> -> memref<80xf32, #tpu.memory_space<vmem_shared>>
        %dma_wait3A_212 = tpu.memref_slice %arg23[%add3A_194] : memref<10240xf32, #tpu.memory_space<vmem_shared>> -> memref<80xf32, #tpu.memory_space<vmem_shared>>
        %dma_wait3A_213 = arith.constant 0 : i32
        %dma_wait3A_214 = tpu.memref_slice %arg18[%run_scoped3A_197, %dma_wait3A_213] : memref<2x80xf32, #tpu.memory_space<vmem>> -> memref<1x80xf32, #tpu.memory_space<vmem>>
        %dma_wait3A_215 = tpu.memref_squeeze %dma_wait3A_214 : memref<1x80xf32, #tpu.memory_space<vmem>> -> memref<80xf32, #tpu.memory_space<vmem>>
        tpu.wait_dma2 semaphore(%run_scoped3A_199 : memref<!tpu.dma_semaphore, #tpu.memory_space<semaphore_mem>>) src(%dma_wait3A_215 : memref<80xf32, #tpu.memory_space<vmem>>) dst(%dma_wait3A_212 : memref<80xf32, #tpu.memory_space<vmem_shared>>)
        tpu.yield
      }) : () -> ()
      %scan3A_198 = arith.constant 0 : i32
      scf.yield %scan3A_198 : i32
    }
    %scan3A_33 = arith.constant 8 : i32
    %broadcast_in_dim3A_34 = arith.constant 1.000000e+00 : f32
    %broadcast_in_dim3A_35 = vector.broadcast %broadcast_in_dim3A_34 : f32 to vector<16xf32>
    %swap3A_36 = arith.constant 0 : index
    %swap3A_37 = tpu.vector_load %arg19[%swap3A_36] {strides = array<i32>} : memref<80xf32, #tpu.memory_space<vmem>>, vector<16xf32>,
    tpu.vector_store %arg19[%swap3A_36], %broadcast_in_dim3A_35 {strides = array<i32>} : memref<80xf32, #tpu.memory_space<vmem>>, vector<16xf32>,
    %swap3A_38 = arith.constant 16 : index
    %swap3A_39 = tpu.vector_load %arg19[%swap3A_38] {strides = array<i32>} : memref<80xf32, #tpu.memory_space<vmem>>, vector<16xf32>,
    tpu.vector_store %arg19[%swap3A_38], %broadcast_in_dim3A_35 {strides = array<i32>} : memref<80xf32, #tpu.memory_space<vmem>>, vector<16xf32>,
    %swap3A_40 = arith.constant 32 : index
    %swap3A_41 = tpu.vector_load %arg19[%swap3A_40] {strides = array<i32>} : memref<80xf32, #tpu.memory_space<vmem>>, vector<16xf32>,
    tpu.vector_store %arg19[%swap3A_40], %broadcast_in_dim3A_35 {strides = array<i32>} : memref<80xf32, #tpu.memory_space<vmem>>, vector<16xf32>,
    %swap3A_42 = arith.constant 48 : index
    %swap3A_43 = tpu.vector_load %arg19[%swap3A_42] {strides = array<i32>} : memref<80xf32, #tpu.memory_space<vmem>>, vector<16xf32>,
    tpu.vector_store %arg19[%swap3A_42], %broadcast_in_dim3A_35 {strides = array<i32>} : memref<80xf32, #tpu.memory_space<vmem>>, vector<16xf32>,
    %swap3A_44 = arith.constant 64 : index
    %swap3A_45 = tpu.vector_load %arg19[%swap3A_44] {strides = array<i32>} : memref<80xf32, #tpu.memory_space<vmem>>, vector<16xf32>,
    tpu.vector_store %arg19[%swap3A_44], %broadcast_in_dim3A_35 {strides = array<i32>} : memref<80xf32, #tpu.memory_space<vmem>>, vector<16xf32>,
    %barrier3A = arith.constant 0 : index
    tpu.barrier barrier_id(%barrier3A)
    %dma_start3A = arith.constant 0 : i32
    %dma_start3A_46 = arith.constant 0 : i32
    %dma_start3A_47 = arith.constant 0 : i32
    %dma_start3A_48 = tpu.memref_slice %arg12[%dma_start3A_46, %dma_start3A_47] : memref<3x80xi32, #tpu.memory_space<vmem>> -> memref<1x80xi32, #tpu.memory_space<vmem>>
    %dma_start3A_49 = tpu.memref_squeeze %dma_start3A_48 : memref<1x80xi32, #tpu.memory_space<vmem>> -> memref<80xi32, #tpu.memory_space<vmem>>
    %dma_start3A_50 = arith.constant 0 : i32
    %dma_start3A_51 = tpu.memref_slice %arg2[%add3A, %dma_start3A, %dma_start3A_50] : memref<32x125x80xi32, #tpu.memory_space<hbm>> -> memref<1x1x80xi32, #tpu.memory_space<hbm>>
    %dma_start3A_52 = tpu.memref_squeeze %dma_start3A_51 : memref<1x1x80xi32, #tpu.memory_space<hbm>> -> memref<80xi32, #tpu.memory_space<hbm>>
    %dma_start3A_53 = arith.constant 0 : i32
    %dma_start3A_54 = tpu.memref_slice %arg12[%dma_start3A_46, %dma_start3A_53] : memref<3x80xi32, #tpu.memory_space<vmem>> -> memref<1x80xi32, #tpu.memory_space<vmem>>
    %dma_start3A_55 = tpu.memref_squeeze %dma_start3A_54 : memref<1x80xi32, #tpu.memory_space<vmem>> -> memref<80xi32, #tpu.memory_space<vmem>>
    %dma_start3A_56 = arith.constant 0 : i32
    %dma_start3A_57 = tpu.memref_slice %arg2[%add3A, %dma_start3A, %dma_start3A_56] : memref<32x125x80xi32, #tpu.memory_space<hbm>> -> memref<1x1x80xi32, #tpu.memory_space<hbm>>
    %dma_start3A_58 = tpu.memref_squeeze %dma_start3A_57 : memref<1x1x80xi32, #tpu.memory_space<hbm>> -> memref<80xi32, #tpu.memory_space<hbm>>
    tpu.enqueue_dma source(%dma_start3A_58 : memref<80xi32, #tpu.memory_space<hbm>>) target(%dma_start3A_55 : memref<80xi32, #tpu.memory_space<vmem>>) target_semaphore(%arg24 : memref<!tpu.dma_semaphore, #tpu.memory_space<semaphore_mem>>)
    %dma_start3A_59 = arith.constant 0 : i32
    %dma_start3A_60 = arith.constant 0 : i32
    %dma_start3A_61 = arith.constant 0 : i32
    %dma_start3A_62 = tpu.memref_slice %arg13[%dma_start3A_60, %dma_start3A_61] : memref<3x80xi32, #tpu.memory_space<vmem>> -> memref<1x80xi32, #tpu.memory_space<vmem>>
    %dma_start3A_63 = tpu.memref_squeeze %dma_start3A_62 : memref<1x80xi32, #tpu.memory_space<vmem>> -> memref<80xi32, #tpu.memory_space<vmem>>
    %dma_start3A_64 = arith.constant 0 : i32
    %dma_start3A_65 = tpu.memref_slice %arg3[%add3A, %dma_start3A_59, %dma_start3A_64] : memref<32x125x80xi32, #tpu.memory_space<hbm>> -> memref<1x1x80xi32, #tpu.memory_space<hbm>>
    %dma_start3A_66 = tpu.memref_squeeze %dma_start3A_65 : memref<1x1x80xi32, #tpu.memory_space<hbm>> -> memref<80xi32, #tpu.memory_space<hbm>>
    %dma_start3A_67 = arith.constant 0 : i32
    %dma_start3A_68 = tpu.memref_slice %arg13[%dma_start3A_60, %dma_start3A_67] : memref<3x80xi32, #tpu.memory_space<vmem>> -> memref<1x80xi32, #tpu.memory_space<vmem>>
    %dma_start3A_69 = tpu.memref_squeeze %dma_start3A_68 : memref<1x80xi32, #tpu.memory_space<vmem>> -> memref<80xi32, #tpu.memory_space<vmem>>
    %dma_start3A_70 = arith.constant 0 : i32
    %dma_start3A_71 = tpu.memref_slice %arg3[%add3A, %dma_start3A_59, %dma_start3A_70] : memref<32x125x80xi32, #tpu.memory_space<hbm>> -> memref<1x1x80xi32, #tpu.memory_space<hbm>>
    %dma_start3A_72 = tpu.memref_squeeze %dma_start3A_71 : memref<1x1x80xi32, #tpu.memory_space<hbm>> -> memref<80xi32, #tpu.memory_space<hbm>>
    tpu.enqueue_dma source(%dma_start3A_72 : memref<80xi32, #tpu.memory_space<hbm>>) target(%dma_start3A_69 : memref<80xi32, #tpu.memory_space<vmem>>) target_semaphore(%arg24 : memref<!tpu.dma_semaphore, #tpu.memory_space<semaphore_mem>>)
    %dma_start3A_73 = arith.constant 0 : i32
    %dma_start3A_74 = arith.constant 0 : i32
    %dma_start3A_75 = arith.constant 0 : i32
    %dma_start3A_76 = tpu.memref_slice %arg14[%dma_start3A_74, %dma_start3A_75] : memref<3x80xf32, #tpu.memory_space<vmem>> -> memref<1x80xf32, #tpu.memory_space<vmem>>
    %dma_start3A_77 = tpu.memref_squeeze %dma_start3A_76 : memref<1x80xf32, #tpu.memory_space<vmem>> -> memref<80xf32, #tpu.memory_space<vmem>>
    %dma_start3A_78 = arith.constant 0 : i32
    %dma_start3A_79 = tpu.memref_slice %arg4[%add3A, %dma_start3A_73, %dma_start3A_78] : memref<32x125x80xf32, #tpu.memory_space<hbm>> -> memref<1x1x80xf32, #tpu.memory_space<hbm>>
    %dma_start3A_80 = tpu.memref_squeeze %dma_start3A_79 : memref<1x1x80xf32, #tpu.memory_space<hbm>> -> memref<80xf32, #tpu.memory_space<hbm>>
    %dma_start3A_81 = arith.constant 0 : i32
    %dma_start3A_82 = tpu.memref_slice %arg14[%dma_start3A_74, %dma_start3A_81] : memref<3x80xf32, #tpu.memory_space<vmem>> -> memref<1x80xf32, #tpu.memory_space<vmem>>
    %dma_start3A_83 = tpu.memref_squeeze %dma_start3A_82 : memref<1x80xf32, #tpu.memory_space<vmem>> -> memref<80xf32, #tpu.memory_space<vmem>>
    %dma_start3A_84 = arith.constant 0 : i32
    %dma_start3A_85 = tpu.memref_slice %arg4[%add3A, %dma_start3A_73, %dma_start3A_84] : memref<32x125x80xf32, #tpu.memory_space<hbm>> -> memref<1x1x80xf32, #tpu.memory_space<hbm>>
    %dma_start3A_86 = tpu.memref_squeeze %dma_start3A_85 : memref<1x1x80xf32, #tpu.memory_space<hbm>> -> memref<80xf32, #tpu.memory_space<hbm>>
    tpu.enqueue_dma source(%dma_start3A_86 : memref<80xf32, #tpu.memory_space<hbm>>) target(%dma_start3A_83 : memref<80xf32, #tpu.memory_space<vmem>>) target_semaphore(%arg24 : memref<!tpu.dma_semaphore, #tpu.memory_space<semaphore_mem>>)
    %dma_wait3A = arith.constant 0 : i32
    %dma_wait3A_87 = arith.constant 0 : i32
    %dma_wait3A_88 = arith.constant 0 : i32
    %dma_wait3A_89 = tpu.memref_slice %arg12[%dma_wait3A_87, %dma_wait3A_88] : memref<3x80xi32, #tpu.memory_space<vmem>> -> memref<1x80xi32, #tpu.memory_space<vmem>>
    %dma_wait3A_90 = tpu.memref_squeeze %dma_wait3A_89 : memref<1x80xi32, #tpu.memory_space<vmem>> -> memref<80xi32, #tpu.memory_space<vmem>>
    %dma_wait3A_91 = arith.constant 0 : i32
    %dma_wait3A_92 = tpu.memref_slice %arg2[%add3A, %dma_wait3A, %dma_wait3A_91] : memref<32x125x80xi32, #tpu.memory_space<hbm>> -> memref<1x1x80xi32, #tpu.memory_space<hbm>>
    %dma_wait3A_93 = tpu.memref_squeeze %dma_wait3A_92 : memref<1x1x80xi32, #tpu.memory_space<hbm>> -> memref<80xi32, #tpu.memory_space<hbm>>
    %dma_wait3A_94 = arith.constant 0 : i32
    %dma_wait3A_95 = tpu.memref_slice %arg12[%dma_wait3A_87, %dma_wait3A_94] : memref<3x80xi32, #tpu.memory_space<vmem>> -> memref<1x80xi32, #tpu.memory_space<vmem>>
    %dma_wait3A_96 = tpu.memref_squeeze %dma_wait3A_95 : memref<1x80xi32, #tpu.memory_space<vmem>> -> memref<80xi32, #tpu.memory_space<vmem>>
    %dma_wait3A_97 = arith.constant 0 : i32
    %dma_wait3A_98 = tpu.memref_slice %arg2[%add3A, %dma_wait3A, %dma_wait3A_97] : memref<32x125x80xi32, #tpu.memory_space<hbm>> -> memref<1x1x80xi32, #tpu.memory_space<hbm>>
    %dma_wait3A_99 = tpu.memref_squeeze %dma_wait3A_98 : memref<1x1x80xi32, #tpu.memory_space<hbm>> -> memref<80xi32, #tpu.memory_space<hbm>>
    tpu.wait_dma2 semaphore(%arg24 : memref<!tpu.dma_semaphore, #tpu.memory_space<semaphore_mem>>) src(%dma_wait3A_99 : memref<80xi32, #tpu.memory_space<hbm>>) dst(%dma_wait3A_96 : memref<80xi32, #tpu.memory_space<vmem>>)
    %dma_wait3A_100 = arith.constant 0 : i32
    %dma_wait3A_101 = arith.constant 0 : i32
    %dma_wait3A_102 = arith.constant 0 : i32
    %dma_wait3A_103 = tpu.memref_slice %arg13[%dma_wait3A_101, %dma_wait3A_102] : memref<3x80xi32, #tpu.memory_space<vmem>> -> memref<1x80xi32, #tpu.memory_space<vmem>>
    %dma_wait3A_104 = tpu.memref_squeeze %dma_wait3A_103 : memref<1x80xi32, #tpu.memory_space<vmem>> -> memref<80xi32, #tpu.memory_space<vmem>>
    %dma_wait3A_105 = arith.constant 0 : i32
    %dma_wait3A_106 = tpu.memref_slice %arg3[%add3A, %dma_wait3A_100, %dma_wait3A_105] : memref<32x125x80xi32, #tpu.memory_space<hbm>> -> memref<1x1x80xi32, #tpu.memory_space<hbm>>
    %dma_wait3A_107 = tpu.memref_squeeze %dma_wait3A_106 : memref<1x1x80xi32, #tpu.memory_space<hbm>> -> memref<80xi32, #tpu.memory_space<hbm>>
    %dma_wait3A_108 = arith.constant 0 : i32
    %dma_wait3A_109 = tpu.memref_slice %arg13[%dma_wait3A_101, %dma_wait3A_108] : memref<3x80xi32, #tpu.memory_space<vmem>> -> memref<1x80xi32, #tpu.memory_space<vmem>>
    %dma_wait3A_110 = tpu.memref_squeeze %dma_wait3A_109 : memref<1x80xi32, #tpu.memory_space<vmem>> -> memref<80xi32, #tpu.memory_space<vmem>>
    %dma_wait3A_111 = arith.constant 0 : i32
    %dma_wait3A_112 = tpu.memref_slice %arg3[%add3A, %dma_wait3A_100, %dma_wait3A_111] : memref<32x125x80xi32, #tpu.memory_space<hbm>> -> memref<1x1x80xi32, #tpu.memory_space<hbm>>
    %dma_wait3A_113 = tpu.memref_squeeze %dma_wait3A_112 : memref<1x1x80xi32, #tpu.memory_space<hbm>> -> memref<80xi32, #tpu.memory_space<hbm>>
    tpu.wait_dma2 semaphore(%arg24 : memref<!tpu.dma_semaphore, #tpu.memory_space<semaphore_mem>>) src(%dma_wait3A_113 : memref<80xi32, #tpu.memory_space<hbm>>) dst(%dma_wait3A_110 : memref<80xi32, #tpu.memory_space<vmem>>)
    %dma_wait3A_114 = arith.constant 0 : i32
    %dma_wait3A_115 = arith.constant 0 : i32
    %dma_wait3A_116 = arith.constant 0 : i32
    %dma_wait3A_117 = tpu.memref_slice %arg14[%dma_wait3A_115, %dma_wait3A_116] : memref<3x80xf32, #tpu.memory_space<vmem>> -> memref<1x80xf32, #tpu.memory_space<vmem>>
    %dma_wait3A_118 = tpu.memref_squeeze %dma_wait3A_117 : memref<1x80xf32, #tpu.memory_space<vmem>> -> memref<80xf32, #tpu.memory_space<vmem>>
    %dma_wait3A_119 = arith.constant 0 : i32
    %dma_wait3A_120 = tpu.memref_slice %arg4[%add3A, %dma_wait3A_114, %dma_wait3A_119] : memref<32x125x80xf32, #tpu.memory_space<hbm>> -> memref<1x1x80xf32, #tpu.memory_space<hbm>>
    %dma_wait3A_121 = tpu.memref_squeeze %dma_wait3A_120 : memref<1x1x80xf32, #tpu.memory_space<hbm>> -> memref<80xf32, #tpu.memory_space<hbm>>
    %dma_wait3A_122 = arith.constant 0 : i32
    %dma_wait3A_123 = tpu.memref_slice %arg14[%dma_wait3A_115, %dma_wait3A_122] : memref<3x80xf32, #tpu.memory_space<vmem>> -> memref<1x80xf32, #tpu.memory_space<vmem>>
    %dma_wait3A_124 = tpu.memref_squeeze %dma_wait3A_123 : memref<1x80xf32, #tpu.memory_space<vmem>> -> memref<80xf32, #tpu.memory_space<vmem>>
    %dma_wait3A_125 = arith.constant 0 : i32
    %dma_wait3A_126 = tpu.memref_slice %arg4[%add3A, %dma_wait3A_114, %dma_wait3A_125] : memref<32x125x80xf32, #tpu.memory_space<hbm>> -> memref<1x1x80xf32, #tpu.memory_space<hbm>>
    %dma_wait3A_127 = tpu.memref_squeeze %dma_wait3A_126 : memref<1x1x80xf32, #tpu.memory_space<hbm>> -> memref<80xf32, #tpu.memory_space<hbm>>
    tpu.wait_dma2 semaphore(%arg24 : memref<!tpu.dma_semaphore, #tpu.memory_space<semaphore_mem>>) src(%dma_wait3A_127 : memref<80xf32, #tpu.memory_space<hbm>>) dst(%dma_wait3A_124 : memref<80xf32, #tpu.memory_space<vmem>>)
    %dma_start3A_128 = arith.constant 0 : i32
    %dma_start3A_129 = arith.constant 0 : i32
    %dma_start3A_130 = arith.constant 0 : i32
    %dma_start3A_131 = arith.constant 0 : i32
    %dma_start3A_132 = tpu.memref_slice %arg17[%dma_start3A_129, %dma_start3A_130, %dma_start3A_131] : memref<2x80x128xf32, #tpu.memory_space<vmem>> -> memref<1x80x128xf32, #tpu.memory_space<vmem>>
    %dma_start3A_133 = tpu.memref_squeeze %dma_start3A_132 : memref<1x80x128xf32, #tpu.memory_space<vmem>> -> memref<80x128xf32, #tpu.memory_space<vmem>>
    %dma_start3A_134 = arith.constant 0 : i32
    %dma_start3A_135 = tpu.memref_slice %arg12[%dma_start3A_128, %dma_start3A_134] : memref<3x80xi32, #tpu.memory_space<vmem>> -> memref<1x80xi32, #tpu.memory_space<vmem>>
    %dma_start3A_136 = tpu.memref_squeeze %dma_start3A_135 : memref<1x80xi32, #tpu.memory_space<vmem>> -> memref<80xi32, #tpu.memory_space<vmem>>
    %dma_start3A_137 = arith.constant 0 : i32
    %dma_start3A_138 = arith.constant 0 : i32
    %dma_start3A_139 = tpu.memref_slice %arg7[%dma_start3A_137, %dma_start3A_138] : memref<10240x128xf32, #tpu.memory_space<hbm>> -> memref<10240x128xf32, #tpu.memory_space<hbm>>
    tpu.enqueue_indirect_dma source(%dma_start3A_139 : memref<10240x128xf32, #tpu.memory_space<hbm>>) target(%dma_start3A_133 : memref<80x128xf32, #tpu.memory_space<vmem>>) offsets(%dma_start3A_136 : memref<80xi32, #tpu.memory_space<vmem>>) semaphore(%arg25 : memref<!tpu.dma_semaphore, #tpu.memory_space<semaphore_mem>>)
    %scan3A_140 = arith.constant 0 : i32
    %scan3A_141 = arith.constant 0 : i32
    %scan3A_142 = arith.constant 125 : i32
    %scan3A_143 = arith.addi %scan3A_141, %scan3A_142 : i32
    %scan3A_144 = arith.constant 1 : i32
    %scan3A_145 = scf.for %scan3A_188 = %scan3A_141 to %scan3A_143 step %scan3A_144 iter_args(%scan3A_189 = %scan3A_140) -> (i32)  : i32 {
      %rem3A = arith.constant 2 : i32
      %rem3A_190 = arith.remsi %scan3A_188, %rem3A : i32
      %rem3A_191 = arith.constant 3 : i32
      %rem3A_192 = arith.remsi %scan3A_188, %rem3A_191 : i32
      %sub3A = arith.constant 1 : i32
      %sub3A_193 = arith.subi %sub3A, %rem3A_190 : i32
      %add3A_194 = arith.constant 1 : i32
      %add3A_195 = arith.addi %scan3A_188, %add3A_194 : i32
      %rem3A_196 = arith.constant 3 : i32
      %rem3A_197 = arith.remsi %add3A_195, %rem3A_196 : i32
      %add3A_198 = arith.constant 1 : i32
      %add3A_199 = arith.addi %scan3A_188, %add3A_198 : i32
      %lt3A = arith.constant 125 : i32
      %lt3A_200 = arith.cmpi slt, %add3A_199, %lt3A : i32
      %convert_element_type3A = arith.extui %lt3A_200 : i1 to i32
      %cond3A = arith.constant 0 : i32
      %cond3A_201 = arith.cmpi ne, %convert_element_type3A, %cond3A : i32
      scf.if %cond3A_201 {
        %add3A_380 = arith.constant 1 : i32
        %add3A_381 = arith.addi %scan3A_188, %add3A_380 : i32
        %dma_start3A_382 = arith.constant 0 : i32
        %dma_start3A_383 = tpu.memref_slice %arg12[%rem3A_197, %dma_start3A_382] : memref<3x80xi32, #tpu.memory_space<vmem>> -> memref<1x80xi32, #tpu.memory_space<vmem>>
        %dma_start3A_384 = tpu.memref_squeeze %dma_start3A_383 : memref<1x80xi32, #tpu.memory_space<vmem>> -> memref<80xi32, #tpu.memory_space<vmem>>
        %dma_start3A_385 = arith.constant 0 : i32
        %dma_start3A_386 = tpu.memref_slice %arg2[%add3A, %add3A_381, %dma_start3A_385] : memref<32x125x80xi32, #tpu.memory_space<hbm>> -> memref<1x1x80xi32, #tpu.memory_space<hbm>>
        %dma_start3A_387 = tpu.memref_squeeze %dma_start3A_386 : memref<1x1x80xi32, #tpu.memory_space<hbm>> -> memref<80xi32, #tpu.memory_space<hbm>>
        %dma_start3A_388 = arith.constant 0 : i32
        %dma_start3A_389 = tpu.memref_slice %arg12[%rem3A_197, %dma_start3A_388] : memref<3x80xi32, #tpu.memory_space<vmem>> -> memref<1x80xi32, #tpu.memory_space<vmem>>
        %dma_start3A_390 = tpu.memref_squeeze %dma_start3A_389 : memref<1x80xi32, #tpu.memory_space<vmem>> -> memref<80xi32, #tpu.memory_space<vmem>>
        %dma_start3A_391 = arith.constant 0 : i32
        %dma_start3A_392 = tpu.memref_slice %arg2[%add3A, %add3A_381, %dma_start3A_391] : memref<32x125x80xi32, #tpu.memory_space<hbm>> -> memref<1x1x80xi32, #tpu.memory_space<hbm>>
        %dma_start3A_393 = tpu.memref_squeeze %dma_start3A_392 : memref<1x1x80xi32, #tpu.memory_space<hbm>> -> memref<80xi32, #tpu.memory_space<hbm>>
        tpu.enqueue_dma source(%dma_start3A_393 : memref<80xi32, #tpu.memory_space<hbm>>) target(%dma_start3A_390 : memref<80xi32, #tpu.memory_space<vmem>>) target_semaphore(%arg24 : memref<!tpu.dma_semaphore, #tpu.memory_space<semaphore_mem>>)
        %dma_start3A_394 = arith.constant 0 : i32
        %dma_start3A_395 = tpu.memref_slice %arg13[%rem3A_197, %dma_start3A_394] : memref<3x80xi32, #tpu.memory_space<vmem>> -> memref<1x80xi32, #tpu.memory_space<vmem>>
        %dma_start3A_396 = tpu.memref_squeeze %dma_start3A_395 : memref<1x80xi32, #tpu.memory_space<vmem>> -> memref<80xi32, #tpu.memory_space<vmem>>
        %dma_start3A_397 = arith.constant 0 : i32
        %dma_start3A_398 = tpu.memref_slice %arg3[%add3A, %add3A_381, %dma_start3A_397] : memref<32x125x80xi32, #tpu.memory_space<hbm>> -> memref<1x1x80xi32, #tpu.memory_space<hbm>>
        %dma_start3A_399 = tpu.memref_squeeze %dma_start3A_398 : memref<1x1x80xi32, #tpu.memory_space<hbm>> -> memref<80xi32, #tpu.memory_space<hbm>>
        %dma_start3A_400 = arith.constant 0 : i32
        %dma_start3A_401 = tpu.memref_slice %arg13[%rem3A_197, %dma_start3A_400] : memref<3x80xi32, #tpu.memory_space<vmem>> -> memref<1x80xi32, #tpu.memory_space<vmem>>
        %dma_start3A_402 = tpu.memref_squeeze %dma_start3A_401 : memref<1x80xi32, #tpu.memory_space<vmem>> -> memref<80xi32, #tpu.memory_space<vmem>>
        %dma_start3A_403 = arith.constant 0 : i32
        %dma_start3A_404 = tpu.memref_slice %arg3[%add3A, %add3A_381, %dma_start3A_403] : memref<32x125x80xi32, #tpu.memory_space<hbm>> -> memref<1x1x80xi32, #tpu.memory_space<hbm>>
        %dma_start3A_405 = tpu.memref_squeeze %dma_start3A_404 : memref<1x1x80xi32, #tpu.memory_space<hbm>> -> memref<80xi32, #tpu.memory_space<hbm>>
        tpu.enqueue_dma source(%dma_start3A_405 : memref<80xi32, #tpu.memory_space<hbm>>) target(%dma_start3A_402 : memref<80xi32, #tpu.memory_space<vmem>>) target_semaphore(%arg24 : memref<!tpu.dma_semaphore, #tpu.memory_space<semaphore_mem>>)
        %dma_start3A_406 = arith.constant 0 : i32
        %dma_start3A_407 = tpu.memref_slice %arg14[%rem3A_197, %dma_start3A_406] : memref<3x80xf32, #tpu.memory_space<vmem>> -> memref<1x80xf32, #tpu.memory_space<vmem>>
        %dma_start3A_408 = tpu.memref_squeeze %dma_start3A_407 : memref<1x80xf32, #tpu.memory_space<vmem>> -> memref<80xf32, #tpu.memory_space<vmem>>
        %dma_start3A_409 = arith.constant 0 : i32
        %dma_start3A_410 = tpu.memref_slice %arg4[%add3A, %add3A_381, %dma_start3A_409] : memref<32x125x80xf32, #tpu.memory_space<hbm>> -> memref<1x1x80xf32, #tpu.memory_space<hbm>>
        %dma_start3A_411 = tpu.memref_squeeze %dma_start3A_410 : memref<1x1x80xf32, #tpu.memory_space<hbm>> -> memref<80xf32, #tpu.memory_space<hbm>>
        %dma_start3A_412 = arith.constant 0 : i32
        %dma_start3A_413 = tpu.memref_slice %arg14[%rem3A_197, %dma_start3A_412] : memref<3x80xf32, #tpu.memory_space<vmem>> -> memref<1x80xf32, #tpu.memory_space<vmem>>
        %dma_start3A_414 = tpu.memref_squeeze %dma_start3A_413 : memref<1x80xf32, #tpu.memory_space<vmem>> -> memref<80xf32, #tpu.memory_space<vmem>>
        %dma_start3A_415 = arith.constant 0 : i32
        %dma_start3A_416 = tpu.memref_slice %arg4[%add3A, %add3A_381, %dma_start3A_415] : memref<32x125x80xf32, #tpu.memory_space<hbm>> -> memref<1x1x80xf32, #tpu.memory_space<hbm>>
        %dma_start3A_417 = tpu.memref_squeeze %dma_start3A_416 : memref<1x1x80xf32, #tpu.memory_space<hbm>> -> memref<80xf32, #tpu.memory_space<hbm>>
        tpu.enqueue_dma source(%dma_start3A_417 : memref<80xf32, #tpu.memory_space<hbm>>) target(%dma_start3A_414 : memref<80xf32, #tpu.memory_space<vmem>>) target_semaphore(%arg24 : memref<!tpu.dma_semaphore, #tpu.memory_space<semaphore_mem>>)
      } else {
      }
      %dma_wait3A_202 = arith.constant 0 : i32
      %dma_wait3A_203 = arith.constant 0 : i32
      %dma_wait3A_204 = arith.constant 0 : i32
      %dma_wait3A_205 = arith.constant 0 : i32
      %dma_wait3A_206 = tpu.memref_slice %arg17[%dma_wait3A_203, %dma_wait3A_204, %dma_wait3A_205] : memref<2x80x128xf32, #tpu.memory_space<vmem>> -> memref<1x80x128xf32, #tpu.memory_space<vmem>>
      %dma_wait3A_207 = tpu.memref_squeeze %dma_wait3A_206 : memref<1x80x128xf32, #tpu.memory_space<vmem>> -> memref<80x128xf32, #tpu.memory_space<vmem>>
      %dma_wait3A_208 = arith.constant 0 : i32
      %dma_wait3A_209 = tpu.memref_slice %arg12[%dma_wait3A_202, %dma_wait3A_208] : memref<3x80xi32, #tpu.memory_space<vmem>> -> memref<1x80xi32, #tpu.memory_space<vmem>>
      %dma_wait3A_210 = tpu.memref_squeeze %dma_wait3A_209 : memref<1x80xi32, #tpu.memory_space<vmem>> -> memref<80xi32, #tpu.memory_space<vmem>>
      %dma_wait3A_211 = arith.constant 0 : i32
      %dma_wait3A_212 = arith.constant 0 : i32
      %dma_wait3A_213 = tpu.memref_slice %arg7[%dma_wait3A_211, %dma_wait3A_212] : memref<10240x128xf32, #tpu.memory_space<hbm>> -> memref<10240x128xf32, #tpu.memory_space<hbm>>
      tpu.wait_indirect_dma semaphore(%arg25 : memref<!tpu.dma_semaphore, #tpu.memory_space<semaphore_mem>>) src(%dma_wait3A_213 : memref<10240x128xf32, #tpu.memory_space<hbm>>) dst(%dma_wait3A_207 : memref<80x128xf32, #tpu.memory_space<vmem>>)
      %get3A = arith.index_cast %rem3A_192 : i32 to index
      %get3A_214 = arith.constant 0 : index
      %get3A_215 = tpu.vector_load %arg12[%get3A, %get3A_214] {strides = array<i32>} : memref<3x80xi32, #tpu.memory_space<vmem>>, vector<16xi32>,
      %gather3A = tpu.vector_load_idx %arg15[%get3A_215] : memref<10240xf32, #tpu.memory_space<vmem>>[vector<16xi32>], vector<16xf32>,
      %get3A_216 = arith.index_cast %rem3A_192 : i32 to index
      %get3A_217 = arith.constant 0 : index
      %get3A_218 = tpu.vector_load %arg13[%get3A_216, %get3A_217] {strides = array<i32>} : memref<3x80xi32, #tpu.memory_space<vmem>>, vector<16xi32>,
      %gather3A_219 = tpu.vector_load_idx %arg16[%get3A_218] : memref<10240xf32, #tpu.memory_space<vmem>>[vector<16xi32>], vector<16xf32>,
      %add3A_220 = arith.addf %gather3A, %gather3A_219 : vector<16xf32>
      %get3A_221 = arith.index_cast %rem3A_192 : i32 to index
      %get3A_222 = arith.constant 0 : index
      %get3A_223 = tpu.vector_load %arg14[%get3A_221, %get3A_222] {strides = array<i32>} : memref<3x80xf32, #tpu.memory_space<vmem>>, vector<16xf32>,
      %add3A_224 = arith.addf %add3A_220, %get3A_223 : vector<16xf32>
      %ge3A = arith.constant 0.000000e+00 : f32
      %ge3A_225 = vector.broadcast %ge3A : f32 to vector<16xf32>
      %ge3A_226 = arith.cmpf oge, %add3A_224, %ge3A_225 : vector<16xf32>
      %mul3A_227 = arith.constant 2.000000e-01 : f32
      %mul3A_228 = vector.broadcast %mul3A_227 : f32 to vector<16xf32>
      %mul3A_229 = arith.mulf %mul3A_228, %add3A_224 : vector<16xf32>
      %select_n3A = arith.select %ge3A_226, %add3A_224, %mul3A_229 : vector<16xi1>, vector<16xf32>
      %exp3A = math.exp %select_n3A : vector<16xf32>
      %swap3A_230 = arith.index_cast %rem3A_190 : i32 to index
      %swap3A_231 = arith.constant 0 : index
      %swap3A_232 = tpu.vector_load %arg18[%swap3A_230, %swap3A_231] {strides = array<i32>} : memref<2x80xf32, #tpu.memory_space<vmem>>, vector<16xf32>,
      tpu.vector_store %arg18[%swap3A_230, %swap3A_231], %exp3A {strides = array<i32>} : memref<2x80xf32, #tpu.memory_space<vmem>>, vector<16xf32>,
      %get3A_233 = arith.index_cast %rem3A_192 : i32 to index
      %get3A_234 = arith.constant 16 : index
      %get3A_235 = tpu.vector_load %arg12[%get3A_233, %get3A_234] {strides = array<i32>} : memref<3x80xi32, #tpu.memory_space<vmem>>, vector<16xi32>,
      %gather3A_236 = tpu.vector_load_idx %arg15[%get3A_235] : memref<10240xf32, #tpu.memory_space<vmem>>[vector<16xi32>], vector<16xf32>,
      %get3A_237 = arith.index_cast %rem3A_192 : i32 to index
      %get3A_238 = arith.constant 16 : index
      %get3A_239 = tpu.vector_load %arg13[%get3A_237, %get3A_238] {strides = array<i32>} : memref<3x80xi32, #tpu.memory_space<vmem>>, vector<16xi32>,
      %gather3A_240 = tpu.vector_load_idx %arg16[%get3A_239] : memref<10240xf32, #tpu.memory_space<vmem>>[vector<16xi32>], vector<16xf32>,
      %add3A_241 = arith.addf %gather3A_236, %gather3A_240 : vector<16xf32>
      %get3A_242 = arith.index_cast %rem3A_192 : i32 to index
      %get3A_243 = arith.constant 16 : index
      %get3A_244 = tpu.vector_load %arg14[%get3A_242, %get3A_243] {strides = array<i32>} : memref<3x80xf32, #tpu.memory_space<vmem>>, vector<16xf32>,
      %add3A_245 = arith.addf %add3A_241, %get3A_244 : vector<16xf32>
      %ge3A_246 = arith.constant 0.000000e+00 : f32
      %ge3A_247 = vector.broadcast %ge3A_246 : f32 to vector<16xf32>
      %ge3A_248 = arith.cmpf oge, %add3A_245, %ge3A_247 : vector<16xf32>
      %mul3A_249 = arith.constant 2.000000e-01 : f32
      %mul3A_250 = vector.broadcast %mul3A_249 : f32 to vector<16xf32>
      %mul3A_251 = arith.mulf %mul3A_250, %add3A_245 : vector<16xf32>
      %select_n3A_252 = arith.select %ge3A_248, %add3A_245, %mul3A_251 : vector<16xi1>, vector<16xf32>
      %exp3A_253 = math.exp %select_n3A_252 : vector<16xf32>
      %swap3A_254 = arith.index_cast %rem3A_190 : i32 to index
      %swap3A_255 = arith.constant 16 : index
      %swap3A_256 = tpu.vector_load %arg18[%swap3A_254, %swap3A_255] {strides = array<i32>} : memref<2x80xf32, #tpu.memory_space<vmem>>, vector<16xf32>,
      tpu.vector_store %arg18[%swap3A_254, %swap3A_255], %exp3A_253 {strides = array<i32>} : memref<2x80xf32, #tpu.memory_space<vmem>>, vector<16xf32>,
      %get3A_257 = arith.index_cast %rem3A_192 : i32 to index
      %get3A_258 = arith.constant 32 : index
      %get3A_259 = tpu.vector_load %arg12[%get3A_257, %get3A_258] {strides = array<i32>} : memref<3x80xi32, #tpu.memory_space<vmem>>, vector<16xi32>,
      %gather3A_260 = tpu.vector_load_idx %arg15[%get3A_259] : memref<10240xf32, #tpu.memory_space<vmem>>[vector<16xi32>], vector<16xf32>,
      %get3A_261 = arith.index_cast %rem3A_192 : i32 to index
      %get3A_262 = arith.constant 32 : index
      %get3A_263 = tpu.vector_load %arg13[%get3A_261, %get3A_262] {strides = array<i32>} : memref<3x80xi32, #tpu.memory_space<vmem>>, vector<16xi32>,
      %gather3A_264 = tpu.vector_load_idx %arg16[%get3A_263] : memref<10240xf32, #tpu.memory_space<vmem>>[vector<16xi32>], vector<16xf32>,
      %add3A_265 = arith.addf %gather3A_260, %gather3A_264 : vector<16xf32>
      %get3A_266 = arith.index_cast %rem3A_192 : i32 to index
      %get3A_267 = arith.constant 32 : index
      %get3A_268 = tpu.vector_load %arg14[%get3A_266, %get3A_267] {strides = array<i32>} : memref<3x80xf32, #tpu.memory_space<vmem>>, vector<16xf32>,
      %add3A_269 = arith.addf %add3A_265, %get3A_268 : vector<16xf32>
      %ge3A_270 = arith.constant 0.000000e+00 : f32
      %ge3A_271 = vector.broadcast %ge3A_270 : f32 to vector<16xf32>
      %ge3A_272 = arith.cmpf oge, %add3A_269, %ge3A_271 : vector<16xf32>
      %mul3A_273 = arith.constant 2.000000e-01 : f32
      %mul3A_274 = vector.broadcast %mul3A_273 : f32 to vector<16xf32>
      %mul3A_275 = arith.mulf %mul3A_274, %add3A_269 : vector<16xf32>
      %select_n3A_276 = arith.select %ge3A_272, %add3A_269, %mul3A_275 : vector<16xi1>, vector<16xf32>
      %exp3A_277 = math.exp %select_n3A_276 : vector<16xf32>
      %swap3A_278 = arith.index_cast %rem3A_190 : i32 to index
      %swap3A_279 = arith.constant 32 : index
      %swap3A_280 = tpu.vector_load %arg18[%swap3A_278, %swap3A_279] {strides = array<i32>} : memref<2x80xf32, #tpu.memory_space<vmem>>, vector<16xf32>,
      tpu.vector_store %arg18[%swap3A_278, %swap3A_279], %exp3A_277 {strides = array<i32>} : memref<2x80xf32, #tpu.memory_space<vmem>>, vector<16xf32>,
      %get3A_281 = arith.index_cast %rem3A_192 : i32 to index
      %get3A_282 = arith.constant 48 : index
      %get3A_283 = tpu.vector_load %arg12[%get3A_281, %get3A_282] {strides = array<i32>} : memref<3x80xi32, #tpu.memory_space<vmem>>, vector<16xi32>,
      %gather3A_284 = tpu.vector_load_idx %arg15[%get3A_283] : memref<10240xf32, #tpu.memory_space<vmem>>[vector<16xi32>], vector<16xf32>,
      %get3A_285 = arith.index_cast %rem3A_192 : i32 to index
      %get3A_286 = arith.constant 48 : index
      %get3A_287 = tpu.vector_load %arg13[%get3A_285, %get3A_286] {strides = array<i32>} : memref<3x80xi32, #tpu.memory_space<vmem>>, vector<16xi32>,
      %gather3A_288 = tpu.vector_load_idx %arg16[%get3A_287] : memref<10240xf32, #tpu.memory_space<vmem>>[vector<16xi32>], vector<16xf32>,
      %add3A_289 = arith.addf %gather3A_284, %gather3A_288 : vector<16xf32>
      %get3A_290 = arith.index_cast %rem3A_192 : i32 to index
      %get3A_291 = arith.constant 48 : index
      %get3A_292 = tpu.vector_load %arg14[%get3A_290, %get3A_291] {strides = array<i32>} : memref<3x80xf32, #tpu.memory_space<vmem>>, vector<16xf32>,
      %add3A_293 = arith.addf %add3A_289, %get3A_292 : vector<16xf32>
      %ge3A_294 = arith.constant 0.000000e+00 : f32
      %ge3A_295 = vector.broadcast %ge3A_294 : f32 to vector<16xf32>
      %ge3A_296 = arith.cmpf oge, %add3A_293, %ge3A_295 : vector<16xf32>
      %mul3A_297 = arith.constant 2.000000e-01 : f32
      %mul3A_298 = vector.broadcast %mul3A_297 : f32 to vector<16xf32>
      %mul3A_299 = arith.mulf %mul3A_298, %add3A_293 : vector<16xf32>
      %select_n3A_300 = arith.select %ge3A_296, %add3A_293, %mul3A_299 : vector<16xi1>, vector<16xf32>
      %exp3A_301 = math.exp %select_n3A_300 : vector<16xf32>
      %swap3A_302 = arith.index_cast %rem3A_190 : i32 to index
      %swap3A_303 = arith.constant 48 : index
      %swap3A_304 = tpu.vector_load %arg18[%swap3A_302, %swap3A_303] {strides = array<i32>} : memref<2x80xf32, #tpu.memory_space<vmem>>, vector<16xf32>,
      tpu.vector_store %arg18[%swap3A_302, %swap3A_303], %exp3A_301 {strides = array<i32>} : memref<2x80xf32, #tpu.memory_space<vmem>>, vector<16xf32>,
      %get3A_305 = arith.index_cast %rem3A_192 : i32 to index
      %get3A_306 = arith.constant 64 : index
      %get3A_307 = tpu.vector_load %arg12[%get3A_305, %get3A_306] {strides = array<i32>} : memref<3x80xi32, #tpu.memory_space<vmem>>, vector<16xi32>,
      %gather3A_308 = tpu.vector_load_idx %arg15[%get3A_307] : memref<10240xf32, #tpu.memory_space<vmem>>[vector<16xi32>], vector<16xf32>,
      %get3A_309 = arith.index_cast %rem3A_192 : i32 to index
      %get3A_310 = arith.constant 64 : index
      %get3A_311 = tpu.vector_load %arg13[%get3A_309, %get3A_310] {strides = array<i32>} : memref<3x80xi32, #tpu.memory_space<vmem>>, vector<16xi32>,
      %gather3A_312 = tpu.vector_load_idx %arg16[%get3A_311] : memref<10240xf32, #tpu.memory_space<vmem>>[vector<16xi32>], vector<16xf32>,
      %add3A_313 = arith.addf %gather3A_308, %gather3A_312 : vector<16xf32>
      %get3A_314 = arith.index_cast %rem3A_192 : i32 to index
      %get3A_315 = arith.constant 64 : index
      %get3A_316 = tpu.vector_load %arg14[%get3A_314, %get3A_315] {strides = array<i32>} : memref<3x80xf32, #tpu.memory_space<vmem>>, vector<16xf32>,
      %add3A_317 = arith.addf %add3A_313, %get3A_316 : vector<16xf32>
      %ge3A_318 = arith.constant 0.000000e+00 : f32
      %ge3A_319 = vector.broadcast %ge3A_318 : f32 to vector<16xf32>
      %ge3A_320 = arith.cmpf oge, %add3A_317, %ge3A_319 : vector<16xf32>
      %mul3A_321 = arith.constant 2.000000e-01 : f32
      %mul3A_322 = vector.broadcast %mul3A_321 : f32 to vector<16xf32>
      %mul3A_323 = arith.mulf %mul3A_322, %add3A_317 : vector<16xf32>
      %select_n3A_324 = arith.select %ge3A_320, %add3A_317, %mul3A_323 : vector<16xi1>, vector<16xf32>
      %exp3A_325 = math.exp %select_n3A_324 : vector<16xf32>
      %swap3A_326 = arith.index_cast %rem3A_190 : i32 to index
      %swap3A_327 = arith.constant 64 : index
      %swap3A_328 = tpu.vector_load %arg18[%swap3A_326, %swap3A_327] {strides = array<i32>} : memref<2x80xf32, #tpu.memory_space<vmem>>, vector<16xf32>,
      tpu.vector_store %arg18[%swap3A_326, %swap3A_327], %exp3A_325 {strides = array<i32>} : memref<2x80xf32, #tpu.memory_space<vmem>>, vector<16xf32>,
      %ge3A_329 = arith.constant 1 : i32
      %ge3A_330 = arith.cmpi sge, %scan3A_188, %ge3A_329 : i32
      %convert_element_type3A_331 = arith.extui %ge3A_330 : i1 to i32
      %cond3A_332 = arith.constant 0 : i32
      %cond3A_333 = arith.cmpi ne, %convert_element_type3A_331, %cond3A_332 : i32
      scf.if %cond3A_333 {
        %dma_wait3A_380 = arith.constant 0 : i32
        %dma_wait3A_381 = arith.constant 0 : i32
        %dma_wait3A_382 = arith.constant 0 : i32
        %dma_wait3A_383 = arith.constant 0 : i32
        %dma_wait3A_384 = tpu.memref_slice %arg17[%dma_wait3A_380, %dma_wait3A_382, %dma_wait3A_383] : memref<2x80x128xf32, #tpu.memory_space<vmem>> -> memref<1x80x128xf32, #tpu.memory_space<vmem>>
        %dma_wait3A_385 = tpu.memref_squeeze %dma_wait3A_384 : memref<1x80x128xf32, #tpu.memory_space<vmem>> -> memref<80x128xf32, #tpu.memory_space<vmem>>
        %dma_wait3A_386 = arith.constant 0 : i32
        %dma_wait3A_387 = tpu.memref_slice %arg13[%dma_wait3A_381, %dma_wait3A_386] : memref<3x80xi32, #tpu.memory_space<vmem>> -> memref<1x80xi32, #tpu.memory_space<vmem>>
        %dma_wait3A_388 = tpu.memref_squeeze %dma_wait3A_387 : memref<1x80xi32, #tpu.memory_space<vmem>> -> memref<80xi32, #tpu.memory_space<vmem>>
        %dma_wait3A_389 = arith.constant 0 : i32
        %dma_wait3A_390 = arith.constant 0 : i32
        %dma_wait3A_391 = tpu.memref_slice %arg20[%dma_wait3A_389, %dma_wait3A_390] : memref<10240x128xf32, #tpu.memory_space<vmem_shared>> -> memref<10240x128xf32, #tpu.memory_space<vmem_shared>>
        tpu.wait_indirect_dma semaphore(%arg26 : memref<!tpu.dma_semaphore, #tpu.memory_space<semaphore_mem>>) src(%dma_wait3A_385 : memref<80x128xf32, #tpu.memory_space<vmem>>) dst(%dma_wait3A_391 : memref<10240x128xf32, #tpu.memory_space<vmem_shared>>)
        %dma_wait3A_392 = arith.constant 0 : i32
        %dma_wait3A_393 = arith.constant 0 : i32
        %dma_wait3A_394 = arith.constant 0 : i32
        %dma_wait3A_395 = tpu.memref_slice %arg18[%dma_wait3A_392, %dma_wait3A_394] : memref<2x80xf32, #tpu.memory_space<vmem>> -> memref<1x80xf32, #tpu.memory_space<vmem>>
        %dma_wait3A_396 = tpu.memref_squeeze %dma_wait3A_395 : memref<1x80xf32, #tpu.memory_space<vmem>> -> memref<80xf32, #tpu.memory_space<vmem>>
        %dma_wait3A_397 = arith.constant 0 : i32
        %dma_wait3A_398 = tpu.memref_slice %arg13[%dma_wait3A_393, %dma_wait3A_397] : memref<3x80xi32, #tpu.memory_space<vmem>> -> memref<1x80xi32, #tpu.memory_space<vmem>>
        %dma_wait3A_399 = tpu.memref_squeeze %dma_wait3A_398 : memref<1x80xi32, #tpu.memory_space<vmem>> -> memref<80xi32, #tpu.memory_space<vmem>>
        %dma_wait3A_400 = arith.constant 0 : i32
        %dma_wait3A_401 = tpu.memref_slice %arg21[%dma_wait3A_400] : memref<10240xf32, #tpu.memory_space<vmem_shared>> -> memref<10240xf32, #tpu.memory_space<vmem_shared>>
        tpu.wait_indirect_dma semaphore(%arg26 : memref<!tpu.dma_semaphore, #tpu.memory_space<semaphore_mem>>) src(%dma_wait3A_396 : memref<80xf32, #tpu.memory_space<vmem>>) dst(%dma_wait3A_401 : memref<10240xf32, #tpu.memory_space<vmem_shared>>)
        %dma_wait3A_402 = arith.constant 0 : i32
        %dma_wait3A_403 = arith.constant 0 : i32
        %dma_wait3A_404 = tpu.memref_slice %arg13[%dma_wait3A_402, %dma_wait3A_403] : memref<3x80xi32, #tpu.memory_space<vmem>> -> memref<1x80xi32, #tpu.memory_space<vmem>>
        %dma_wait3A_405 = tpu.memref_squeeze %dma_wait3A_404 : memref<1x80xi32, #tpu.memory_space<vmem>> -> memref<80xi32, #tpu.memory_space<vmem>>
        %dma_wait3A_406 = arith.constant 0 : i32
        %dma_wait3A_407 = tpu.memref_slice %arg22[%dma_wait3A_406] : memref<10240xf32, #tpu.memory_space<vmem_shared>> -> memref<10240xf32, #tpu.memory_space<vmem_shared>>
        tpu.wait_indirect_dma semaphore(%arg26 : memref<!tpu.dma_semaphore, #tpu.memory_space<semaphore_mem>>) src(%arg19 : memref<80xf32, #tpu.memory_space<vmem>>) dst(%dma_wait3A_407 : memref<10240xf32, #tpu.memory_space<vmem_shared>>)
        %dma_wait3A_408 = arith.constant 0 : i32
        %dma_wait3A_409 = arith.constant 0 : i32
        %dma_wait3A_410 = arith.constant 0 : i32
        %dma_wait3A_411 = tpu.memref_slice %arg14[%dma_wait3A_408, %dma_wait3A_410] : memref<3x80xf32, #tpu.memory_space<vmem>> -> memref<1x80xf32, #tpu.memory_space<vmem>>
        %dma_wait3A_412 = tpu.memref_squeeze %dma_wait3A_411 : memref<1x80xf32, #tpu.memory_space<vmem>> -> memref<80xf32, #tpu.memory_space<vmem>>
        %dma_wait3A_413 = arith.constant 0 : i32
        %dma_wait3A_414 = tpu.memref_slice %arg13[%dma_wait3A_409, %dma_wait3A_413] : memref<3x80xi32, #tpu.memory_space<vmem>> -> memref<1x80xi32, #tpu.memory_space<vmem>>
        %dma_wait3A_415 = tpu.memref_squeeze %dma_wait3A_414 : memref<1x80xi32, #tpu.memory_space<vmem>> -> memref<80xi32, #tpu.memory_space<vmem>>
        %dma_wait3A_416 = arith.constant 0 : i32
        %dma_wait3A_417 = tpu.memref_slice %arg23[%dma_wait3A_416] : memref<10240xf32, #tpu.memory_space<vmem_shared>> -> memref<10240xf32, #tpu.memory_space<vmem_shared>>
        tpu.wait_indirect_dma semaphore(%arg26 : memref<!tpu.dma_semaphore, #tpu.memory_space<semaphore_mem>>) src(%dma_wait3A_412 : memref<80xf32, #tpu.memory_space<vmem>>) dst(%dma_wait3A_417 : memref<10240xf32, #tpu.memory_space<vmem_shared>>)
      } else {
      }
      %dma_start3A_334 = arith.constant 0 : i32
      %dma_start3A_335 = tpu.memref_slice %arg18[%rem3A_190, %dma_start3A_334] : memref<2x80xf32, #tpu.memory_space<vmem>> -> memref<1x80xf32, #tpu.memory_space<vmem>>
      %dma_start3A_336 = tpu.memref_squeeze %dma_start3A_335 : memref<1x80xf32, #tpu.memory_space<vmem>> -> memref<80xf32, #tpu.memory_space<vmem>>
      %dma_start3A_337 = arith.constant 0 : i32
      %dma_start3A_338 = tpu.memref_slice %arg13[%rem3A_192, %dma_start3A_337] : memref<3x80xi32, #tpu.memory_space<vmem>> -> memref<1x80xi32, #tpu.memory_space<vmem>>
      %dma_start3A_339 = tpu.memref_squeeze %dma_start3A_338 : memref<1x80xi32, #tpu.memory_space<vmem>> -> memref<80xi32, #tpu.memory_space<vmem>>
      %dma_start3A_340 = arith.constant 0 : i32
      %dma_start3A_341 = tpu.memref_slice %arg21[%dma_start3A_340] : memref<10240xf32, #tpu.memory_space<vmem_shared>> -> memref<10240xf32, #tpu.memory_space<vmem_shared>>
      tpu.enqueue_indirect_dma source(%dma_start3A_336 : memref<80xf32, #tpu.memory_space<vmem>>) target(%dma_start3A_341 : memref<10240xf32, #tpu.memory_space<vmem_shared>>) offsets(%dma_start3A_339 : memref<80xi32, #tpu.memory_space<vmem>>) semaphore(%arg26 : memref<!tpu.dma_semaphore, #tpu.memory_space<semaphore_mem>>) {add = true}
      %dma_start3A_342 = arith.constant 0 : i32
      %dma_start3A_343 = tpu.memref_slice %arg13[%rem3A_192, %dma_start3A_342] : memref<3x80xi32, #tpu.memory_space<vmem>> -> memref<1x80xi32, #tpu.memory_space<vmem>>
      %dma_start3A_344 = tpu.memref_squeeze %dma_start3A_343 : memref<1x80xi32, #tpu.memory_space<vmem>> -> memref<80xi32, #tpu.memory_space<vmem>>
      %dma_start3A_345 = arith.constant 0 : i32
      %dma_start3A_346 = tpu.memref_slice %arg22[%dma_start3A_345] : memref<10240xf32, #tpu.memory_space<vmem_shared>> -> memref<10240xf32, #tpu.memory_space<vmem_shared>>
      tpu.enqueue_indirect_dma source(%arg19 : memref<80xf32, #tpu.memory_space<vmem>>) target(%dma_start3A_346 : memref<10240xf32, #tpu.memory_space<vmem_shared>>) offsets(%dma_start3A_344 : memref<80xi32, #tpu.memory_space<vmem>>) semaphore(%arg26 : memref<!tpu.dma_semaphore, #tpu.memory_space<semaphore_mem>>) {add = true}
      %dma_start3A_347 = arith.constant 0 : i32
      %dma_start3A_348 = tpu.memref_slice %arg14[%rem3A_192, %dma_start3A_347] : memref<3x80xf32, #tpu.memory_space<vmem>> -> memref<1x80xf32, #tpu.memory_space<vmem>>
      %dma_start3A_349 = tpu.memref_squeeze %dma_start3A_348 : memref<1x80xf32, #tpu.memory_space<vmem>> -> memref<80xf32, #tpu.memory_space<vmem>>
      %dma_start3A_350 = arith.constant 0 : i32
      %dma_start3A_351 = tpu.memref_slice %arg13[%rem3A_192, %dma_start3A_350] : memref<3x80xi32, #tpu.memory_space<vmem>> -> memref<1x80xi32, #tpu.memory_space<vmem>>
      %dma_start3A_352 = tpu.memref_squeeze %dma_start3A_351 : memref<1x80xi32, #tpu.memory_space<vmem>> -> memref<80xi32, #tpu.memory_space<vmem>>
      %dma_start3A_353 = arith.constant 0 : i32
      %dma_start3A_354 = tpu.memref_slice %arg23[%dma_start3A_353] : memref<10240xf32, #tpu.memory_space<vmem_shared>> -> memref<10240xf32, #tpu.memory_space<vmem_shared>>
      tpu.enqueue_indirect_dma source(%dma_start3A_349 : memref<80xf32, #tpu.memory_space<vmem>>) target(%dma_start3A_354 : memref<10240xf32, #tpu.memory_space<vmem_shared>>) offsets(%dma_start3A_352 : memref<80xi32, #tpu.memory_space<vmem>>) semaphore(%arg26 : memref<!tpu.dma_semaphore, #tpu.memory_space<semaphore_mem>>) {add = true}
      %add3A_355 = arith.constant 1 : i32
      %add3A_356 = arith.addi %scan3A_188, %add3A_355 : i32
      %lt3A_357 = arith.constant 125 : i32
      %lt3A_358 = arith.cmpi slt, %add3A_356, %lt3A_357 : i32
      %convert_element_type3A_359 = arith.extui %lt3A_358 : i1 to i32
      %cond3A_360 = arith.constant 0 : i32
      %cond3A_361 = arith.cmpi ne, %convert_element_type3A_359, %cond3A_360 : i32
      scf.if %cond3A_361 {
        %dma_wait3A_380 = arith.constant 0 : i32
        %dma_wait3A_381 = arith.constant 0 : i32
        %dma_wait3A_382 = arith.constant 0 : i32
        %dma_wait3A_383 = tpu.memref_slice %arg12[%dma_wait3A_381, %dma_wait3A_382] : memref<3x80xi32, #tpu.memory_space<vmem>> -> memref<1x80xi32, #tpu.memory_space<vmem>>
        %dma_wait3A_384 = tpu.memref_squeeze %dma_wait3A_383 : memref<1x80xi32, #tpu.memory_space<vmem>> -> memref<80xi32, #tpu.memory_space<vmem>>
        %dma_wait3A_385 = arith.constant 0 : i32
        %dma_wait3A_386 = tpu.memref_slice %arg2[%add3A, %dma_wait3A_380, %dma_wait3A_385] : memref<32x125x80xi32, #tpu.memory_space<hbm>> -> memref<1x1x80xi32, #tpu.memory_space<hbm>>
        %dma_wait3A_387 = tpu.memref_squeeze %dma_wait3A_386 : memref<1x1x80xi32, #tpu.memory_space<hbm>> -> memref<80xi32, #tpu.memory_space<hbm>>
        %dma_wait3A_388 = arith.constant 0 : i32
        %dma_wait3A_389 = tpu.memref_slice %arg12[%dma_wait3A_381, %dma_wait3A_388] : memref<3x80xi32, #tpu.memory_space<vmem>> -> memref<1x80xi32, #tpu.memory_space<vmem>>
        %dma_wait3A_390 = tpu.memref_squeeze %dma_wait3A_389 : memref<1x80xi32, #tpu.memory_space<vmem>> -> memref<80xi32, #tpu.memory_space<vmem>>
        %dma_wait3A_391 = arith.constant 0 : i32
        %dma_wait3A_392 = tpu.memref_slice %arg2[%add3A, %dma_wait3A_380, %dma_wait3A_391] : memref<32x125x80xi32, #tpu.memory_space<hbm>> -> memref<1x1x80xi32, #tpu.memory_space<hbm>>
        %dma_wait3A_393 = tpu.memref_squeeze %dma_wait3A_392 : memref<1x1x80xi32, #tpu.memory_space<hbm>> -> memref<80xi32, #tpu.memory_space<hbm>>
        tpu.wait_dma2 semaphore(%arg24 : memref<!tpu.dma_semaphore, #tpu.memory_space<semaphore_mem>>) src(%dma_wait3A_393 : memref<80xi32, #tpu.memory_space<hbm>>) dst(%dma_wait3A_390 : memref<80xi32, #tpu.memory_space<vmem>>)
        %dma_wait3A_394 = arith.constant 0 : i32
        %dma_wait3A_395 = arith.constant 0 : i32
        %dma_wait3A_396 = arith.constant 0 : i32
        %dma_wait3A_397 = tpu.memref_slice %arg13[%dma_wait3A_395, %dma_wait3A_396] : memref<3x80xi32, #tpu.memory_space<vmem>> -> memref<1x80xi32, #tpu.memory_space<vmem>>
        %dma_wait3A_398 = tpu.memref_squeeze %dma_wait3A_397 : memref<1x80xi32, #tpu.memory_space<vmem>> -> memref<80xi32, #tpu.memory_space<vmem>>
        %dma_wait3A_399 = arith.constant 0 : i32
        %dma_wait3A_400 = tpu.memref_slice %arg3[%add3A, %dma_wait3A_394, %dma_wait3A_399] : memref<32x125x80xi32, #tpu.memory_space<hbm>> -> memref<1x1x80xi32, #tpu.memory_space<hbm>>
        %dma_wait3A_401 = tpu.memref_squeeze %dma_wait3A_400 : memref<1x1x80xi32, #tpu.memory_space<hbm>> -> memref<80xi32, #tpu.memory_space<hbm>>
        %dma_wait3A_402 = arith.constant 0 : i32
        %dma_wait3A_403 = tpu.memref_slice %arg13[%dma_wait3A_395, %dma_wait3A_402] : memref<3x80xi32, #tpu.memory_space<vmem>> -> memref<1x80xi32, #tpu.memory_space<vmem>>
        %dma_wait3A_404 = tpu.memref_squeeze %dma_wait3A_403 : memref<1x80xi32, #tpu.memory_space<vmem>> -> memref<80xi32, #tpu.memory_space<vmem>>
        %dma_wait3A_405 = arith.constant 0 : i32
        %dma_wait3A_406 = tpu.memref_slice %arg3[%add3A, %dma_wait3A_394, %dma_wait3A_405] : memref<32x125x80xi32, #tpu.memory_space<hbm>> -> memref<1x1x80xi32, #tpu.memory_space<hbm>>
        %dma_wait3A_407 = tpu.memref_squeeze %dma_wait3A_406 : memref<1x1x80xi32, #tpu.memory_space<hbm>> -> memref<80xi32, #tpu.memory_space<hbm>>
        tpu.wait_dma2 semaphore(%arg24 : memref<!tpu.dma_semaphore, #tpu.memory_space<semaphore_mem>>) src(%dma_wait3A_407 : memref<80xi32, #tpu.memory_space<hbm>>) dst(%dma_wait3A_404 : memref<80xi32, #tpu.memory_space<vmem>>)
        %dma_wait3A_408 = arith.constant 0 : i32
        %dma_wait3A_409 = arith.constant 0 : i32
        %dma_wait3A_410 = arith.constant 0 : i32
        %dma_wait3A_411 = tpu.memref_slice %arg14[%dma_wait3A_409, %dma_wait3A_410] : memref<3x80xf32, #tpu.memory_space<vmem>> -> memref<1x80xf32, #tpu.memory_space<vmem>>
        %dma_wait3A_412 = tpu.memref_squeeze %dma_wait3A_411 : memref<1x80xf32, #tpu.memory_space<vmem>> -> memref<80xf32, #tpu.memory_space<vmem>>
        %dma_wait3A_413 = arith.constant 0 : i32
        %dma_wait3A_414 = tpu.memref_slice %arg4[%add3A, %dma_wait3A_408, %dma_wait3A_413] : memref<32x125x80xf32, #tpu.memory_space<hbm>> -> memref<1x1x80xf32, #tpu.memory_space<hbm>>
        %dma_wait3A_415 = tpu.memref_squeeze %dma_wait3A_414 : memref<1x1x80xf32, #tpu.memory_space<hbm>> -> memref<80xf32, #tpu.memory_space<hbm>>
        %dma_wait3A_416 = arith.constant 0 : i32
        %dma_wait3A_417 = tpu.memref_slice %arg14[%dma_wait3A_409, %dma_wait3A_416] : memref<3x80xf32, #tpu.memory_space<vmem>> -> memref<1x80xf32, #tpu.memory_space<vmem>>
        %dma_wait3A_418 = tpu.memref_squeeze %dma_wait3A_417 : memref<1x80xf32, #tpu.memory_space<vmem>> -> memref<80xf32, #tpu.memory_space<vmem>>
        %dma_wait3A_419 = arith.constant 0 : i32
        %dma_wait3A_420 = tpu.memref_slice %arg4[%add3A, %dma_wait3A_408, %dma_wait3A_419] : memref<32x125x80xf32, #tpu.memory_space<hbm>> -> memref<1x1x80xf32, #tpu.memory_space<hbm>>
        %dma_wait3A_421 = tpu.memref_squeeze %dma_wait3A_420 : memref<1x1x80xf32, #tpu.memory_space<hbm>> -> memref<80xf32, #tpu.memory_space<hbm>>
        tpu.wait_dma2 semaphore(%arg24 : memref<!tpu.dma_semaphore, #tpu.memory_space<semaphore_mem>>) src(%dma_wait3A_421 : memref<80xf32, #tpu.memory_space<hbm>>) dst(%dma_wait3A_418 : memref<80xf32, #tpu.memory_space<vmem>>)
        %dma_start3A_422 = arith.constant 0 : i32
        %dma_start3A_423 = arith.constant 0 : i32
        %dma_start3A_424 = tpu.memref_slice %arg17[%sub3A_193, %dma_start3A_422, %dma_start3A_423] : memref<2x80x128xf32, #tpu.memory_space<vmem>> -> memref<1x80x128xf32, #tpu.memory_space<vmem>>
        %dma_start3A_425 = tpu.memref_squeeze %dma_start3A_424 : memref<1x80x128xf32, #tpu.memory_space<vmem>> -> memref<80x128xf32, #tpu.memory_space<vmem>>
        %dma_start3A_426 = arith.constant 0 : i32
        %dma_start3A_427 = tpu.memref_slice %arg12[%rem3A_197, %dma_start3A_426] : memref<3x80xi32, #tpu.memory_space<vmem>> -> memref<1x80xi32, #tpu.memory_space<vmem>>
        %dma_start3A_428 = tpu.memref_squeeze %dma_start3A_427 : memref<1x80xi32, #tpu.memory_space<vmem>> -> memref<80xi32, #tpu.memory_space<vmem>>
        %dma_start3A_429 = arith.constant 0 : i32
        %dma_start3A_430 = arith.constant 0 : i32
        %dma_start3A_431 = tpu.memref_slice %arg7[%dma_start3A_429, %dma_start3A_430] : memref<10240x128xf32, #tpu.memory_space<hbm>> -> memref<10240x128xf32, #tpu.memory_space<hbm>>
        tpu.enqueue_indirect_dma source(%dma_start3A_431 : memref<10240x128xf32, #tpu.memory_space<hbm>>) target(%dma_start3A_425 : memref<80x128xf32, #tpu.memory_space<vmem>>) offsets(%dma_start3A_428 : memref<80xi32, #tpu.memory_space<vmem>>) semaphore(%arg25 : memref<!tpu.dma_semaphore, #tpu.memory_space<semaphore_mem>>)
      } else {
      }
      %scan3A_362 = arith.constant 0 : i32
      %scan3A_363 = arith.constant 0 : i32
      %scan3A_364 = arith.constant 20 : i32
      %scan3A_365 = arith.addi %scan3A_363, %scan3A_364 : i32
      %scan3A_366 = arith.constant 1 : i32
      %scan3A_367 = scf.for %scan3A_380 = %scan3A_363 to %scan3A_365 step %scan3A_366 iter_args(%scan3A_381 = %scan3A_362) -> (i32)  : i32 {
        %mul3A_382 = arith.constant 4 : i32
        %mul3A_383 = arith.muli %scan3A_380, %mul3A_382 : i32
        %add3A_384 = arith.constant 0 : i32
        %add3A_385 = arith.addi %mul3A_383, %add3A_384 : i32
        %broadcast_in_dim3A_386 = vector.broadcast %add3A_385 : i32 to vector<16xi32>
        %gather3A_387 = arith.constant 0 : i32
        %gather3A_388 = tpu.memref_slice %arg18[%rem3A_190, %gather3A_387] : memref<2x80xf32, #tpu.memory_space<vmem>> -> memref<1x80xf32, #tpu.memory_space<vmem>>
        %gather3A_389 = tpu.memref_squeeze %gather3A_388 : memref<1x80xf32, #tpu.memory_space<vmem>> -> memref<80xf32, #tpu.memory_space<vmem>>
        %gather3A_390 = tpu.vector_load_idx %gather3A_389[%broadcast_in_dim3A_386] : memref<80xf32, #tpu.memory_space<vmem>>[vector<16xi32>], vector<16xf32>,
        %get3A_391 = arith.index_cast %rem3A_190 : i32 to index
        %get3A_392 = arith.index_cast %add3A_385 : i32 to index
        %get3A_393 = arith.constant 0 : index
        %get3A_394 = tpu.vector_load %arg17[%get3A_391, %get3A_392, %get3A_393] {strides = array<i32>} : memref<2x80x128xf32, #tpu.memory_space<vmem>>, vector<16xf32>,
        %mul3A_395 = arith.mulf %get3A_394, %gather3A_390 : vector<16xf32>
        %swap3A_396 = arith.index_cast %rem3A_190 : i32 to index
        %swap3A_397 = arith.index_cast %add3A_385 : i32 to index
        %swap3A_398 = arith.constant 0 : index
        %swap3A_399 = tpu.vector_load %arg17[%swap3A_396, %swap3A_397, %swap3A_398] {strides = array<i32>} : memref<2x80x128xf32, #tpu.memory_space<vmem>>, vector<16xf32>,
        tpu.vector_store %arg17[%swap3A_396, %swap3A_397, %swap3A_398], %mul3A_395 {strides = array<i32>} : memref<2x80x128xf32, #tpu.memory_space<vmem>>, vector<16xf32>,
        %get3A_400 = arith.index_cast %rem3A_190 : i32 to index
        %get3A_401 = arith.index_cast %add3A_385 : i32 to index
        %get3A_402 = arith.constant 16 : index
        %get3A_403 = tpu.vector_load %arg17[%get3A_400, %get3A_401, %get3A_402] {strides = array<i32>} : memref<2x80x128xf32, #tpu.memory_space<vmem>>, vector<16xf32>,
        %mul3A_404 = arith.mulf %get3A_403, %gather3A_390 : vector<16xf32>
        %swap3A_405 = arith.index_cast %rem3A_190 : i32 to index
        %swap3A_406 = arith.index_cast %add3A_385 : i32 to index
        %swap3A_407 = arith.constant 16 : index
        %swap3A_408 = tpu.vector_load %arg17[%swap3A_405, %swap3A_406, %swap3A_407] {strides = array<i32>} : memref<2x80x128xf32, #tpu.memory_space<vmem>>, vector<16xf32>,
        tpu.vector_store %arg17[%swap3A_405, %swap3A_406, %swap3A_407], %mul3A_404 {strides = array<i32>} : memref<2x80x128xf32, #tpu.memory_space<vmem>>, vector<16xf32>,
        %get3A_409 = arith.index_cast %rem3A_190 : i32 to index
        %get3A_410 = arith.index_cast %add3A_385 : i32 to index
        %get3A_411 = arith.constant 32 : index
        %get3A_412 = tpu.vector_load %arg17[%get3A_409, %get3A_410, %get3A_411] {strides = array<i32>} : memref<2x80x128xf32, #tpu.memory_space<vmem>>, vector<16xf32>,
        %mul3A_413 = arith.mulf %get3A_412, %gather3A_390 : vector<16xf32>
        %swap3A_414 = arith.index_cast %rem3A_190 : i32 to index
        %swap3A_415 = arith.index_cast %add3A_385 : i32 to index
        %swap3A_416 = arith.constant 32 : index
        %swap3A_417 = tpu.vector_load %arg17[%swap3A_414, %swap3A_415, %swap3A_416] {strides = array<i32>} : memref<2x80x128xf32, #tpu.memory_space<vmem>>, vector<16xf32>,
        tpu.vector_store %arg17[%swap3A_414, %swap3A_415, %swap3A_416], %mul3A_413 {strides = array<i32>} : memref<2x80x128xf32, #tpu.memory_space<vmem>>, vector<16xf32>,
        %get3A_418 = arith.index_cast %rem3A_190 : i32 to index
        %get3A_419 = arith.index_cast %add3A_385 : i32 to index
        %get3A_420 = arith.constant 48 : index
        %get3A_421 = tpu.vector_load %arg17[%get3A_418, %get3A_419, %get3A_420] {strides = array<i32>} : memref<2x80x128xf32, #tpu.memory_space<vmem>>, vector<16xf32>,
        %mul3A_422 = arith.mulf %get3A_421, %gather3A_390 : vector<16xf32>
        %swap3A_423 = arith.index_cast %rem3A_190 : i32 to index
        %swap3A_424 = arith.index_cast %add3A_385 : i32 to index
        %swap3A_425 = arith.constant 48 : index
        %swap3A_426 = tpu.vector_load %arg17[%swap3A_423, %swap3A_424, %swap3A_425] {strides = array<i32>} : memref<2x80x128xf32, #tpu.memory_space<vmem>>, vector<16xf32>,
        tpu.vector_store %arg17[%swap3A_423, %swap3A_424, %swap3A_425], %mul3A_422 {strides = array<i32>} : memref<2x80x128xf32, #tpu.memory_space<vmem>>, vector<16xf32>,
        %get3A_427 = arith.index_cast %rem3A_190 : i32 to index
        %get3A_428 = arith.index_cast %add3A_385 : i32 to index
        %get3A_429 = arith.constant 64 : index
        %get3A_430 = tpu.vector_load %arg17[%get3A_427, %get3A_428, %get3A_429] {strides = array<i32>} : memref<2x80x128xf32, #tpu.memory_space<vmem>>, vector<16xf32>,
        %mul3A_431 = arith.mulf %get3A_430, %gather3A_390 : vector<16xf32>
        %swap3A_432 = arith.index_cast %rem3A_190 : i32 to index
        %swap3A_433 = arith.index_cast %add3A_385 : i32 to index
        %swap3A_434 = arith.constant 64 : index
        %swap3A_435 = tpu.vector_load %arg17[%swap3A_432, %swap3A_433, %swap3A_434] {strides = array<i32>} : memref<2x80x128xf32, #tpu.memory_space<vmem>>, vector<16xf32>,
        tpu.vector_store %arg17[%swap3A_432, %swap3A_433, %swap3A_434], %mul3A_431 {strides = array<i32>} : memref<2x80x128xf32, #tpu.memory_space<vmem>>, vector<16xf32>,
        %get3A_436 = arith.index_cast %rem3A_190 : i32 to index
        %get3A_437 = arith.index_cast %add3A_385 : i32 to index
        %get3A_438 = arith.constant 80 : index
        %get3A_439 = tpu.vector_load %arg17[%get3A_436, %get3A_437, %get3A_438] {strides = array<i32>} : memref<2x80x128xf32, #tpu.memory_space<vmem>>, vector<16xf32>,
        %mul3A_440 = arith.mulf %get3A_439, %gather3A_390 : vector<16xf32>
        %swap3A_441 = arith.index_cast %rem3A_190 : i32 to index
        %swap3A_442 = arith.index_cast %add3A_385 : i32 to index
        %swap3A_443 = arith.constant 80 : index
        %swap3A_444 = tpu.vector_load %arg17[%swap3A_441, %swap3A_442, %swap3A_443] {strides = array<i32>} : memref<2x80x128xf32, #tpu.memory_space<vmem>>, vector<16xf32>,
        tpu.vector_store %arg17[%swap3A_441, %swap3A_442, %swap3A_443], %mul3A_440 {strides = array<i32>} : memref<2x80x128xf32, #tpu.memory_space<vmem>>, vector<16xf32>,
        %get3A_445 = arith.index_cast %rem3A_190 : i32 to index
        %get3A_446 = arith.index_cast %add3A_385 : i32 to index
        %get3A_447 = arith.constant 96 : index
        %get3A_448 = tpu.vector_load %arg17[%get3A_445, %get3A_446, %get3A_447] {strides = array<i32>} : memref<2x80x128xf32, #tpu.memory_space<vmem>>, vector<16xf32>,
        %mul3A_449 = arith.mulf %get3A_448, %gather3A_390 : vector<16xf32>
        %swap3A_450 = arith.index_cast %rem3A_190 : i32 to index
        %swap3A_451 = arith.index_cast %add3A_385 : i32 to index
        %swap3A_452 = arith.constant 96 : index
        %swap3A_453 = tpu.vector_load %arg17[%swap3A_450, %swap3A_451, %swap3A_452] {strides = array<i32>} : memref<2x80x128xf32, #tpu.memory_space<vmem>>, vector<16xf32>,
        tpu.vector_store %arg17[%swap3A_450, %swap3A_451, %swap3A_452], %mul3A_449 {strides = array<i32>} : memref<2x80x128xf32, #tpu.memory_space<vmem>>, vector<16xf32>,
        %get3A_454 = arith.index_cast %rem3A_190 : i32 to index
        %get3A_455 = arith.index_cast %add3A_385 : i32 to index
        %get3A_456 = arith.constant 112 : index
        %get3A_457 = tpu.vector_load %arg17[%get3A_454, %get3A_455, %get3A_456] {strides = array<i32>} : memref<2x80x128xf32, #tpu.memory_space<vmem>>, vector<16xf32>,
        %mul3A_458 = arith.mulf %get3A_457, %gather3A_390 : vector<16xf32>
        %swap3A_459 = arith.index_cast %rem3A_190 : i32 to index
        %swap3A_460 = arith.index_cast %add3A_385 : i32 to index
        %swap3A_461 = arith.constant 112 : index
        %swap3A_462 = tpu.vector_load %arg17[%swap3A_459, %swap3A_460, %swap3A_461] {strides = array<i32>} : memref<2x80x128xf32, #tpu.memory_space<vmem>>, vector<16xf32>,
        tpu.vector_store %arg17[%swap3A_459, %swap3A_460, %swap3A_461], %mul3A_458 {strides = array<i32>} : memref<2x80x128xf32, #tpu.memory_space<vmem>>, vector<16xf32>,
        %mul3A_463 = arith.constant 4 : i32
        %mul3A_464 = arith.muli %scan3A_380, %mul3A_463 : i32
        %add3A_465 = arith.constant 1 : i32
        %add3A_466 = arith.addi %mul3A_464, %add3A_465 : i32
        %broadcast_in_dim3A_467 = vector.broadcast %add3A_466 : i32 to vector<16xi32>
        %gather3A_468 = arith.constant 0 : i32
        %gather3A_469 = tpu.memref_slice %arg18[%rem3A_190, %gather3A_468] : memref<2x80xf32, #tpu.memory_space<vmem>> -> memref<1x80xf32, #tpu.memory_space<vmem>>
        %gather3A_470 = tpu.memref_squeeze %gather3A_469 : memref<1x80xf32, #tpu.memory_space<vmem>> -> memref<80xf32, #tpu.memory_space<vmem>>
        %gather3A_471 = tpu.vector_load_idx %gather3A_470[%broadcast_in_dim3A_467] : memref<80xf32, #tpu.memory_space<vmem>>[vector<16xi32>], vector<16xf32>,
        %get3A_472 = arith.index_cast %rem3A_190 : i32 to index
        %get3A_473 = arith.index_cast %add3A_466 : i32 to index
        %get3A_474 = arith.constant 0 : index
        %get3A_475 = tpu.vector_load %arg17[%get3A_472, %get3A_473, %get3A_474] {strides = array<i32>} : memref<2x80x128xf32, #tpu.memory_space<vmem>>, vector<16xf32>,
        %mul3A_476 = arith.mulf %get3A_475, %gather3A_471 : vector<16xf32>
        %swap3A_477 = arith.index_cast %rem3A_190 : i32 to index
        %swap3A_478 = arith.index_cast %add3A_466 : i32 to index
        %swap3A_479 = arith.constant 0 : index
        %swap3A_480 = tpu.vector_load %arg17[%swap3A_477, %swap3A_478, %swap3A_479] {strides = array<i32>} : memref<2x80x128xf32, #tpu.memory_space<vmem>>, vector<16xf32>,
        tpu.vector_store %arg17[%swap3A_477, %swap3A_478, %swap3A_479], %mul3A_476 {strides = array<i32>} : memref<2x80x128xf32, #tpu.memory_space<vmem>>, vector<16xf32>,
        %get3A_481 = arith.index_cast %rem3A_190 : i32 to index
        %get3A_482 = arith.index_cast %add3A_466 : i32 to index
        %get3A_483 = arith.constant 16 : index
        %get3A_484 = tpu.vector_load %arg17[%get3A_481, %get3A_482, %get3A_483] {strides = array<i32>} : memref<2x80x128xf32, #tpu.memory_space<vmem>>, vector<16xf32>,
        %mul3A_485 = arith.mulf %get3A_484, %gather3A_471 : vector<16xf32>
        %swap3A_486 = arith.index_cast %rem3A_190 : i32 to index
        %swap3A_487 = arith.index_cast %add3A_466 : i32 to index
        %swap3A_488 = arith.constant 16 : index
        %swap3A_489 = tpu.vector_load %arg17[%swap3A_486, %swap3A_487, %swap3A_488] {strides = array<i32>} : memref<2x80x128xf32, #tpu.memory_space<vmem>>, vector<16xf32>,
        tpu.vector_store %arg17[%swap3A_486, %swap3A_487, %swap3A_488], %mul3A_485 {strides = array<i32>} : memref<2x80x128xf32, #tpu.memory_space<vmem>>, vector<16xf32>,
        %get3A_490 = arith.index_cast %rem3A_190 : i32 to index
        %get3A_491 = arith.index_cast %add3A_466 : i32 to index
        %get3A_492 = arith.constant 32 : index
        %get3A_493 = tpu.vector_load %arg17[%get3A_490, %get3A_491, %get3A_492] {strides = array<i32>} : memref<2x80x128xf32, #tpu.memory_space<vmem>>, vector<16xf32>,
        %mul3A_494 = arith.mulf %get3A_493, %gather3A_471 : vector<16xf32>
        %swap3A_495 = arith.index_cast %rem3A_190 : i32 to index
        %swap3A_496 = arith.index_cast %add3A_466 : i32 to index
        %swap3A_497 = arith.constant 32 : index
        %swap3A_498 = tpu.vector_load %arg17[%swap3A_495, %swap3A_496, %swap3A_497] {strides = array<i32>} : memref<2x80x128xf32, #tpu.memory_space<vmem>>, vector<16xf32>,
        tpu.vector_store %arg17[%swap3A_495, %swap3A_496, %swap3A_497], %mul3A_494 {strides = array<i32>} : memref<2x80x128xf32, #tpu.memory_space<vmem>>, vector<16xf32>,
        %get3A_499 = arith.index_cast %rem3A_190 : i32 to index
        %get3A_500 = arith.index_cast %add3A_466 : i32 to index
        %get3A_501 = arith.constant 48 : index
        %get3A_502 = tpu.vector_load %arg17[%get3A_499, %get3A_500, %get3A_501] {strides = array<i32>} : memref<2x80x128xf32, #tpu.memory_space<vmem>>, vector<16xf32>,
        %mul3A_503 = arith.mulf %get3A_502, %gather3A_471 : vector<16xf32>
        %swap3A_504 = arith.index_cast %rem3A_190 : i32 to index
        %swap3A_505 = arith.index_cast %add3A_466 : i32 to index
        %swap3A_506 = arith.constant 48 : index
        %swap3A_507 = tpu.vector_load %arg17[%swap3A_504, %swap3A_505, %swap3A_506] {strides = array<i32>} : memref<2x80x128xf32, #tpu.memory_space<vmem>>, vector<16xf32>,
        tpu.vector_store %arg17[%swap3A_504, %swap3A_505, %swap3A_506], %mul3A_503 {strides = array<i32>} : memref<2x80x128xf32, #tpu.memory_space<vmem>>, vector<16xf32>,
        %get3A_508 = arith.index_cast %rem3A_190 : i32 to index
        %get3A_509 = arith.index_cast %add3A_466 : i32 to index
        %get3A_510 = arith.constant 64 : index
        %get3A_511 = tpu.vector_load %arg17[%get3A_508, %get3A_509, %get3A_510] {strides = array<i32>} : memref<2x80x128xf32, #tpu.memory_space<vmem>>, vector<16xf32>,
        %mul3A_512 = arith.mulf %get3A_511, %gather3A_471 : vector<16xf32>
        %swap3A_513 = arith.index_cast %rem3A_190 : i32 to index
        %swap3A_514 = arith.index_cast %add3A_466 : i32 to index
        %swap3A_515 = arith.constant 64 : index
        %swap3A_516 = tpu.vector_load %arg17[%swap3A_513, %swap3A_514, %swap3A_515] {strides = array<i32>} : memref<2x80x128xf32, #tpu.memory_space<vmem>>, vector<16xf32>,
        tpu.vector_store %arg17[%swap3A_513, %swap3A_514, %swap3A_515], %mul3A_512 {strides = array<i32>} : memref<2x80x128xf32, #tpu.memory_space<vmem>>, vector<16xf32>,
        %get3A_517 = arith.index_cast %rem3A_190 : i32 to index
        %get3A_518 = arith.index_cast %add3A_466 : i32 to index
        %get3A_519 = arith.constant 80 : index
        %get3A_520 = tpu.vector_load %arg17[%get3A_517, %get3A_518, %get3A_519] {strides = array<i32>} : memref<2x80x128xf32, #tpu.memory_space<vmem>>, vector<16xf32>,
        %mul3A_521 = arith.mulf %get3A_520, %gather3A_471 : vector<16xf32>
        %swap3A_522 = arith.index_cast %rem3A_190 : i32 to index
        %swap3A_523 = arith.index_cast %add3A_466 : i32 to index
        %swap3A_524 = arith.constant 80 : index
        %swap3A_525 = tpu.vector_load %arg17[%swap3A_522, %swap3A_523, %swap3A_524] {strides = array<i32>} : memref<2x80x128xf32, #tpu.memory_space<vmem>>, vector<16xf32>,
        tpu.vector_store %arg17[%swap3A_522, %swap3A_523, %swap3A_524], %mul3A_521 {strides = array<i32>} : memref<2x80x128xf32, #tpu.memory_space<vmem>>, vector<16xf32>,
        %get3A_526 = arith.index_cast %rem3A_190 : i32 to index
        %get3A_527 = arith.index_cast %add3A_466 : i32 to index
        %get3A_528 = arith.constant 96 : index
        %get3A_529 = tpu.vector_load %arg17[%get3A_526, %get3A_527, %get3A_528] {strides = array<i32>} : memref<2x80x128xf32, #tpu.memory_space<vmem>>, vector<16xf32>,
        %mul3A_530 = arith.mulf %get3A_529, %gather3A_471 : vector<16xf32>
        %swap3A_531 = arith.index_cast %rem3A_190 : i32 to index
        %swap3A_532 = arith.index_cast %add3A_466 : i32 to index
        %swap3A_533 = arith.constant 96 : index
        %swap3A_534 = tpu.vector_load %arg17[%swap3A_531, %swap3A_532, %swap3A_533] {strides = array<i32>} : memref<2x80x128xf32, #tpu.memory_space<vmem>>, vector<16xf32>,
        tpu.vector_store %arg17[%swap3A_531, %swap3A_532, %swap3A_533], %mul3A_530 {strides = array<i32>} : memref<2x80x128xf32, #tpu.memory_space<vmem>>, vector<16xf32>,
        %get3A_535 = arith.index_cast %rem3A_190 : i32 to index
        %get3A_536 = arith.index_cast %add3A_466 : i32 to index
        %get3A_537 = arith.constant 112 : index
        %get3A_538 = tpu.vector_load %arg17[%get3A_535, %get3A_536, %get3A_537] {strides = array<i32>} : memref<2x80x128xf32, #tpu.memory_space<vmem>>, vector<16xf32>,
        %mul3A_539 = arith.mulf %get3A_538, %gather3A_471 : vector<16xf32>
        %swap3A_540 = arith.index_cast %rem3A_190 : i32 to index
        %swap3A_541 = arith.index_cast %add3A_466 : i32 to index
        %swap3A_542 = arith.constant 112 : index
        %swap3A_543 = tpu.vector_load %arg17[%swap3A_540, %swap3A_541, %swap3A_542] {strides = array<i32>} : memref<2x80x128xf32, #tpu.memory_space<vmem>>, vector<16xf32>,
        tpu.vector_store %arg17[%swap3A_540, %swap3A_541, %swap3A_542], %mul3A_539 {strides = array<i32>} : memref<2x80x128xf32, #tpu.memory_space<vmem>>, vector<16xf32>,
        %mul3A_544 = arith.constant 4 : i32
        %mul3A_545 = arith.muli %scan3A_380, %mul3A_544 : i32
        %add3A_546 = arith.constant 2 : i32
        %add3A_547 = arith.addi %mul3A_545, %add3A_546 : i32
        %broadcast_in_dim3A_548 = vector.broadcast %add3A_547 : i32 to vector<16xi32>
        %gather3A_549 = arith.constant 0 : i32
        %gather3A_550 = tpu.memref_slice %arg18[%rem3A_190, %gather3A_549] : memref<2x80xf32, #tpu.memory_space<vmem>> -> memref<1x80xf32, #tpu.memory_space<vmem>>
        %gather3A_551 = tpu.memref_squeeze %gather3A_550 : memref<1x80xf32, #tpu.memory_space<vmem>> -> memref<80xf32, #tpu.memory_space<vmem>>
        %gather3A_552 = tpu.vector_load_idx %gather3A_551[%broadcast_in_dim3A_548] : memref<80xf32, #tpu.memory_space<vmem>>[vector<16xi32>], vector<16xf32>,
        %get3A_553 = arith.index_cast %rem3A_190 : i32 to index
        %get3A_554 = arith.index_cast %add3A_547 : i32 to index
        %get3A_555 = arith.constant 0 : index
        %get3A_556 = tpu.vector_load %arg17[%get3A_553, %get3A_554, %get3A_555] {strides = array<i32>} : memref<2x80x128xf32, #tpu.memory_space<vmem>>, vector<16xf32>,
        %mul3A_557 = arith.mulf %get3A_556, %gather3A_552 : vector<16xf32>
        %swap3A_558 = arith.index_cast %rem3A_190 : i32 to index
        %swap3A_559 = arith.index_cast %add3A_547 : i32 to index
        %swap3A_560 = arith.constant 0 : index
        %swap3A_561 = tpu.vector_load %arg17[%swap3A_558, %swap3A_559, %swap3A_560] {strides = array<i32>} : memref<2x80x128xf32, #tpu.memory_space<vmem>>, vector<16xf32>,
        tpu.vector_store %arg17[%swap3A_558, %swap3A_559, %swap3A_560], %mul3A_557 {strides = array<i32>} : memref<2x80x128xf32, #tpu.memory_space<vmem>>, vector<16xf32>,
        %get3A_562 = arith.index_cast %rem3A_190 : i32 to index
        %get3A_563 = arith.index_cast %add3A_547 : i32 to index
        %get3A_564 = arith.constant 16 : index
        %get3A_565 = tpu.vector_load %arg17[%get3A_562, %get3A_563, %get3A_564] {strides = array<i32>} : memref<2x80x128xf32, #tpu.memory_space<vmem>>, vector<16xf32>,
        %mul3A_566 = arith.mulf %get3A_565, %gather3A_552 : vector<16xf32>
        %swap3A_567 = arith.index_cast %rem3A_190 : i32 to index
        %swap3A_568 = arith.index_cast %add3A_547 : i32 to index
        %swap3A_569 = arith.constant 16 : index
        %swap3A_570 = tpu.vector_load %arg17[%swap3A_567, %swap3A_568, %swap3A_569] {strides = array<i32>} : memref<2x80x128xf32, #tpu.memory_space<vmem>>, vector<16xf32>,
        tpu.vector_store %arg17[%swap3A_567, %swap3A_568, %swap3A_569], %mul3A_566 {strides = array<i32>} : memref<2x80x128xf32, #tpu.memory_space<vmem>>, vector<16xf32>,
        %get3A_571 = arith.index_cast %rem3A_190 : i32 to index
        %get3A_572 = arith.index_cast %add3A_547 : i32 to index
        %get3A_573 = arith.constant 32 : index
        %get3A_574 = tpu.vector_load %arg17[%get3A_571, %get3A_572, %get3A_573] {strides = array<i32>} : memref<2x80x128xf32, #tpu.memory_space<vmem>>, vector<16xf32>,
        %mul3A_575 = arith.mulf %get3A_574, %gather3A_552 : vector<16xf32>
        %swap3A_576 = arith.index_cast %rem3A_190 : i32 to index
        %swap3A_577 = arith.index_cast %add3A_547 : i32 to index
        %swap3A_578 = arith.constant 32 : index
        %swap3A_579 = tpu.vector_load %arg17[%swap3A_576, %swap3A_577, %swap3A_578] {strides = array<i32>} : memref<2x80x128xf32, #tpu.memory_space<vmem>>, vector<16xf32>,
        tpu.vector_store %arg17[%swap3A_576, %swap3A_577, %swap3A_578], %mul3A_575 {strides = array<i32>} : memref<2x80x128xf32, #tpu.memory_space<vmem>>, vector<16xf32>,
        %get3A_580 = arith.index_cast %rem3A_190 : i32 to index
        %get3A_581 = arith.index_cast %add3A_547 : i32 to index
        %get3A_582 = arith.constant 48 : index
        %get3A_583 = tpu.vector_load %arg17[%get3A_580, %get3A_581, %get3A_582] {strides = array<i32>} : memref<2x80x128xf32, #tpu.memory_space<vmem>>, vector<16xf32>,
        %mul3A_584 = arith.mulf %get3A_583, %gather3A_552 : vector<16xf32>
        %swap3A_585 = arith.index_cast %rem3A_190 : i32 to index
        %swap3A_586 = arith.index_cast %add3A_547 : i32 to index
        %swap3A_587 = arith.constant 48 : index
        %swap3A_588 = tpu.vector_load %arg17[%swap3A_585, %swap3A_586, %swap3A_587] {strides = array<i32>} : memref<2x80x128xf32, #tpu.memory_space<vmem>>, vector<16xf32>,
        tpu.vector_store %arg17[%swap3A_585, %swap3A_586, %swap3A_587], %mul3A_584 {strides = array<i32>} : memref<2x80x128xf32, #tpu.memory_space<vmem>>, vector<16xf32>,
        %get3A_589 = arith.index_cast %rem3A_190 : i32 to index
        %get3A_590 = arith.index_cast %add3A_547 : i32 to index
        %get3A_591 = arith.constant 64 : index
        %get3A_592 = tpu.vector_load %arg17[%get3A_589, %get3A_590, %get3A_591] {strides = array<i32>} : memref<2x80x128xf32, #tpu.memory_space<vmem>>, vector<16xf32>,
        %mul3A_593 = arith.mulf %get3A_592, %gather3A_552 : vector<16xf32>
        %swap3A_594 = arith.index_cast %rem3A_190 : i32 to index
        %swap3A_595 = arith.index_cast %add3A_547 : i32 to index
        %swap3A_596 = arith.constant 64 : index
        %swap3A_597 = tpu.vector_load %arg17[%swap3A_594, %swap3A_595, %swap3A_596] {strides = array<i32>} : memref<2x80x128xf32, #tpu.memory_space<vmem>>, vector<16xf32>,
        tpu.vector_store %arg17[%swap3A_594, %swap3A_595, %swap3A_596], %mul3A_593 {strides = array<i32>} : memref<2x80x128xf32, #tpu.memory_space<vmem>>, vector<16xf32>,
        %get3A_598 = arith.index_cast %rem3A_190 : i32 to index
        %get3A_599 = arith.index_cast %add3A_547 : i32 to index
        %get3A_600 = arith.constant 80 : index
        %get3A_601 = tpu.vector_load %arg17[%get3A_598, %get3A_599, %get3A_600] {strides = array<i32>} : memref<2x80x128xf32, #tpu.memory_space<vmem>>, vector<16xf32>,
        %mul3A_602 = arith.mulf %get3A_601, %gather3A_552 : vector<16xf32>
        %swap3A_603 = arith.index_cast %rem3A_190 : i32 to index
        %swap3A_604 = arith.index_cast %add3A_547 : i32 to index
        %swap3A_605 = arith.constant 80 : index
        %swap3A_606 = tpu.vector_load %arg17[%swap3A_603, %swap3A_604, %swap3A_605] {strides = array<i32>} : memref<2x80x128xf32, #tpu.memory_space<vmem>>, vector<16xf32>,
        tpu.vector_store %arg17[%swap3A_603, %swap3A_604, %swap3A_605], %mul3A_602 {strides = array<i32>} : memref<2x80x128xf32, #tpu.memory_space<vmem>>, vector<16xf32>,
        %get3A_607 = arith.index_cast %rem3A_190 : i32 to index
        %get3A_608 = arith.index_cast %add3A_547 : i32 to index
        %get3A_609 = arith.constant 96 : index
        %get3A_610 = tpu.vector_load %arg17[%get3A_607, %get3A_608, %get3A_609] {strides = array<i32>} : memref<2x80x128xf32, #tpu.memory_space<vmem>>, vector<16xf32>,
        %mul3A_611 = arith.mulf %get3A_610, %gather3A_552 : vector<16xf32>
        %swap3A_612 = arith.index_cast %rem3A_190 : i32 to index
        %swap3A_613 = arith.index_cast %add3A_547 : i32 to index
        %swap3A_614 = arith.constant 96 : index
        %swap3A_615 = tpu.vector_load %arg17[%swap3A_612, %swap3A_613, %swap3A_614] {strides = array<i32>} : memref<2x80x128xf32, #tpu.memory_space<vmem>>, vector<16xf32>,
        tpu.vector_store %arg17[%swap3A_612, %swap3A_613, %swap3A_614], %mul3A_611 {strides = array<i32>} : memref<2x80x128xf32, #tpu.memory_space<vmem>>, vector<16xf32>,
        %get3A_616 = arith.index_cast %rem3A_190 : i32 to index
        %get3A_617 = arith.index_cast %add3A_547 : i32 to index
        %get3A_618 = arith.constant 112 : index
        %get3A_619 = tpu.vector_load %arg17[%get3A_616, %get3A_617, %get3A_618] {strides = array<i32>} : memref<2x80x128xf32, #tpu.memory_space<vmem>>, vector<16xf32>,
        %mul3A_620 = arith.mulf %get3A_619, %gather3A_552 : vector<16xf32>
        %swap3A_621 = arith.index_cast %rem3A_190 : i32 to index
        %swap3A_622 = arith.index_cast %add3A_547 : i32 to index
        %swap3A_623 = arith.constant 112 : index
        %swap3A_624 = tpu.vector_load %arg17[%swap3A_621, %swap3A_622, %swap3A_623] {strides = array<i32>} : memref<2x80x128xf32, #tpu.memory_space<vmem>>, vector<16xf32>,
        tpu.vector_store %arg17[%swap3A_621, %swap3A_622, %swap3A_623], %mul3A_620 {strides = array<i32>} : memref<2x80x128xf32, #tpu.memory_space<vmem>>, vector<16xf32>,
        %mul3A_625 = arith.constant 4 : i32
        %mul3A_626 = arith.muli %scan3A_380, %mul3A_625 : i32
        %add3A_627 = arith.constant 3 : i32
        %add3A_628 = arith.addi %mul3A_626, %add3A_627 : i32
        %broadcast_in_dim3A_629 = vector.broadcast %add3A_628 : i32 to vector<16xi32>
        %gather3A_630 = arith.constant 0 : i32
        %gather3A_631 = tpu.memref_slice %arg18[%rem3A_190, %gather3A_630] : memref<2x80xf32, #tpu.memory_space<vmem>> -> memref<1x80xf32, #tpu.memory_space<vmem>>
        %gather3A_632 = tpu.memref_squeeze %gather3A_631 : memref<1x80xf32, #tpu.memory_space<vmem>> -> memref<80xf32, #tpu.memory_space<vmem>>
        %gather3A_633 = tpu.vector_load_idx %gather3A_632[%broadcast_in_dim3A_629] : memref<80xf32, #tpu.memory_space<vmem>>[vector<16xi32>], vector<16xf32>,
        %get3A_634 = arith.index_cast %rem3A_190 : i32 to index
        %get3A_635 = arith.index_cast %add3A_628 : i32 to index
        %get3A_636 = arith.constant 0 : index
        %get3A_637 = tpu.vector_load %arg17[%get3A_634, %get3A_635, %get3A_636] {strides = array<i32>} : memref<2x80x128xf32, #tpu.memory_space<vmem>>, vector<16xf32>,
        %mul3A_638 = arith.mulf %get3A_637, %gather3A_633 : vector<16xf32>
        %swap3A_639 = arith.index_cast %rem3A_190 : i32 to index
        %swap3A_640 = arith.index_cast %add3A_628 : i32 to index
        %swap3A_641 = arith.constant 0 : index
        %swap3A_642 = tpu.vector_load %arg17[%swap3A_639, %swap3A_640, %swap3A_641] {strides = array<i32>} : memref<2x80x128xf32, #tpu.memory_space<vmem>>, vector<16xf32>,
        tpu.vector_store %arg17[%swap3A_639, %swap3A_640, %swap3A_641], %mul3A_638 {strides = array<i32>} : memref<2x80x128xf32, #tpu.memory_space<vmem>>, vector<16xf32>,
        %get3A_643 = arith.index_cast %rem3A_190 : i32 to index
        %get3A_644 = arith.index_cast %add3A_628 : i32 to index
        %get3A_645 = arith.constant 16 : index
        %get3A_646 = tpu.vector_load %arg17[%get3A_643, %get3A_644, %get3A_645] {strides = array<i32>} : memref<2x80x128xf32, #tpu.memory_space<vmem>>, vector<16xf32>,
        %mul3A_647 = arith.mulf %get3A_646, %gather3A_633 : vector<16xf32>
        %swap3A_648 = arith.index_cast %rem3A_190 : i32 to index
        %swap3A_649 = arith.index_cast %add3A_628 : i32 to index
        %swap3A_650 = arith.constant 16 : index
        %swap3A_651 = tpu.vector_load %arg17[%swap3A_648, %swap3A_649, %swap3A_650] {strides = array<i32>} : memref<2x80x128xf32, #tpu.memory_space<vmem>>, vector<16xf32>,
        tpu.vector_store %arg17[%swap3A_648, %swap3A_649, %swap3A_650], %mul3A_647 {strides = array<i32>} : memref<2x80x128xf32, #tpu.memory_space<vmem>>, vector<16xf32>,
        %get3A_652 = arith.index_cast %rem3A_190 : i32 to index
        %get3A_653 = arith.index_cast %add3A_628 : i32 to index
        %get3A_654 = arith.constant 32 : index
        %get3A_655 = tpu.vector_load %arg17[%get3A_652, %get3A_653, %get3A_654] {strides = array<i32>} : memref<2x80x128xf32, #tpu.memory_space<vmem>>, vector<16xf32>,
        %mul3A_656 = arith.mulf %get3A_655, %gather3A_633 : vector<16xf32>
        %swap3A_657 = arith.index_cast %rem3A_190 : i32 to index
        %swap3A_658 = arith.index_cast %add3A_628 : i32 to index
        %swap3A_659 = arith.constant 32 : index
        %swap3A_660 = tpu.vector_load %arg17[%swap3A_657, %swap3A_658, %swap3A_659] {strides = array<i32>} : memref<2x80x128xf32, #tpu.memory_space<vmem>>, vector<16xf32>,
        tpu.vector_store %arg17[%swap3A_657, %swap3A_658, %swap3A_659], %mul3A_656 {strides = array<i32>} : memref<2x80x128xf32, #tpu.memory_space<vmem>>, vector<16xf32>,
        %get3A_661 = arith.index_cast %rem3A_190 : i32 to index
        %get3A_662 = arith.index_cast %add3A_628 : i32 to index
        %get3A_663 = arith.constant 48 : index
        %get3A_664 = tpu.vector_load %arg17[%get3A_661, %get3A_662, %get3A_663] {strides = array<i32>} : memref<2x80x128xf32, #tpu.memory_space<vmem>>, vector<16xf32>,
        %mul3A_665 = arith.mulf %get3A_664, %gather3A_633 : vector<16xf32>
        %swap3A_666 = arith.index_cast %rem3A_190 : i32 to index
        %swap3A_667 = arith.index_cast %add3A_628 : i32 to index
        %swap3A_668 = arith.constant 48 : index
        %swap3A_669 = tpu.vector_load %arg17[%swap3A_666, %swap3A_667, %swap3A_668] {strides = array<i32>} : memref<2x80x128xf32, #tpu.memory_space<vmem>>, vector<16xf32>,
        tpu.vector_store %arg17[%swap3A_666, %swap3A_667, %swap3A_668], %mul3A_665 {strides = array<i32>} : memref<2x80x128xf32, #tpu.memory_space<vmem>>, vector<16xf32>,
        %get3A_670 = arith.index_cast %rem3A_190 : i32 to index
        %get3A_671 = arith.index_cast %add3A_628 : i32 to index
        %get3A_672 = arith.constant 64 : index
        %get3A_673 = tpu.vector_load %arg17[%get3A_670, %get3A_671, %get3A_672] {strides = array<i32>} : memref<2x80x128xf32, #tpu.memory_space<vmem>>, vector<16xf32>,
        %mul3A_674 = arith.mulf %get3A_673, %gather3A_633 : vector<16xf32>
        %swap3A_675 = arith.index_cast %rem3A_190 : i32 to index
        %swap3A_676 = arith.index_cast %add3A_628 : i32 to index
        %swap3A_677 = arith.constant 64 : index
        %swap3A_678 = tpu.vector_load %arg17[%swap3A_675, %swap3A_676, %swap3A_677] {strides = array<i32>} : memref<2x80x128xf32, #tpu.memory_space<vmem>>, vector<16xf32>,
        tpu.vector_store %arg17[%swap3A_675, %swap3A_676, %swap3A_677], %mul3A_674 {strides = array<i32>} : memref<2x80x128xf32, #tpu.memory_space<vmem>>, vector<16xf32>,
        %get3A_679 = arith.index_cast %rem3A_190 : i32 to index
        %get3A_680 = arith.index_cast %add3A_628 : i32 to index
        %get3A_681 = arith.constant 80 : index
        %get3A_682 = tpu.vector_load %arg17[%get3A_679, %get3A_680, %get3A_681] {strides = array<i32>} : memref<2x80x128xf32, #tpu.memory_space<vmem>>, vector<16xf32>,
        %mul3A_683 = arith.mulf %get3A_682, %gather3A_633 : vector<16xf32>
        %swap3A_684 = arith.index_cast %rem3A_190 : i32 to index
        %swap3A_685 = arith.index_cast %add3A_628 : i32 to index
        %swap3A_686 = arith.constant 80 : index
        %swap3A_687 = tpu.vector_load %arg17[%swap3A_684, %swap3A_685, %swap3A_686] {strides = array<i32>} : memref<2x80x128xf32, #tpu.memory_space<vmem>>, vector<16xf32>,
        tpu.vector_store %arg17[%swap3A_684, %swap3A_685, %swap3A_686], %mul3A_683 {strides = array<i32>} : memref<2x80x128xf32, #tpu.memory_space<vmem>>, vector<16xf32>,
        %get3A_688 = arith.index_cast %rem3A_190 : i32 to index
        %get3A_689 = arith.index_cast %add3A_628 : i32 to index
        %get3A_690 = arith.constant 96 : index
        %get3A_691 = tpu.vector_load %arg17[%get3A_688, %get3A_689, %get3A_690] {strides = array<i32>} : memref<2x80x128xf32, #tpu.memory_space<vmem>>, vector<16xf32>,
        %mul3A_692 = arith.mulf %get3A_691, %gather3A_633 : vector<16xf32>
        %swap3A_693 = arith.index_cast %rem3A_190 : i32 to index
        %swap3A_694 = arith.index_cast %add3A_628 : i32 to index
        %swap3A_695 = arith.constant 96 : index
        %swap3A_696 = tpu.vector_load %arg17[%swap3A_693, %swap3A_694, %swap3A_695] {strides = array<i32>} : memref<2x80x128xf32, #tpu.memory_space<vmem>>, vector<16xf32>,
        tpu.vector_store %arg17[%swap3A_693, %swap3A_694, %swap3A_695], %mul3A_692 {strides = array<i32>} : memref<2x80x128xf32, #tpu.memory_space<vmem>>, vector<16xf32>,
        %get3A_697 = arith.index_cast %rem3A_190 : i32 to index
        %get3A_698 = arith.index_cast %add3A_628 : i32 to index
        %get3A_699 = arith.constant 112 : index
        %get3A_700 = tpu.vector_load %arg17[%get3A_697, %get3A_698, %get3A_699] {strides = array<i32>} : memref<2x80x128xf32, #tpu.memory_space<vmem>>, vector<16xf32>,
        %mul3A_701 = arith.mulf %get3A_700, %gather3A_633 : vector<16xf32>
        %swap3A_702 = arith.index_cast %rem3A_190 : i32 to index
        %swap3A_703 = arith.index_cast %add3A_628 : i32 to index
        %swap3A_704 = arith.constant 112 : index
        %swap3A_705 = tpu.vector_load %arg17[%swap3A_702, %swap3A_703, %swap3A_704] {strides = array<i32>} : memref<2x80x128xf32, #tpu.memory_space<vmem>>, vector<16xf32>,
        tpu.vector_store %arg17[%swap3A_702, %swap3A_703, %swap3A_704], %mul3A_701 {strides = array<i32>} : memref<2x80x128xf32, #tpu.memory_space<vmem>>, vector<16xf32>,
        %scan3A_706 = arith.constant 0 : i32
        scf.yield %scan3A_706 : i32
      }
      %scan3A_368 = arith.constant 20 : i32
      %dma_start3A_369 = arith.constant 0 : i32
      %dma_start3A_370 = arith.constant 0 : i32
      %dma_start3A_371 = tpu.memref_slice %arg17[%rem3A_190, %dma_start3A_369, %dma_start3A_370] : memref<2x80x128xf32, #tpu.memory_space<vmem>> -> memref<1x80x128xf32, #tpu.memory_space<vmem>>
      %dma_start3A_372 = tpu.memref_squeeze %dma_start3A_371 : memref<1x80x128xf32, #tpu.memory_space<vmem>> -> memref<80x128xf32, #tpu.memory_space<vmem>>
      %dma_start3A_373 = arith.constant 0 : i32
      %dma_start3A_374 = tpu.memref_slice %arg13[%rem3A_192, %dma_start3A_373] : memref<3x80xi32, #tpu.memory_space<vmem>> -> memref<1x80xi32, #tpu.memory_space<vmem>>
      %dma_start3A_375 = tpu.memref_squeeze %dma_start3A_374 : memref<1x80xi32, #tpu.memory_space<vmem>> -> memref<80xi32, #tpu.memory_space<vmem>>
      %dma_start3A_376 = arith.constant 0 : i32
      %dma_start3A_377 = arith.constant 0 : i32
      %dma_start3A_378 = tpu.memref_slice %arg20[%dma_start3A_376, %dma_start3A_377] : memref<10240x128xf32, #tpu.memory_space<vmem_shared>> -> memref<10240x128xf32, #tpu.memory_space<vmem_shared>>
      tpu.enqueue_indirect_dma source(%dma_start3A_372 : memref<80x128xf32, #tpu.memory_space<vmem>>) target(%dma_start3A_378 : memref<10240x128xf32, #tpu.memory_space<vmem_shared>>) offsets(%dma_start3A_375 : memref<80xi32, #tpu.memory_space<vmem>>) semaphore(%arg26 : memref<!tpu.dma_semaphore, #tpu.memory_space<semaphore_mem>>) {add = true}
      %scan3A_379 = arith.constant 0 : i32
      scf.yield %scan3A_379 : i32
    }
    %scan3A_146 = arith.constant 125 : i32
    %dma_wait3A_147 = arith.constant 0 : i32
    %dma_wait3A_148 = arith.constant 0 : i32
    %dma_wait3A_149 = arith.constant 0 : i32
    %dma_wait3A_150 = arith.constant 0 : i32
    %dma_wait3A_151 = tpu.memref_slice %arg17[%dma_wait3A_147, %dma_wait3A_149, %dma_wait3A_150] : memref<2x80x128xf32, #tpu.memory_space<vmem>> -> memref<1x80x128xf32, #tpu.memory_space<vmem>>
    %dma_wait3A_152 = tpu.memref_squeeze %dma_wait3A_151 : memref<1x80x128xf32, #tpu.memory_space<vmem>> -> memref<80x128xf32, #tpu.memory_space<vmem>>
    %dma_wait3A_153 = arith.constant 0 : i32
    %dma_wait3A_154 = tpu.memref_slice %arg13[%dma_wait3A_148, %dma_wait3A_153] : memref<3x80xi32, #tpu.memory_space<vmem>> -> memref<1x80xi32, #tpu.memory_space<vmem>>
    %dma_wait3A_155 = tpu.memref_squeeze %dma_wait3A_154 : memref<1x80xi32, #tpu.memory_space<vmem>> -> memref<80xi32, #tpu.memory_space<vmem>>
    %dma_wait3A_156 = arith.constant 0 : i32
    %dma_wait3A_157 = arith.constant 0 : i32
    %dma_wait3A_158 = tpu.memref_slice %arg20[%dma_wait3A_156, %dma_wait3A_157] : memref<10240x128xf32, #tpu.memory_space<vmem_shared>> -> memref<10240x128xf32, #tpu.memory_space<vmem_shared>>
    tpu.wait_indirect_dma semaphore(%arg26 : memref<!tpu.dma_semaphore, #tpu.memory_space<semaphore_mem>>) src(%dma_wait3A_152 : memref<80x128xf32, #tpu.memory_space<vmem>>) dst(%dma_wait3A_158 : memref<10240x128xf32, #tpu.memory_space<vmem_shared>>)
    %dma_wait3A_159 = arith.constant 0 : i32
    %dma_wait3A_160 = arith.constant 0 : i32
    %dma_wait3A_161 = arith.constant 0 : i32
    %dma_wait3A_162 = tpu.memref_slice %arg18[%dma_wait3A_159, %dma_wait3A_161] : memref<2x80xf32, #tpu.memory_space<vmem>> -> memref<1x80xf32, #tpu.memory_space<vmem>>
    %dma_wait3A_163 = tpu.memref_squeeze %dma_wait3A_162 : memref<1x80xf32, #tpu.memory_space<vmem>> -> memref<80xf32, #tpu.memory_space<vmem>>
    %dma_wait3A_164 = arith.constant 0 : i32
    %dma_wait3A_165 = tpu.memref_slice %arg13[%dma_wait3A_160, %dma_wait3A_164] : memref<3x80xi32, #tpu.memory_space<vmem>> -> memref<1x80xi32, #tpu.memory_space<vmem>>
    %dma_wait3A_166 = tpu.memref_squeeze %dma_wait3A_165 : memref<1x80xi32, #tpu.memory_space<vmem>> -> memref<80xi32, #tpu.memory_space<vmem>>
    %dma_wait3A_167 = arith.constant 0 : i32
    %dma_wait3A_168 = tpu.memref_slice %arg21[%dma_wait3A_167] : memref<10240xf32, #tpu.memory_space<vmem_shared>> -> memref<10240xf32, #tpu.memory_space<vmem_shared>>
    tpu.wait_indirect_dma semaphore(%arg26 : memref<!tpu.dma_semaphore, #tpu.memory_space<semaphore_mem>>) src(%dma_wait3A_163 : memref<80xf32, #tpu.memory_space<vmem>>) dst(%dma_wait3A_168 : memref<10240xf32, #tpu.memory_space<vmem_shared>>)
    %dma_wait3A_169 = arith.constant 0 : i32
    %dma_wait3A_170 = arith.constant 0 : i32
    %dma_wait3A_171 = tpu.memref_slice %arg13[%dma_wait3A_169, %dma_wait3A_170] : memref<3x80xi32, #tpu.memory_space<vmem>> -> memref<1x80xi32, #tpu.memory_space<vmem>>
    %dma_wait3A_172 = tpu.memref_squeeze %dma_wait3A_171 : memref<1x80xi32, #tpu.memory_space<vmem>> -> memref<80xi32, #tpu.memory_space<vmem>>
    %dma_wait3A_173 = arith.constant 0 : i32
    %dma_wait3A_174 = tpu.memref_slice %arg22[%dma_wait3A_173] : memref<10240xf32, #tpu.memory_space<vmem_shared>> -> memref<10240xf32, #tpu.memory_space<vmem_shared>>
    tpu.wait_indirect_dma semaphore(%arg26 : memref<!tpu.dma_semaphore, #tpu.memory_space<semaphore_mem>>) src(%arg19 : memref<80xf32, #tpu.memory_space<vmem>>) dst(%dma_wait3A_174 : memref<10240xf32, #tpu.memory_space<vmem_shared>>)
    %dma_wait3A_175 = arith.constant 0 : i32
    %dma_wait3A_176 = arith.constant 0 : i32
    %dma_wait3A_177 = arith.constant 0 : i32
    %dma_wait3A_178 = tpu.memref_slice %arg14[%dma_wait3A_175, %dma_wait3A_177] : memref<3x80xf32, #tpu.memory_space<vmem>> -> memref<1x80xf32, #tpu.memory_space<vmem>>
    %dma_wait3A_179 = tpu.memref_squeeze %dma_wait3A_178 : memref<1x80xf32, #tpu.memory_space<vmem>> -> memref<80xf32, #tpu.memory_space<vmem>>
    %dma_wait3A_180 = arith.constant 0 : i32
    %dma_wait3A_181 = tpu.memref_slice %arg13[%dma_wait3A_176, %dma_wait3A_180] : memref<3x80xi32, #tpu.memory_space<vmem>> -> memref<1x80xi32, #tpu.memory_space<vmem>>
    %dma_wait3A_182 = tpu.memref_squeeze %dma_wait3A_181 : memref<1x80xi32, #tpu.memory_space<vmem>> -> memref<80xi32, #tpu.memory_space<vmem>>
    %dma_wait3A_183 = arith.constant 0 : i32
    %dma_wait3A_184 = tpu.memref_slice %arg23[%dma_wait3A_183] : memref<10240xf32, #tpu.memory_space<vmem_shared>> -> memref<10240xf32, #tpu.memory_space<vmem_shared>>
    tpu.wait_indirect_dma semaphore(%arg26 : memref<!tpu.dma_semaphore, #tpu.memory_space<semaphore_mem>>) src(%dma_wait3A_179 : memref<80xf32, #tpu.memory_space<vmem>>) dst(%dma_wait3A_184 : memref<10240xf32, #tpu.memory_space<vmem_shared>>)
    %barrier3A_185 = arith.constant 0 : index
    tpu.barrier barrier_id(%barrier3A_185)
    %mul3A_186 = arith.constant 640 : i32
    %mul3A_187 = arith.muli %arg1, %mul3A_186 : i32
    "tpu.region"() ({
      %run_scoped3A = tpu.sem_alloc : memref<!tpu.dma_semaphore, #tpu.memory_space<semaphore_mem>>
      %dma_start3A_188 = arith.constant 0 : i32
      %dma_start3A_189 = tpu.memref_slice %arg8[%arg0, %mul3A_187, %dma_start3A_188] : memref<2x10240x128xf32, #tpu.memory_space<hbm>> -> memref<1x640x128xf32, #tpu.memory_space<hbm>>
      %dma_start3A_190 = tpu.memref_squeeze %dma_start3A_189 : memref<1x640x128xf32, #tpu.memory_space<hbm>> -> memref<640x128xf32, #tpu.memory_space<hbm>>
      %dma_start3A_191 = arith.constant 0 : i32
      %dma_start3A_192 = tpu.memref_slice %arg20[%mul3A_187, %dma_start3A_191] : memref<10240x128xf32, #tpu.memory_space<vmem_shared>> -> memref<640x128xf32, #tpu.memory_space<vmem_shared>>
      tpu.enqueue_dma source(%dma_start3A_192 : memref<640x128xf32, #tpu.memory_space<vmem_shared>>) target(%dma_start3A_190 : memref<640x128xf32, #tpu.memory_space<hbm>>) target_semaphore(%run_scoped3A : memref<!tpu.dma_semaphore, #tpu.memory_space<semaphore_mem>>)
      %dma_wait3A_193 = arith.constant 0 : i32
      %dma_wait3A_194 = tpu.memref_slice %arg8[%arg0, %mul3A_187, %dma_wait3A_193] : memref<2x10240x128xf32, #tpu.memory_space<hbm>> -> memref<1x640x128xf32, #tpu.memory_space<hbm>>
      %dma_wait3A_195 = tpu.memref_squeeze %dma_wait3A_194 : memref<1x640x128xf32, #tpu.memory_space<hbm>> -> memref<640x128xf32, #tpu.memory_space<hbm>>
      %dma_wait3A_196 = arith.constant 0 : i32
      %dma_wait3A_197 = tpu.memref_slice %arg20[%mul3A_187, %dma_wait3A_196] : memref<10240x128xf32, #tpu.memory_space<vmem_shared>> -> memref<640x128xf32, #tpu.memory_space<vmem_shared>>
      tpu.wait_dma2 semaphore(%run_scoped3A : memref<!tpu.dma_semaphore, #tpu.memory_space<semaphore_mem>>) src(%dma_wait3A_197 : memref<640x128xf32, #tpu.memory_space<vmem_shared>>) dst(%dma_wait3A_195 : memref<640x128xf32, #tpu.memory_space<hbm>>)
      tpu.yield
    }) : () -> ()
    "tpu.region"() ({
      %run_scoped3A = tpu.sem_alloc : memref<!tpu.dma_semaphore, #tpu.memory_space<semaphore_mem>>
      %dma_start3A_188 = tpu.memref_slice %arg9[%arg0, %mul3A_187] : memref<2x10240xf32, #tpu.memory_space<hbm>> -> memref<1x640xf32, #tpu.memory_space<hbm>>
      %dma_start3A_189 = tpu.memref_squeeze %dma_start3A_188 : memref<1x640xf32, #tpu.memory_space<hbm>> -> memref<640xf32, #tpu.memory_space<hbm>>
      %dma_start3A_190 = tpu.memref_slice %arg21[%mul3A_187] : memref<10240xf32, #tpu.memory_space<vmem_shared>> -> memref<640xf32, #tpu.memory_space<vmem_shared>>
      tpu.enqueue_dma source(%dma_start3A_190 : memref<640xf32, #tpu.memory_space<vmem_shared>>) target(%dma_start3A_189 : memref<640xf32, #tpu.memory_space<hbm>>) target_semaphore(%run_scoped3A : memref<!tpu.dma_semaphore, #tpu.memory_space<semaphore_mem>>)
      %dma_wait3A_191 = tpu.memref_slice %arg9[%arg0, %mul3A_187] : memref<2x10240xf32, #tpu.memory_space<hbm>> -> memref<1x640xf32, #tpu.memory_space<hbm>>
      %dma_wait3A_192 = tpu.memref_squeeze %dma_wait3A_191 : memref<1x640xf32, #tpu.memory_space<hbm>> -> memref<640xf32, #tpu.memory_space<hbm>>
      %dma_wait3A_193 = tpu.memref_slice %arg21[%mul3A_187] : memref<10240xf32, #tpu.memory_space<vmem_shared>> -> memref<640xf32, #tpu.memory_space<vmem_shared>>
      tpu.wait_dma2 semaphore(%run_scoped3A : memref<!tpu.dma_semaphore, #tpu.memory_space<semaphore_mem>>) src(%dma_wait3A_193 : memref<640xf32, #tpu.memory_space<vmem_shared>>) dst(%dma_wait3A_192 : memref<640xf32, #tpu.memory_space<hbm>>)
      tpu.yield
    }) : () -> ()
    "tpu.region"() ({
      %run_scoped3A = tpu.sem_alloc : memref<!tpu.dma_semaphore, #tpu.memory_space<semaphore_mem>>
      %dma_start3A_188 = tpu.memref_slice %arg10[%arg0, %mul3A_187] : memref<2x10240xf32, #tpu.memory_space<hbm>> -> memref<1x640xf32, #tpu.memory_space<hbm>>
      %dma_start3A_189 = tpu.memref_squeeze %dma_start3A_188 : memref<1x640xf32, #tpu.memory_space<hbm>> -> memref<640xf32, #tpu.memory_space<hbm>>
      %dma_start3A_190 = tpu.memref_slice %arg22[%mul3A_187] : memref<10240xf32, #tpu.memory_space<vmem_shared>> -> memref<640xf32, #tpu.memory_space<vmem_shared>>
      tpu.enqueue_dma source(%dma_start3A_190 : memref<640xf32, #tpu.memory_space<vmem_shared>>) target(%dma_start3A_189 : memref<640xf32, #tpu.memory_space<hbm>>) target_semaphore(%run_scoped3A : memref<!tpu.dma_semaphore, #tpu.memory_space<semaphore_mem>>)
      %dma_wait3A_191 = tpu.memref_slice %arg10[%arg0, %mul3A_187] : memref<2x10240xf32, #tpu.memory_space<hbm>> -> memref<1x640xf32, #tpu.memory_space<hbm>>
      %dma_wait3A_192 = tpu.memref_squeeze %dma_wait3A_191 : memref<1x640xf32, #tpu.memory_space<hbm>> -> memref<640xf32, #tpu.memory_space<hbm>>
      %dma_wait3A_193 = tpu.memref_slice %arg22[%mul3A_187] : memref<10240xf32, #tpu.memory_space<vmem_shared>> -> memref<640xf32, #tpu.memory_space<vmem_shared>>
      tpu.wait_dma2 semaphore(%run_scoped3A : memref<!tpu.dma_semaphore, #tpu.memory_space<semaphore_mem>>) src(%dma_wait3A_193 : memref<640xf32, #tpu.memory_space<vmem_shared>>) dst(%dma_wait3A_192 : memref<640xf32, #tpu.memory_space<hbm>>)
      tpu.yield
    }) : () -> ()
    "tpu.region"() ({
      %run_scoped3A = tpu.sem_alloc : memref<!tpu.dma_semaphore, #tpu.memory_space<semaphore_mem>>
      %dma_start3A_188 = tpu.memref_slice %arg11[%arg0, %mul3A_187] : memref<2x10240xf32, #tpu.memory_space<hbm>> -> memref<1x640xf32, #tpu.memory_space<hbm>>
      %dma_start3A_189 = tpu.memref_squeeze %dma_start3A_188 : memref<1x640xf32, #tpu.memory_space<hbm>> -> memref<640xf32, #tpu.memory_space<hbm>>
      %dma_start3A_190 = tpu.memref_slice %arg23[%mul3A_187] : memref<10240xf32, #tpu.memory_space<vmem_shared>> -> memref<640xf32, #tpu.memory_space<vmem_shared>>
      tpu.enqueue_dma source(%dma_start3A_190 : memref<640xf32, #tpu.memory_space<vmem_shared>>) target(%dma_start3A_189 : memref<640xf32, #tpu.memory_space<hbm>>) target_semaphore(%run_scoped3A : memref<!tpu.dma_semaphore, #tpu.memory_space<semaphore_mem>>)
      %dma_wait3A_191 = tpu.memref_slice %arg11[%arg0, %mul3A_187] : memref<2x10240xf32, #tpu.memory_space<hbm>> -> memref<1x640xf32, #tpu.memory_space<hbm>>
      %dma_wait3A_192 = tpu.memref_squeeze %dma_wait3A_191 : memref<1x640xf32, #tpu.memory_space<hbm>> -> memref<640xf32, #tpu.memory_space<hbm>>
      %dma_wait3A_193 = tpu.memref_slice %arg23[%mul3A_187] : memref<10240xf32, #tpu.memory_space<vmem_shared>> -> memref<640xf32, #tpu.memory_space<vmem_shared>>
      tpu.wait_dma2 semaphore(%run_scoped3A : memref<!tpu.dma_semaphore, #tpu.memory_space<semaphore_mem>>) src(%dma_wait3A_193 : memref<640xf32, #tpu.memory_space<vmem_shared>>) dst(%dma_wait3A_192 : memref<640xf32, #tpu.memory_space<hbm>>)
      tpu.yield
    }) : () -> ()
    return
  }
}

module attributes {stable_mosaic.version = 14 : i64} {
  func.func @_edge_logit_body(%arg0: i32, %arg1: memref<512x16xf32, #tpu.memory_space<vmem>>, %arg2: memref<16x128xf32, #tpu.memory_space<vmem>>, %arg3: memref<128xf32, #tpu.memory_space<vmem>>, %arg4: memref<512xf32, #tpu.memory_space<vmem>>) attributes {dimension_semantics = [#tpu.dimension_semantics<arbitrary>], iteration_bounds = array<i64: 625>, scalar_prefetch = 0 : i64, scratch_operands = 0 : i64, tpu.core_type = #tpu.core_type<tc>, window_params = [{transform_indices = @transform_0, window_bounds = array<i64: 512, 16>}, {pipeline_mode = #tpu.pipeline_mode<synchronous>, transform_indices = @transform_1, window_bounds = array<i64: 16, 128>}, {pipeline_mode = #tpu.pipeline_mode<synchronous>, transform_indices = @transform_2, window_bounds = array<i64: 128>}, {transform_indices = @transform_3, window_bounds = array<i64: 512>}]} {
    %get3A = arith.constant 0 : index
    %get3A_0 = arith.constant 0 : index
    %get3A_1 = vector.load %arg2[%get3A, %get3A_0] : memref<16x128xf32, #tpu.memory_space<vmem>>, vector<16x128xf32>
    %get3A_2 = arith.constant 0 : index
    %get3A_3 = vector.load %arg3[%get3A_2] : memref<128xf32, #tpu.memory_space<vmem>>, vector<128xf32>
    %broadcast_in_dim3A = vector.shape_cast %get3A_3 : vector<128xf32> to vector<1x128xf32>
    %mul3A = vector.broadcast %broadcast_in_dim3A : vector<1x128xf32> to vector<16x128xf32>
    %mul3A_4 = arith.mulf %get3A_1, %mul3A : vector<16x128xf32>
    %reduce_sum3A = arith.constant dense<0.000000e+00> : vector<16xf32>
    %reduce_sum3A_5 = vector.multi_reduction <add>, %mul3A_4, %reduce_sum3A [1] : vector<16x128xf32> to vector<16xf32>
    %get3A_6 = arith.constant 0 : index
    %get3A_7 = arith.constant 0 : index
    %get3A_8 = vector.load %arg1[%get3A_6, %get3A_7] : memref<512x16xf32, #tpu.memory_space<vmem>>, vector<512x16xf32>
    %dot_general3A = arith.constant dense<0.000000e+00> : vector<512xf32>
    %dot_general3A_9 = tpu.matmul %get3A_8, %reduce_sum3A_5, %dot_general3A {dimension_numbers = #tpu.dot_dimension_numbers<[1], [0], [0], [], [0, 0], [], []>, transpose_lhs_hint = false} : vector<512x16xf32>, vector<16xf32>, vector<512xf32> -> vector<512xf32>
    %swap3A = arith.constant 0 : index
    %swap3A_10 = vector.load %arg4[%swap3A] : memref<512xf32, #tpu.memory_space<vmem>>, vector<512xf32>
    tpu.vector_store %arg4[%swap3A], %dot_general3A_9 {strides = array<i32>} : memref<512xf32, #tpu.memory_space<vmem>>, vector<512xf32>,
    return
  }
  func.func @transform_0(%arg0: i32) -> (i32, i32) {
    %c0_i32 = arith.constant 0 : i32
    %c0_i32_0 = arith.constant 0 : i32
    return %arg0, %c0_i32 : i32, i32
  }
  func.func @transform_1(%arg0: i32) -> (i32, i32) {
    %c0_i32 = arith.constant 0 : i32
    %c0_i32_0 = arith.constant 0 : i32
    %c0_i32_1 = arith.constant 0 : i32
    return %c0_i32, %c0_i32_0 : i32, i32
  }
  func.func @transform_2(%arg0: i32) -> i32 {
    %c0_i32 = arith.constant 0 : i32
    %c0_i32_0 = arith.constant 0 : i32
    return %c0_i32 : i32
  }
  func.func @transform_3(%arg0: i32) -> i32 {
    %c0_i32 = arith.constant 0 : i32
    return %arg0 : i32
  }
}

module attributes {stable_mosaic.version = 14 : i64} {
  func.func @_node_proj_body(%arg0: i32, %arg1: memref<256x128xf32, #tpu.memory_space<vmem>>, %arg2: memref<128x128xf32, #tpu.memory_space<vmem>>, %arg3: memref<128xf32, #tpu.memory_space<vmem>>, %arg4: memref<128xf32, #tpu.memory_space<vmem>>, %arg5: memref<256x128xf32, #tpu.memory_space<vmem>>, %arg6: memref<256xf32, #tpu.memory_space<vmem>>, %arg7: memref<256xf32, #tpu.memory_space<vmem>>) attributes {dimension_semantics = [#tpu.dimension_semantics<arbitrary>], iteration_bounds = array<i64: 40>, scalar_prefetch = 0 : i64, scratch_operands = 0 : i64, tpu.core_type = #tpu.core_type<tc>, window_params = [{transform_indices = @transform_0, window_bounds = array<i64: 256, 128>}, {pipeline_mode = #tpu.pipeline_mode<synchronous>, transform_indices = @transform_1, window_bounds = array<i64: 128, 128>}, {pipeline_mode = #tpu.pipeline_mode<synchronous>, transform_indices = @transform_2, window_bounds = array<i64: 128>}, {pipeline_mode = #tpu.pipeline_mode<synchronous>, transform_indices = @transform_3, window_bounds = array<i64: 128>}, {transform_indices = @transform_4, window_bounds = array<i64: 256, 128>}, {transform_indices = @transform_5, window_bounds = array<i64: 256>}, {transform_indices = @transform_6, window_bounds = array<i64: 256>}]} {
    %get3A = arith.constant 0 : index
    %get3A_0 = arith.constant 0 : index
    %get3A_1 = vector.load %arg1[%get3A, %get3A_0] : memref<256x128xf32, #tpu.memory_space<vmem>>, vector<256x128xf32>
    %get3A_2 = arith.constant 0 : index
    %get3A_3 = arith.constant 0 : index
    %get3A_4 = vector.load %arg2[%get3A_2, %get3A_3] : memref<128x128xf32, #tpu.memory_space<vmem>>, vector<128x128xf32>
    %dot_general3A = arith.constant dense<0.000000e+00> : vector<256x128xf32>
    %dot_general3A_5 = tpu.matmul %get3A_1, %get3A_4, %dot_general3A {dimension_numbers = #tpu.dot_dimension_numbers<[1], [0], [0], [1], [0, 0, 1, 1], [], []>, transpose_lhs_hint = false} : vector<256x128xf32>, vector<128x128xf32>, vector<256x128xf32> -> vector<256x128xf32>
    %swap3A = arith.constant 0 : index
    %swap3A_6 = arith.constant 0 : index
    %swap3A_7 = vector.load %arg5[%swap3A, %swap3A_6] : memref<256x128xf32, #tpu.memory_space<vmem>>, vector<256x128xf32>
    tpu.vector_store %arg5[%swap3A, %swap3A_6], %dot_general3A_5 {strides = array<i32>} : memref<256x128xf32, #tpu.memory_space<vmem>>, vector<256x128xf32>,
    %get3A_8 = arith.constant 0 : index
    %get3A_9 = vector.load %arg3[%get3A_8] : memref<128xf32, #tpu.memory_space<vmem>>, vector<128xf32>
    %dot_general3A_10 = arith.constant dense<0.000000e+00> : vector<256xf32>
    %dot_general3A_11 = tpu.matmul %dot_general3A_5, %get3A_9, %dot_general3A_10 {dimension_numbers = #tpu.dot_dimension_numbers<[1], [0], [0], [], [0, 0], [], []>, transpose_lhs_hint = false} : vector<256x128xf32>, vector<128xf32>, vector<256xf32> -> vector<256xf32>
    %swap3A_12 = arith.constant 0 : index
    %swap3A_13 = vector.load %arg6[%swap3A_12] : memref<256xf32, #tpu.memory_space<vmem>>, vector<256xf32>
    tpu.vector_store %arg6[%swap3A_12], %dot_general3A_11 {strides = array<i32>} : memref<256xf32, #tpu.memory_space<vmem>>, vector<256xf32>,
    %get3A_14 = arith.constant 0 : index
    %get3A_15 = vector.load %arg4[%get3A_14] : memref<128xf32, #tpu.memory_space<vmem>>, vector<128xf32>
    %dot_general3A_16 = arith.constant dense<0.000000e+00> : vector<256xf32>
    %dot_general3A_17 = tpu.matmul %dot_general3A_5, %get3A_15, %dot_general3A_16 {dimension_numbers = #tpu.dot_dimension_numbers<[1], [0], [0], [], [0, 0], [], []>, transpose_lhs_hint = false} : vector<256x128xf32>, vector<128xf32>, vector<256xf32> -> vector<256xf32>
    %swap3A_18 = arith.constant 0 : index
    %swap3A_19 = vector.load %arg7[%swap3A_18] : memref<256xf32, #tpu.memory_space<vmem>>, vector<256xf32>
    tpu.vector_store %arg7[%swap3A_18], %dot_general3A_17 {strides = array<i32>} : memref<256xf32, #tpu.memory_space<vmem>>, vector<256xf32>,
    return
  }
  func.func @transform_0(%arg0: i32) -> (i32, i32) {
    %c0_i32 = arith.constant 0 : i32
    %c0_i32_0 = arith.constant 0 : i32
    return %arg0, %c0_i32 : i32, i32
  }
  func.func @transform_1(%arg0: i32) -> (i32, i32) {
    %c0_i32 = arith.constant 0 : i32
    %c0_i32_0 = arith.constant 0 : i32
    %c0_i32_1 = arith.constant 0 : i32
    return %c0_i32, %c0_i32_0 : i32, i32
  }
  func.func @transform_2(%arg0: i32) -> i32 {
    %c0_i32 = arith.constant 0 : i32
    %c0_i32_0 = arith.constant 0 : i32
    return %c0_i32 : i32
  }
  func.func @transform_3(%arg0: i32) -> i32 {
    %c0_i32 = arith.constant 0 : i32
    %c0_i32_0 = arith.constant 0 : i32
    return %c0_i32 : i32
  }
  func.func @transform_4(%arg0: i32) -> (i32, i32) {
    %c0_i32 = arith.constant 0 : i32
    %c0_i32_0 = arith.constant 0 : i32
    return %arg0, %c0_i32 : i32, i32
  }
  func.func @transform_5(%arg0: i32) -> i32 {
    %c0_i32 = arith.constant 0 : i32
    return %arg0 : i32
  }
  func.func @transform_6(%arg0: i32) -> i32 {
    %c0_i32 = arith.constant 0 : i32
    return %arg0 : i32
  }
}

module attributes {stable_mosaic.version = 14 : i64} {
  func.func @_finalize_body(%arg0: i32, %arg1: memref<2x256x128xf32, #tpu.memory_space<vmem>>, %arg2: memref<2x256xf32, #tpu.memory_space<vmem>>, %arg3: memref<2x256xf32, #tpu.memory_space<vmem>>, %arg4: memref<2x256xf32, #tpu.memory_space<vmem>>, %arg5: memref<256x128xf32, #tpu.memory_space<vmem>>, %arg6: memref<256xf32, #tpu.memory_space<vmem>>, %arg7: memref<256xf32, #tpu.memory_space<vmem>>, %arg8: memref<128xf32, #tpu.memory_space<vmem>>, %arg9: memref<128xf32, #tpu.memory_space<vmem>>, %arg10: memref<1xf32, #tpu.memory_space<vmem>>, %arg11: memref<256xf32, #tpu.memory_space<vmem>>) attributes {dimension_semantics = [#tpu.dimension_semantics<arbitrary>], iteration_bounds = array<i64: 40>, scalar_prefetch = 0 : i64, scratch_operands = 0 : i64, tpu.core_type = #tpu.core_type<tc>, window_params = [{transform_indices = @transform_0, window_bounds = array<i64: 2, 256, 128>}, {transform_indices = @transform_1, window_bounds = array<i64: 2, 256>}, {transform_indices = @transform_2, window_bounds = array<i64: 2, 256>}, {transform_indices = @transform_3, window_bounds = array<i64: 2, 256>}, {transform_indices = @transform_4, window_bounds = array<i64: 256, 128>}, {transform_indices = @transform_5, window_bounds = array<i64: 256>}, {transform_indices = @transform_6, window_bounds = array<i64: 256>}, {pipeline_mode = #tpu.pipeline_mode<synchronous>, transform_indices = @transform_7, window_bounds = array<i64: 128>}, {pipeline_mode = #tpu.pipeline_mode<synchronous>, transform_indices = @transform_8, window_bounds = array<i64: 128>}, {pipeline_mode = #tpu.pipeline_mode<synchronous>, transform_indices = @transform_9, window_bounds = array<i64: 1>}, {transform_indices = @transform_10, window_bounds = array<i64: 256>}]} {
    %get3A = arith.constant 0 : index
    %get3A_0 = arith.constant 0 : index
    %get3A_1 = vector.load %arg3[%get3A, %get3A_0] : memref<2x256xf32, #tpu.memory_space<vmem>>, vector<1x256xf32>
    %get3A_2 = vector.shape_cast %get3A_1 : vector<1x256xf32> to vector<256xf32>
    %get3A_3 = arith.constant 1 : index
    %get3A_4 = arith.constant 0 : index
    %get3A_5 = vector.load %arg3[%get3A_3, %get3A_4] : memref<2x256xf32, #tpu.memory_space<vmem>>, vector<1x256xf32>
    %get3A_6 = vector.shape_cast %get3A_5 : vector<1x256xf32> to vector<256xf32>
    %add3A = arith.addf %get3A_2, %get3A_6 : vector<256xf32>
    %get3A_7 = arith.constant 0 : index
    %get3A_8 = arith.constant 0 : index
    %get3A_9 = vector.load %arg4[%get3A_7, %get3A_8] : memref<2x256xf32, #tpu.memory_space<vmem>>, vector<1x256xf32>
    %get3A_10 = vector.shape_cast %get3A_9 : vector<1x256xf32> to vector<256xf32>
    %get3A_11 = arith.constant 1 : index
    %get3A_12 = arith.constant 0 : index
    %get3A_13 = vector.load %arg4[%get3A_11, %get3A_12] : memref<2x256xf32, #tpu.memory_space<vmem>>, vector<1x256xf32>
    %get3A_14 = vector.shape_cast %get3A_13 : vector<1x256xf32> to vector<256xf32>
    %add3A_15 = arith.addf %get3A_10, %get3A_14 : vector<256xf32>
    %get3A_16 = arith.constant 0 : index
    %get3A_17 = arith.constant 0 : index
    %get3A_18 = vector.load %arg2[%get3A_16, %get3A_17] : memref<2x256xf32, #tpu.memory_space<vmem>>, vector<1x256xf32>
    %get3A_19 = vector.shape_cast %get3A_18 : vector<1x256xf32> to vector<256xf32>
    %get3A_20 = arith.constant 1 : index
    %get3A_21 = arith.constant 0 : index
    %get3A_22 = vector.load %arg2[%get3A_20, %get3A_21] : memref<2x256xf32, #tpu.memory_space<vmem>>, vector<1x256xf32>
    %get3A_23 = vector.shape_cast %get3A_22 : vector<1x256xf32> to vector<256xf32>
    %add3A_24 = arith.addf %get3A_19, %get3A_23 : vector<256xf32>
    %get3A_25 = arith.constant 0 : index
    %get3A_26 = arith.constant 0 : index
    %get3A_27 = arith.constant 0 : index
    %get3A_28 = vector.load %arg1[%get3A_25, %get3A_26, %get3A_27] : memref<2x256x128xf32, #tpu.memory_space<vmem>>, vector<1x256x128xf32>
    %get3A_29 = vector.shape_cast %get3A_28 : vector<1x256x128xf32> to vector<256x128xf32>
    %get3A_30 = arith.constant 1 : index
    %get3A_31 = arith.constant 0 : index
    %get3A_32 = arith.constant 0 : index
    %get3A_33 = vector.load %arg1[%get3A_30, %get3A_31, %get3A_32] : memref<2x256x128xf32, #tpu.memory_space<vmem>>, vector<1x256x128xf32>
    %get3A_34 = vector.shape_cast %get3A_33 : vector<1x256x128xf32> to vector<256x128xf32>
    %add3A_35 = arith.addf %get3A_29, %get3A_34 : vector<256x128xf32>
    %max3A = arith.constant 1.000000e+00 : f32
    %max3A_36 = vector.broadcast %max3A : f32 to vector<256xf32>
    %max3A_37 = arith.maximumf %add3A, %max3A_36 : vector<256xf32>
    %div3A = arith.divf %add3A_15, %max3A_37 : vector<256xf32>
    %get3A_38 = arith.constant 0 : index
    %get3A_39 = vector.load %arg6[%get3A_38] : memref<256xf32, #tpu.memory_space<vmem>>, vector<256xf32>
    %get3A_40 = arith.constant 0 : index
    %get3A_41 = vector.load %arg7[%get3A_40] : memref<256xf32, #tpu.memory_space<vmem>>, vector<256xf32>
    %add3A_42 = arith.addf %get3A_39, %get3A_41 : vector<256xf32>
    %add3A_43 = arith.addf %add3A_42, %div3A : vector<256xf32>
    %ge3A = arith.constant 0.000000e+00 : f32
    %ge3A_44 = vector.broadcast %ge3A : f32 to vector<256xf32>
    %ge3A_45 = arith.cmpf oge, %add3A_43, %ge3A_44 : vector<256xf32>
    %mul3A = arith.constant 2.000000e-01 : f32
    %mul3A_46 = vector.broadcast %mul3A : f32 to vector<256xf32>
    %mul3A_47 = arith.mulf %mul3A_46, %add3A_43 : vector<256xf32>
    %select_n3A = arith.select %ge3A_45, %add3A_43, %mul3A_47 : vector<256xi1>, vector<256xf32>
    %exp3A = math.exp %select_n3A : vector<256xf32>
    %broadcast_in_dim3A = vector.shape_cast %exp3A : vector<256xf32> to vector<256x1xf32>
    %get3A_48 = arith.constant 0 : index
    %get3A_49 = arith.constant 0 : index
    %get3A_50 = vector.load %arg5[%get3A_48, %get3A_49] : memref<256x128xf32, #tpu.memory_space<vmem>>, vector<256x128xf32>
    %mul3A_51 = vector.broadcast %broadcast_in_dim3A : vector<256x1xf32> to vector<256x128xf32>
    %mul3A_52 = arith.mulf %mul3A_51, %get3A_50 : vector<256x128xf32>
    %add3A_53 = arith.addf %add3A_35, %mul3A_52 : vector<256x128xf32>
    %add3A_54 = arith.addf %add3A_24, %exp3A : vector<256xf32>
    %add3A_55 = arith.constant 1.000000e-16 : f32
    %add3A_56 = vector.broadcast %add3A_55 : f32 to vector<256xf32>
    %add3A_57 = arith.addf %add3A_54, %add3A_56 : vector<256xf32>
    %broadcast_in_dim3A_58 = vector.shape_cast %add3A_57 : vector<256xf32> to vector<256x1xf32>
    %div3A_59 = vector.broadcast %broadcast_in_dim3A_58 : vector<256x1xf32> to vector<256x128xf32>
    %div3A_60 = arith.divf %add3A_53, %div3A_59 : vector<256x128xf32>
    %get3A_61 = arith.constant 0 : index
    %get3A_62 = vector.load %arg8[%get3A_61] : memref<128xf32, #tpu.memory_space<vmem>>, vector<128xf32>
    %broadcast_in_dim3A_63 = vector.shape_cast %get3A_62 : vector<128xf32> to vector<1x128xf32>
    %add3A_64 = vector.broadcast %broadcast_in_dim3A_63 : vector<1x128xf32> to vector<256x128xf32>
    %add3A_65 = arith.addf %div3A_60, %add3A_64 : vector<256x128xf32>
    %max3A_66 = arith.constant 0.000000e+00 : f32
    %max3A_67 = vector.broadcast %max3A_66 : f32 to vector<256x128xf32>
    %max3A_68 = arith.maximumf %add3A_65, %max3A_67 : vector<256x128xf32>
    %get3A_69 = arith.constant 0 : index
    %get3A_70 = vector.load %arg9[%get3A_69] : memref<128xf32, #tpu.memory_space<vmem>>, vector<128xf32>
    %dot_general3A = arith.constant dense<0.000000e+00> : vector<256xf32>
    %dot_general3A_71 = tpu.matmul %max3A_68, %get3A_70, %dot_general3A {dimension_numbers = #tpu.dot_dimension_numbers<[1], [0], [0], [], [0, 0], [], []>, transpose_lhs_hint = false} : vector<256x128xf32>, vector<128xf32>, vector<256xf32> -> vector<256xf32>
    %mul3A_72 = arith.constant 5.000000e-01 : f32
    %mul3A_73 = vector.broadcast %mul3A_72 : f32 to vector<256xf32>
    %mul3A_74 = arith.mulf %mul3A_73, %dot_general3A_71 : vector<256xf32>
    %get3A_75 = arith.constant 0 : index
    %get3A_76 = vector.load %arg10[%get3A_75] : memref<1xf32, #tpu.memory_space<vmem>>, vector<1xf32>
    %get3A_77 = vector.extract %get3A_76[0] : f32 from vector<1xf32>
    %mul3A_78 = arith.constant 5.000000e-01 : f32
    %mul3A_79 = arith.mulf %mul3A_78, %get3A_77 : f32
    %add3A_80 = vector.broadcast %mul3A_79 : f32 to vector<256xf32>
    %add3A_81 = arith.addf %mul3A_74, %add3A_80 : vector<256xf32>
    %swap3A = arith.constant 0 : index
    %swap3A_82 = vector.load %arg11[%swap3A] : memref<256xf32, #tpu.memory_space<vmem>>, vector<256xf32>
    tpu.vector_store %arg11[%swap3A], %add3A_81 {strides = array<i32>} : memref<256xf32, #tpu.memory_space<vmem>>, vector<256xf32>,
    return
  }
  func.func @transform_0(%arg0: i32) -> (i32, i32, i32) {
    %c0_i32 = arith.constant 0 : i32
    %c0_i32_0 = arith.constant 0 : i32
    %c0_i32_1 = arith.constant 0 : i32
    return %c0_i32, %arg0, %c0_i32_0 : i32, i32, i32
  }
  func.func @transform_1(%arg0: i32) -> (i32, i32) {
    %c0_i32 = arith.constant 0 : i32
    %c0_i32_0 = arith.constant 0 : i32
    return %c0_i32, %arg0 : i32, i32
  }
  func.func @transform_2(%arg0: i32) -> (i32, i32) {
    %c0_i32 = arith.constant 0 : i32
    %c0_i32_0 = arith.constant 0 : i32
    return %c0_i32, %arg0 : i32, i32
  }
  func.func @transform_3(%arg0: i32) -> (i32, i32) {
    %c0_i32 = arith.constant 0 : i32
    %c0_i32_0 = arith.constant 0 : i32
    return %c0_i32, %arg0 : i32, i32
  }
  func.func @transform_4(%arg0: i32) -> (i32, i32) {
    %c0_i32 = arith.constant 0 : i32
    %c0_i32_0 = arith.constant 0 : i32
    return %arg0, %c0_i32 : i32, i32
  }
  func.func @transform_5(%arg0: i32) -> i32 {
    %c0_i32 = arith.constant 0 : i32
    return %arg0 : i32
  }
  func.func @transform_6(%arg0: i32) -> i32 {
    %c0_i32 = arith.constant 0 : i32
    return %arg0 : i32
  }
  func.func @transform_7(%arg0: i32) -> i32 {
    %c0_i32 = arith.constant 0 : i32
    %c0_i32_0 = arith.constant 0 : i32
    return %c0_i32 : i32
  }
  func.func @transform_8(%arg0: i32) -> i32 {
    %c0_i32 = arith.constant 0 : i32
    %c0_i32_0 = arith.constant 0 : i32
    return %c0_i32 : i32
  }
  func.func @transform_9(%arg0: i32) -> i32 {
    %c0_i32 = arith.constant 0 : i32
    %c0_i32_0 = arith.constant 0 : i32
    return %c0_i32 : i32
  }
  func.func @transform_10(%arg0: i32) -> i32 {
    %c0_i32 = arith.constant 0 : i32
    return %arg0 : i32
  }
}

</mosaic_0001>

<sc_bundles>
// kernel: kernel.10.cloned.1.call-start
scs
__scs_entry_jumppad:
0x0: {  	(pc) =	sbr.rel $0x88, $3  }
0x1: {  	(tag) =	ssettag $0x0;
	lr =	simm.s32 $0x1  }
0x2: {  	[smem:$0x3F96] =	sst lr;
	_ =	strace $0xD0000000  }
0x3: {  	_ = 	snop  }
0x4: {  	_ = 	snop  }
0x5: {  	_ = 	snop  }
0x6: {  	_ = 	snop  }
0x7: {  	_ = 	snop  }
__scs_overlays_trampoline_lowered:
0x8: {  	[smem:$0x3FA5] =	sst s0  }
0x9: {  	[smem:$0x3FA6] =	sst s1  }
0xa: {  	[smem:$0x3FA7] =	sst s2  }
0xb: {  	[smem:$0x3FA8] =	sst s3  }
0xc: {  	[smem:$0x3FA9] =	sst s4  }
0xd: {  	[smem:$0x3FAA] =	sst s5  }
0xe: {  	[smem:$0x3FAB] =	sst s6  }
0xf: {  	[smem:$0x3FAC] =	sst s7  }
0x10: {  	[smem:$0x3FAD] =	sst s8  }
0x11: {  	[smem:$0x3FAE] =	sst s9;
	s0 =	simm.s32 @!p0 $0x0  }
0x12: {  	s1 =	sld [smem:$0x3F94];
	s0 =	simm.s32 @p0 $0x1  }
0x13: {  	[smem:$0x3FAF] =	sst s0;
	s0 =	simm.s32 @!p1 $0x0  }
0x14: {  	s2 =	sld [smem:$0x3F93];
	s0 =	simm.s32 @p1 $0x1  }
0x15: {  	[smem:$0x3FB0] =	sst s0;
	s0 =	simm.s32 @!p2 $0x0  }
0x16: {  	s3 =	sld [smem:$0x3FDB];
	s0 =	simm.s32 @p2 $0x1  }
0x17: {  	s4 =	simm.s32 $0x1BF5;
	[smem:$0x3FB2] =	sst s0  }
0x18: {  	s0 =	sld [smem:$0x3F95];
	_ =	swait.ge [sflag:s4], $0x0  }
0x19: {  	s7 =	sld [smem:$0x3F96]  }
0x1a: {  	s8 =	sadd.s32 $0xFFFFE003, lr  }
0x1b: {  	s9 =	sadd.s32 $0xFFFFFEF7, lr;
	s5 =	simm.s32 $0xFFFFFFFF;
	p2 =	slt.u32 s8, $0xFFFFF086  }
0x1c: {  	p1 =	slt.u32 s9, $0xF7A;
	s5 =	simm.s32 @!p2 $0x0  }
0x1d: {  	s5 =	simm.s32 @p1 $0x1;
	p0 =	seq.s32 s7, s2  }
0x1e: {  	s7 =	smul.u32 @!p0 $0xF7A, s2;
	p2 =	seq.s32 @!p0 s5, $0x0  }
0x1f: {  	s9 =	smul.u32 $0xF7A, s1;
	s8 =	simm.s32 @!p0 $0x1BF5;
	p2 =	por !p2, p0  }
0x20: {  	[sflag:s8] =	ssyncset.s32 @!p0 $0xFFFFF086;
	s6 =	sadd.s32 @!p0 s3, s7;
	s7 =	simm.s32 @!p0 $0x108  }
0x21: {  	s3 =	sadd.s32 s3, s9;
	s6 =	sadd.s32 @!p0 $0x88, s6;
	s7 =	simm.s32 @p2 $0x1082  }
0x22: {  	[simem:s7], [sflag:s8] =	dma.local @!p0 [hbm:s6], $0xF7A  }
0x23: {  	s9 =	sor.u32 $0xD0000000, s2;
	s6 =	simm.s32 $0x108;
	_ =	swait.ge @!p0 [sflag:s8], $0x0  }
0x24: {  	s3 =	sadd.s32 $0x88, s3;
	s6 =	simm.s32 @!p1 $0x1082;
	[sflag:s4] =	ssyncset.s32 $0xFFFFF086  }
0x25: {  	[simem:s6], [sflag:s4] =	dma.local [hbm:s3], $0xF7A  }
0x26: {  	[smem:$0x3F96] =	sst s1;
	(tag) =	ssettag s2;
	_ =	strace s9  }
0x27: {  	s1 =	sld [smem:$0x3FA6]  }
0x28: {  	s2 =	sld [smem:$0x3FA7]  }
0x29: {  	s4 =	sld [smem:$0x3FA9]  }
0x2a: {  	p0 =	seq.s32 s5, $0x0;
	s5 =	sld [smem:$0x3FAA]  }
0x2b: {  	s6 =	sld [smem:$0x3FAB]  }
0x2c: {  	s7 =	sld [smem:$0x3FAC]  }
0x2d: {  	s3 =	simm.s32 $0x108;
	s8 =	sld [smem:$0x3FAD]  }
0x2e: {  	s3 =	simm.s32 @!p0 $0x1082;
	s9 =	sld [smem:$0x3FAE]  }
0x2f: {  	lr =	sadd.s32 s0, s3;
	s0 =	sld [smem:$0x3FA5]  }
0x30: {  	s3 =	sld [smem:$0x3FA8]  }
0x31: {  	[smem:$0x3FB1] =	sst s10  }
0x32: {  	s10 =	sld [smem:$0x3FAF];
	_ =	sdelay $0x3  }
0x33: {  	p0 =	seq.s32 s10, $0x1;
	s10 =	sld [smem:$0x3FB1];
	_ =	sdelay $0x3  }
0x34: {  	[smem:$0x3FB1] =	sst s10  }
0x35: {  	s10 =	sld [smem:$0x3FB0];
	_ =	sdelay $0x3  }
0x36: {  	p1 =	seq.s32 s10, $0x1;
	s10 =	sld [smem:$0x3FB1];
	_ =	sdelay $0x3  }
0x37: {  	[smem:$0x3FB1] =	sst s10  }
0x38: {  	s10 =	sld [smem:$0x3FB2]  }
0x39: {  	_ = 	snop;
	(pc) =	sbr.ind lr, $3  }
0x3a: {  	_ = 	snop  }
0x3b: {  	_ = 	snop  }
0x3c: {  	p2 =	seq.s32 s10, $0x1;
	s10 =	sld [smem:$0x3FB1]  }
0x3d: {  	_ =	shalt  }
0x3e: {  	_ =	shalt  }
0x3f: {  	_ =	shalt  }
0x40: {  	_ =	shalt  }
0x41: {  	_ =	shalt  }
0x42: {  	_ =	shalt  }
0x43: {  	_ =	shalt  }
0x44: {  	_ =	shalt  }
0x45: {  	_ =	shalt  }
0x46: {  	_ =	shalt  }
0x47: {  	_ =	shalt  }
0x48: {  	_ =	shalt  }
0x49: {  	_ =	shalt  }
0x4a: {  	_ =	shalt  }
0x4b: {  	_ =	shalt  }
0x4c: {  	_ =	shalt  }
0x4d: {  	_ =	shalt  }
0x4e: {  	_ =	shalt  }
0x4f: {  	_ =	shalt  }
0x50: {  	_ =	shalt  }
0x51: {  	_ =	shalt  }
0x52: {  	_ =	shalt  }
0x53: {  	_ =	shalt  }
0x54: {  	_ =	shalt  }
0x55: {  	_ =	shalt  }
0x56: {  	_ =	shalt  }
0x57: {  	_ =	shalt  }
0x58: {  	_ =	shalt  }
0x59: {  	_ =	shalt  }
0x5a: {  	_ =	shalt  }
0x5b: {  	_ =	shalt  }
0x5c: {  	_ =	shalt  }
0x5d: {  	_ =	shalt  }
0x5e: {  	_ =	shalt  }
0x5f: {  	_ =	shalt  }
0x60: {  	_ =	shalt  }
0x61: {  	_ =	shalt  }
0x62: {  	_ =	shalt  }
0x63: {  	_ =	shalt  }
0x64: {  	_ =	shalt  }
0x65: {  	_ =	shalt  }
0x66: {  	_ =	shalt  }
0x67: {  	_ =	shalt  }
0x68: {  	_ =	shalt  }
0x69: {  	_ =	shalt  }
0x6a: {  	_ =	shalt  }
0x6b: {  	_ =	shalt  }
0x6c: {  	_ =	shalt  }
0x6d: {  	_ =	shalt  }
0x6e: {  	_ =	shalt  }
0x6f: {  	_ =	shalt  }
0x70: {  	_ =	shalt  }
0x71: {  	_ =	shalt  }
0x72: {  	_ =	shalt  }
0x73: {  	_ =	shalt  }
0x74: {  	_ =	shalt  }
0x75: {  	_ =	shalt  }
0x76: {  	_ =	shalt  }
0x77: {  	_ =	shalt  }
0x78: {  	_ =	shalt  }
0x79: {  	_ =	shalt  }
0x7a: {  	_ =	shalt  }
0x7b: {  	_ =	shalt  }
0x7c: {  	_ =	shalt  }
0x7d: {  	_ =	shalt  }
0x7e: {  	_ =	shalt  }
0x7f: {  	_ =	shalt  }
0x80: {  	_ =	shalt  }
0x81: {  	_ =	shalt  }
0x82: {  	_ =	shalt  }
0x83: {  	_ =	shalt  }
0x84: {  	_ =	shalt  }
0x85: {  	_ =	shalt  }
0x86: {  	_ =	shalt  }
0x87: {  	_ =	shalt  }
.Lfunc_end0:
.L_simem_size_0:
called_computation.1_lowered:
.L_overlay_start_0:
0x88: {  	s2 =	sld [smem:$0x3FD9]  }
0x89: {  	s3 =	sld [smem:$0x3FFE];
	_ =	sdelay $0x1  }
0x8a: {  	s1 =	srdreg.scid  }
0x8b: {  	s0 =	sand.u32 $0x1, s1  }
0x8c: {  	s17 =	sshll.u32 s0, $0xA;
	s2 =	sadd.s32 s3, s2  }
0x8d: {  	s2 =	sadd.s32 s2, s17  }
0x8e: {  	[smem:$0x3FBD] =	sst s2  }
0x8f: {  	_ = 	snop  }
0x90: {  	s2 =	sld [smem:$0x3FD0];
	(tm) =	ssettm $0x1  }
0x91: {  	s18 =	sld [smem:$0x3FFB];
	_ =	sdelay $0x3  }
0x92: {  	_ =	strace s18  }
0x93: {  	s3 =	sld [smem:$0x3FFC];
	_ =	sdelay $0x3  }
0x94: {  	_ =	strace s3  }
0x95: {  	s3 =	sld [smem:$0x3FFD];
	_ =	sdelay $0x3  }
0x96: {  	_ =	strace s3  }
0x97: {  	_ =	strace $0x8FFFFFFF  }
0x98: {  	s19 =	sld [smem:$0x3FDB];
	_ =	sdelay $0x1  }
0x99: {  	s4 =	simm.s32 $_scs_section_size  }
0x9a: {  	s5 =	simm.s32 $_size__tile_overlayer_lowered;
	s6 =	simm.s32 $_tile_overlayer_lowered  }
0x9b: {  	s22 =	simm.s32 $0x1BFF;
	s21 =	sshll.u32 s6, $0x1;
	s3 =	sadd.s32 s4, s19  }
0x9c: {  	s7 =	simm.s32 $0x0;
	s20 =	sshll.u32 s5, $0x1;
	s5 =	sadd.s32 s21, s3  }
0x9d: {  	[timem:s7], [sflag:s22] =	dma.local [hbm:s5], s20  }
0x9e: {  	_ =	swait.ge [sflag:s22], s20  }
0x9f: {  	s4 =	ssub.s32 $0x0, s20;
	[sflag:s22] =	ssyncset.done $0x0  }
0xa0: {  	[sflag:s22] =	ssyncadd.s32 s4;
	_ =	sdelay $0x1  }
0xa1: {  	s23 =	simm.s32 $0x1B8B  }
0xa2: {  	_ =	swait.ge [sflag:s23], $0x1  }
0xa3: {  	[sflag:s23] =	ssyncset.done $0x0  }
0xa4: {  	s25 =	simm.s32 $0x1B8E;
	s24 =	sld [smem:$0x3FFE];
	[sflag:s23] =	ssyncadd.s32 $0xFFFFFFFF  }
0xa5: {  	s26 =	simm.s32 $execute0_lowered;
	[smem:$0x3FD2] =	sst s25  }
0xa6: {  	s5 =	sshll.u32 s26, $0x1;
	_ =	strace $0x80000049;
	[dreg:$0x1] =	wrdreg $0xFFFFFFFF  }
0xa7: {  	s28 =	simm.s32 $_size_execute0_lowered;
	s3 =	sadd.s32 s3, s5;
	[dreg:$0x0] =	wrdreg $0x0  }
0xa8: {  	s5 =	sshll.u32 s28, $0x1;
	[dreg:$0x2] =	wrdreg s3  }
0xa9: {  	[dreg:$0x3] =	wrdreg s5  }
0xaa: {  	[dreg:$0x4] =	wrdreg $0xC0  }
0xab: {  	_ =	task [dreg:s7], $0x5FFFF  }
0xac: {  	[dreg:$0x1] =	wrdreg $0xFFFFFFFF  }
0xad: {  	[dreg:$0x0] =	wrdreg $0x60  }
0xae: {  	[dreg:$0x2] =	wrdreg s24  }
0xaf: {  	[dreg:$0x3] =	wrdreg s2  }
0xb0: {  	[dreg:$0x4] =	wrdreg $0x9  }
0xb1: {  	_ =	task.clear_ibuf [dreg:s7], $0x5FFFF;
	_ =	strace $0x90000049  }
0xb2: {  	s29 =	simm.s32 $0x9;
	_ =	strace $0x8000004B  }
0xb3: {  	_ =	swait.ge [sflag:s29], $0x1  }
0xb4: {  	[sflag:s29] =	ssyncadd.s32 $0xFFFFFFFF  }
0xb5: {  	_ =	strace $0x9000004B  }
0xb6: {  	_ =	sfence  }
0xb7: {  	s30 =	sld [smem:$0x0];
	_ =	sdelay $0x2  }
0xb8: {  	s31 =	sshll.u32 s1, $0xD;
	s1 =	sshrl.u32 s1, $0x2  }
0xb9: {  	s3 =	sand.u32 $0x4000, s31;
	s1 =	sadd.s32 s1, s30  }
0xba: {  	s0 =	sor.u32 s3, s0;
	s1 =	sshll.u32 s1, $0x11  }
0xbb: {  	s0 =	sor.u32 s1, s0  }
0xbc: {  	s0 =	sadd.s32 $0x8F2B, s0  }
0xbd: {  	[sflag:s0] =	ssyncadd.remote.s32 $0x1  }
0xbe: {  	_ =	sfence.sel $0xFFFF  }
0xbf: {  	[dreg:$0x0] =	wrdreg $0xFFFFFFFF;
	(pc) =	sbr.abs _section_cstart, $3  }
0xc0: {  	[dreg:$0x1] =	wrdreg $0xFFFFFFFF  }
0xc1: {  	_ =	task.clear_ibuf [dreg:s7], $0x2FFFF;
	_ =	strace $0x9FFFFFFF  }
0xc2: {  	(tm) =	ssettm $0x7FFFFFFF  }
0xc3: {  	_ =	shalt  }
tec
execute0_lowered:
.L_overlay_start_1:
0x0: {  	(tag) =	ssettag $0x1  }
0x1: {  	s5 =	rddreg [dreg:$0x0]  }
0x2: {  	s0 =	srdreg.scid;
	s2 =	rddreg [dreg:$0x1];
	s3 =	simm.s32 $0x0  }
0x3: {  	s9 =	simm.s32 $0x4000;
	s10 =	simm.s32 $0x8000;
	s4 =	sand.u32 $0x1, s0  }
0x4: {  	s11 =	simm.s32 $0x80;
	s0 =	stileid.u32;
	s1 =	sshll.u32 s4, $0x4  }
0x5: {  	s12 =	simm.s32 $0x400;
	s13 =	simm.s32 $0xA800;
	s6 =	sor.u32 s0, s1  }
0x6: {  	s14 =	simm.s32 $0x0;
	[smem:$0x7FF] =	sst s3;
	s7 =	sshrl.u32 s6, $0x3  }
0x7: {  	s8 =	sshll.u32 s0, $0x7;
	s4 =	ssub.s32 $0x2, s4;
	s7 =	smul.u32 $0x13C00, s7  }
0x8: {  	s1 =	rddreg [dreg:$0x2];
	s8 =	sand.u32 $0x380, s8;
	_ =	strace $0x8000004A  }
0x9: {  	s30 =	sshrl.u32 s4, $0x1;
	s6 =	sshll.u32 s6, $0xB;
	s7 =	sor.u32 s8, s7  }
0xa: {  	s31 =	ssub.s32 s4, s30;
	s6 =	sadd.s32 s6, s5;
	s7 =	sshrl.u32 s7, $0x3  }
0xb: {  	s4 =	sadd.s32 $0x3200, s6;
	s8 =	simm.s32 $0x1;
	s7 =	sadd.s32 s7, s5  }
0xc: {  	s5 =	sadd.s32 $0x13200, s6;
	s6 =	sadd.s32 $0x23200, s7;
	s7 =	smax.u32 s31, $0x1  }
.LBB2_1:
0xd: {  	[tilespmem:s3], [sflag:$0x1] =	stream.linear.gather [hbm4b:s4+s3], $0x3E80, $0x38;
	[tilespmem:$0xCF80] =	vst v63  }
0xe: {  	_ =	swait.ge [sflag:s8], $0x3E80  }
0xf: {  	[sflag:s8] =	ssyncset.done $0x0  }
0x10: {  	[sflag:s8] =	ssyncadd.s32 $0xFFFFC180  }
0x11: {  	[tilespmem:s9], [sflag:$0x1] =	stream.linear.gather [hbm4b:s5+s3], $0x3E80, $0x38;
	[tilespmem:$0xCF80] =	vst v63  }
0x12: {  	_ =	swait.ge [sflag:s8], $0x3E80  }
0x13: {  	[sflag:s8] =	ssyncset.done $0x0  }
0x14: {  	[sflag:s8] =	ssyncadd.s32 $0xFFFFC180  }
0x15: {  	[tilespmem:s10], [sflag:$0x1] =	stream.linear.gather [hbm4b:s2+s3], $0x2800, $0x38;
	[tilespmem:$0xCF80] =	vst v63  }
0x16: {  	_ =	swait.ge [sflag:s8], $0x2800  }
0x17: {  	[sflag:s8] =	ssyncset.done $0x0  }
0x18: {  	s15 =	simm.s32 $0xA820;
	s16 =	simm.s32 $0x0;
	[sflag:s8] =	ssyncadd.s32 $0xFFFFD800  }
.LBB2_2:
0x19: {  	s17 =	sshra.s32 s16, $0x2  }
0x1a: {  	v0 =	vld [tilespmem:s17+$0x0]  }
0x1b: {  	v1 =	vld [tilespmem:s17+$0x4000];
	_ =	sdelay $0x6  }
0x1c: {  	v0 =	vld.idx.msk [tilespmem:v0+s10+$0x0], $0xffff  }
0x1d: {  	v1 =	vld.idx.msk [tilespmem:v1+s10+$0x0], $0xffff;
	_ =	sdelay $0x4  }
0x1e: {  	v0 =	vadd.f32 v1, v0;
	_ =	sdelay $0x1  }
0x1f: {  	v0 =	vsub.f32 $0.0e+00, v0;
	_ =	sdelay $0x1  }
0x20: {  	v0 =	vmul.f32 $1.442695020e+00, v0;
	_ =	sdelay $0x1  }
0x21: {  	(erf) = vpow2.f32 v0;
	_ =	sdelay $0x8  }
0x22: {  	v0 =	vpop (erf)  }
0x23: {  	v0 =	vadd.f32 $1.000000000e+00, v0;
	_ =	sdelay $0x1  }
0x24: {  	(erf) = vrcp.f32 v0;
	_ =	sdelay $0x8  }
0x25: {  	v0 =	vpop (erf)  }
0x26: {  	[tilespmem:s15+$0xFFFFFFE0] =	vst v0  }
0x27: {  	v0 =	vld [tilespmem:s17+$0x10]  }
0x28: {  	v60 =	vld [tilespmem:s17+$0x4010];
	_ =	sdelay $0x6  }
0x29: {  	v0 =	vld.idx.msk [tilespmem:v0+s10+$0x0], $0xffff  }
0x2a: {  	v1 =	vld.idx.msk [tilespmem:v60+s10+$0x0], $0xffff;
	_ =	sdelay $0x4  }
0x2b: {  	v0 =	vadd.f32 v1, v0;
	_ =	sdelay $0x1  }
0x2c: {  	v0 =	vsub.f32 $0.0e+00, v0;
	_ =	sdelay $0x1  }
0x2d: {  	v0 =	vmul.f32 $1.442695020e+00, v0;
	_ =	sdelay $0x1  }
0x2e: {  	(erf) = vpow2.f32 v0;
	_ =	sdelay $0x8  }
0x2f: {  	v0 =	vpop (erf)  }
0x30: {  	v0 =	vadd.f32 $1.000000000e+00, v0;
	_ =	sdelay $0x1  }
0x31: {  	(erf) = vrcp.f32 v0;
	_ =	sdelay $0x8  }
0x32: {  	v0 =	vpop (erf)  }
0x33: {  	[tilespmem:s15+$0xFFFFFFF0] =	vst v0  }
0x34: {  	v0 =	vld [tilespmem:s17+$0x20]  }
0x35: {  	v61 =	vld [tilespmem:s17+$0x4020];
	_ =	sdelay $0x6  }
0x36: {  	v0 =	vld.idx.msk [tilespmem:v0+s10+$0x0], $0xffff  }
0x37: {  	v1 =	vld.idx.msk [tilespmem:v61+s10+$0x0], $0xffff;
	_ =	sdelay $0x4  }
0x38: {  	v0 =	vadd.f32 v1, v0;
	_ =	sdelay $0x1  }
0x39: {  	v0 =	vsub.f32 $0.0e+00, v0;
	_ =	sdelay $0x1  }
0x3a: {  	v0 =	vmul.f32 $1.442695020e+00, v0;
	_ =	sdelay $0x1  }
0x3b: {  	(erf) = vpow2.f32 v0;
	_ =	sdelay $0x8  }
0x3c: {  	v0 =	vpop (erf)  }
0x3d: {  	v0 =	vadd.f32 $1.000000000e+00, v0;
	_ =	sdelay $0x1  }
0x3e: {  	(erf) = vrcp.f32 v0;
	_ =	sdelay $0x8  }
0x3f: {  	v0 =	vpop (erf)  }
0x40: {  	[tilespmem:s15+$0x0] =	vst v0  }
0x41: {  	v0 =	vld [tilespmem:s17+$0x30]  }
0x42: {  	v62 =	vld [tilespmem:s17+$0x4030];
	_ =	sdelay $0x6  }
0x43: {  	v0 =	vld.idx.msk [tilespmem:v0+s10+$0x0], $0xffff  }
0x44: {  	v1 =	vld.idx.msk [tilespmem:v62+s10+$0x0], $0xffff;
	_ =	sdelay $0x4  }
0x45: {  	v0 =	vadd.f32 v1, v0;
	_ =	sdelay $0x1  }
0x46: {  	v0 =	vsub.f32 $0.0e+00, v0;
	_ =	sdelay $0x1  }
0x47: {  	v0 =	vmul.f32 $1.442695020e+00, v0;
	_ =	sdelay $0x1  }
0x48: {  	(erf) = vpow2.f32 v0;
	_ =	sdelay $0x8  }
0x49: {  	v0 =	vpop (erf)  }
0x4a: {  	v0 =	vadd.f32 $1.000000000e+00, v0;
	_ =	sdelay $0x1  }
0x4b: {  	(erf) = vrcp.f32 v0;
	_ =	sdelay $0x8  }
0x4c: {  	v0 =	vpop (erf)  }
0x4d: {  	[tilespmem:s15+$0x10] =	vst v0  }
0x4e: {  	v0 =	vld [tilespmem:s17+$0x40]  }
0x4f: {  	v63 =	vld [tilespmem:s17+$0x4040];
	_ =	sdelay $0x6  }
0x50: {  	v0 =	vld.idx.msk [tilespmem:v0+s10+$0x0], $0xffff  }
0x51: {  	v1 =	vld.idx.msk [tilespmem:v63+s10+$0x0], $0xffff;
	_ =	sdelay $0x4  }
0x52: {  	v0 =	vadd.f32 v1, v0;
	_ =	sdelay $0x1  }
0x53: {  	v0 =	vsub.f32 $0.0e+00, v0;
	_ =	sdelay $0x1  }
0x54: {  	v0 =	vmul.f32 $1.442695020e+00, v0;
	_ =	sdelay $0x1  }
0x55: {  	(erf) = vpow2.f32 v0;
	_ =	sdelay $0x8  }
0x56: {  	v0 =	vpop (erf)  }
0x57: {  	v0 =	vadd.f32 $1.000000000e+00, v0;
	_ =	sdelay $0x1  }
0x58: {  	(erf) = vrcp.f32 v0;
	_ =	sdelay $0x4  }
0x59: {  	p0 =	sne.s32 s16, $0xF800  }
.Ltmp0:
0x5a: {  	_ = 	snop;
	(pc) =	sbr.rel @p0 .LBB2_2-.Ltmp0, $3  }
0x5b: {  	_ =	sdelay $0x1  }
0x5c: {  	v0 =	vpop (erf)  }
0x5d: {  	s16 =	sadd.s32 $0x200, s16;
	[tilespmem:s15+$0x20] =	vst v0;
	s15 =	sadd.s32 $0x50, s15  }
0x5e: {  	s14 =	sadd.s32 $0x1, s14  }
0x5f: {  	p0 =	sne.s32 s14, s7  }
.Ltmp1:
0x60: {  	_ = 	snop;
	(pc) =	sbr.rel @p0 .LBB2_1-.Ltmp1, $4  }
0x61: {  	[hbm4b:s6+s11] =	stream.strided.scatter [tilespmem:s13], [sflag:$0x1], $0x2780, s12, s11, $0x38;
	[tilespmem:$0xCF80] =	vst v63  }
0x62: {  	_ =	swait.ge [sflag:s8], $0x2780  }
0x63: {  	[sflag:s8] =	ssyncset.done $0x0  }
0x64: {  	[sflag:s8] =	ssyncadd.s32 $0xFFFFD880  }
0x65: {  	_ =	sfence.sel $0x180000  }
0x66: {  	[bflag:$0x0] =	sbarrier.arrive $0xFFFF  }
0x67: {  	p0 =	sne.s32 s0, $0x0;
	_ =	strace $0x9000004A  }
0x68: {  	s0 =	sadd.s32 @!p0 $0x100000, s1;
	[bflag:$0x2] =	sbarrier.arrive $0xFFFF  }
0x69: {  	[sflag:s0] =	ssyncadd.tile.s32 @!p0 $0x1;
	_ =	shalt  }
.Lfunc_end2:
_tile_overlayer_lowered:
.L_overlay_start_2:
0x6a: {  	(tag) =	ssettag $0x2  }
0x6b: {  	s0 =	rddreg [dreg:$0x0];
	s2 =	stileid.u32  }
0x6c: {  	s1 =	rddreg [dreg:$0x1];
	p0 =	sne.s32 s2, $0x0  }
0x6d: {  	s3 =	rddreg [dreg:$0x2];
	[bflag:$0x3] =	sbarrier.arrive $0xFFFF;
	s2 =	simm.s32 @!p0 $0x1C01  }
0x6e: {  	[timem:s3], [sflag:s2] =	dma.local @!p0 [hbm:s0], s1  }
0x6f: {  	s0 =	simm.s32 @!p0 $0x1  }
0x70: {  	_ =	swait.ge @!p0 [sflag:s0], s1  }
0x71: {  	s1 =	ssub.s32 @!p0 $0x0, s1;
	[sflag:s0] =	ssyncset.done @!p0 $0x0  }
0x72: {  	[sflag:s0] =	ssyncadd.s32 @!p0 s1  }
0x73: {  	[bflag:$0x3] =	sbarrier.arrive $0xFFFF  }
0x74: {  	_ =	shalt  }

// kernel: kernel.7.cloned.1.call-start
scs
__scs_entry_jumppad:
0x0: {  	(pc) =	sbr.rel $0x88, $3  }
0x1: {  	(tag) =	ssettag $0x0;
	lr =	simm.s32 $0x1  }
0x2: {  	[smem:$0x3F96] =	sst lr;
	_ =	strace $0xD0000000  }
0x3: {  	_ = 	snop  }
0x4: {  	_ = 	snop  }
0x5: {  	_ = 	snop  }
0x6: {  	_ = 	snop  }
0x7: {  	_ = 	snop  }
__scs_overlays_trampoline_lowered:
0x8: {  	[smem:$0x3FA5] =	sst s0  }
0x9: {  	[smem:$0x3FA6] =	sst s1  }
0xa: {  	[smem:$0x3FA7] =	sst s2  }
0xb: {  	[smem:$0x3FA8] =	sst s3  }
0xc: {  	[smem:$0x3FA9] =	sst s4  }
0xd: {  	[smem:$0x3FAA] =	sst s5  }
0xe: {  	[smem:$0x3FAB] =	sst s6  }
0xf: {  	[smem:$0x3FAC] =	sst s7  }
0x10: {  	[smem:$0x3FAD] =	sst s8  }
0x11: {  	[smem:$0x3FAE] =	sst s9;
	s0 =	simm.s32 @!p0 $0x0  }
0x12: {  	s1 =	sld [smem:$0x3F94];
	s0 =	simm.s32 @p0 $0x1  }
0x13: {  	[smem:$0x3FAF] =	sst s0;
	s0 =	simm.s32 @!p1 $0x0  }
0x14: {  	s2 =	sld [smem:$0x3F93];
	s0 =	simm.s32 @p1 $0x1  }
0x15: {  	[smem:$0x3FB0] =	sst s0;
	s0 =	simm.s32 @!p2 $0x0  }
0x16: {  	s3 =	sld [smem:$0x3FDB];
	s0 =	simm.s32 @p2 $0x1  }
0x17: {  	s4 =	simm.s32 $0x1BF5;
	[smem:$0x3FB2] =	sst s0  }
0x18: {  	s0 =	sld [smem:$0x3F95];
	_ =	swait.ge [sflag:s4], $0x0  }
0x19: {  	s7 =	sld [smem:$0x3F96]  }
0x1a: {  	s8 =	sadd.s32 $0xFFFFE003, lr  }
0x1b: {  	s9 =	sadd.s32 $0xFFFFFEF7, lr;
	s5 =	simm.s32 $0xFFFFFFFF;
	p2 =	slt.u32 s8, $0xFFFFF086  }
0x1c: {  	p1 =	slt.u32 s9, $0xF7A;
	s5 =	simm.s32 @!p2 $0x0  }
0x1d: {  	s5 =	simm.s32 @p1 $0x1;
	p0 =	seq.s32 s7, s2  }
0x1e: {  	s7 =	smul.u32 @!p0 $0xF7A, s2;
	p2 =	seq.s32 @!p0 s5, $0x0  }
0x1f: {  	s9 =	smul.u32 $0xF7A, s1;
	s8 =	simm.s32 @!p0 $0x1BF5;
	p2 =	por !p2, p0  }
0x20: {  	[sflag:s8] =	ssyncset.s32 @!p0 $0xFFFFF086;
	s6 =	sadd.s32 @!p0 s3, s7;
	s7 =	simm.s32 @!p0 $0x108  }
0x21: {  	s3 =	sadd.s32 s3, s9;
	s6 =	sadd.s32 @!p0 $0x88, s6;
	s7 =	simm.s32 @p2 $0x1082  }
0x22: {  	[simem:s7], [sflag:s8] =	dma.local @!p0 [hbm:s6], $0xF7A  }
0x23: {  	s9 =	sor.u32 $0xD0000000, s2;
	s6 =	simm.s32 $0x108;
	_ =	swait.ge @!p0 [sflag:s8], $0x0  }
0x24: {  	s3 =	sadd.s32 $0x88, s3;
	s6 =	simm.s32 @!p1 $0x1082;
	[sflag:s4] =	ssyncset.s32 $0xFFFFF086  }
0x25: {  	[simem:s6], [sflag:s4] =	dma.local [hbm:s3], $0xF7A  }
0x26: {  	[smem:$0x3F96] =	sst s1;
	(tag) =	ssettag s2;
	_ =	strace s9  }
0x27: {  	s1 =	sld [smem:$0x3FA6]  }
0x28: {  	s2 =	sld [smem:$0x3FA7]  }
0x29: {  	s4 =	sld [smem:$0x3FA9]  }
0x2a: {  	p0 =	seq.s32 s5, $0x0;
	s5 =	sld [smem:$0x3FAA]  }
0x2b: {  	s6 =	sld [smem:$0x3FAB]  }
0x2c: {  	s7 =	sld [smem:$0x3FAC]  }
0x2d: {  	s3 =	simm.s32 $0x108;
	s8 =	sld [smem:$0x3FAD]  }
0x2e: {  	s3 =	simm.s32 @!p0 $0x1082;
	s9 =	sld [smem:$0x3FAE]  }
0x2f: {  	lr =	sadd.s32 s0, s3;
	s0 =	sld [smem:$0x3FA5]  }
0x30: {  	s3 =	sld [smem:$0x3FA8]  }
0x31: {  	[smem:$0x3FB1] =	sst s10  }
0x32: {  	s10 =	sld [smem:$0x3FAF];
	_ =	sdelay $0x3  }
0x33: {  	p0 =	seq.s32 s10, $0x1;
	s10 =	sld [smem:$0x3FB1];
	_ =	sdelay $0x3  }
0x34: {  	[smem:$0x3FB1] =	sst s10  }
0x35: {  	s10 =	sld [smem:$0x3FB0];
	_ =	sdelay $0x3  }
0x36: {  	p1 =	seq.s32 s10, $0x1;
	s10 =	sld [smem:$0x3FB1];
	_ =	sdelay $0x3  }
0x37: {  	[smem:$0x3FB1] =	sst s10  }
0x38: {  	s10 =	sld [smem:$0x3FB2]  }
0x39: {  	_ = 	snop;
	(pc) =	sbr.ind lr, $3  }
0x3a: {  	_ = 	snop  }
0x3b: {  	_ = 	snop  }
0x3c: {  	p2 =	seq.s32 s10, $0x1;
	s10 =	sld [smem:$0x3FB1]  }
0x3d: {  	_ =	shalt  }
0x3e: {  	_ =	shalt  }
0x3f: {  	_ =	shalt  }
0x40: {  	_ =	shalt  }
0x41: {  	_ =	shalt  }
0x42: {  	_ =	shalt  }
0x43: {  	_ =	shalt  }
0x44: {  	_ =	shalt  }
0x45: {  	_ =	shalt  }
0x46: {  	_ =	shalt  }
0x47: {  	_ =	shalt  }
0x48: {  	_ =	shalt  }
0x49: {  	_ =	shalt  }
0x4a: {  	_ =	shalt  }
0x4b: {  	_ =	shalt  }
0x4c: {  	_ =	shalt  }
0x4d: {  	_ =	shalt  }
0x4e: {  	_ =	shalt  }
0x4f: {  	_ =	shalt  }
0x50: {  	_ =	shalt  }
0x51: {  	_ =	shalt  }
0x52: {  	_ =	shalt  }
0x53: {  	_ =	shalt  }
0x54: {  	_ =	shalt  }
0x55: {  	_ =	shalt  }
0x56: {  	_ =	shalt  }
0x57: {  	_ =	shalt  }
0x58: {  	_ =	shalt  }
0x59: {  	_ =	shalt  }
0x5a: {  	_ =	shalt  }
0x5b: {  	_ =	shalt  }
0x5c: {  	_ =	shalt  }
0x5d: {  	_ =	shalt  }
0x5e: {  	_ =	shalt  }
0x5f: {  	_ =	shalt  }
0x60: {  	_ =	shalt  }
0x61: {  	_ =	shalt  }
0x62: {  	_ =	shalt  }
0x63: {  	_ =	shalt  }
0x64: {  	_ =	shalt  }
0x65: {  	_ =	shalt  }
0x66: {  	_ =	shalt  }
0x67: {  	_ =	shalt  }
0x68: {  	_ =	shalt  }
0x69: {  	_ =	shalt  }
0x6a: {  	_ =	shalt  }
0x6b: {  	_ =	shalt  }
0x6c: {  	_ =	shalt  }
0x6d: {  	_ =	shalt  }
0x6e: {  	_ =	shalt  }
0x6f: {  	_ =	shalt  }
0x70: {  	_ =	shalt  }
0x71: {  	_ =	shalt  }
0x72: {  	_ =	shalt  }
0x73: {  	_ =	shalt  }
0x74: {  	_ =	shalt  }
0x75: {  	_ =	shalt  }
0x76: {  	_ =	shalt  }
0x77: {  	_ =	shalt  }
0x78: {  	_ =	shalt  }
0x79: {  	_ =	shalt  }
0x7a: {  	_ =	shalt  }
0x7b: {  	_ =	shalt  }
0x7c: {  	_ =	shalt  }
0x7d: {  	_ =	shalt  }
0x7e: {  	_ =	shalt  }
0x7f: {  	_ =	shalt  }
0x80: {  	_ =	shalt  }
0x81: {  	_ =	shalt  }
0x82: {  	_ =	shalt  }
0x83: {  	_ =	shalt  }
0x84: {  	_ =	shalt  }
0x85: {  	_ =	shalt  }
0x86: {  	_ =	shalt  }
0x87: {  	_ =	shalt  }
.Lfunc_end0:
.L_simem_size_0:
called_computation_lowered:
.L_overlay_start_0:
0x88: {  	s2 =	sld [smem:$0x3FD9]  }
0x89: {  	s3 =	sld [smem:$0x3FFE];
	_ =	sdelay $0x1  }
0x8a: {  	s1 =	srdreg.scid  }
0x8b: {  	s0 =	sand.u32 $0x1, s1  }
0x8c: {  	s17 =	sshll.u32 s0, $0xA;
	s2 =	sadd.s32 s3, s2  }
0x8d: {  	s2 =	sadd.s32 s2, s17  }
0x8e: {  	[smem:$0x3FBD] =	sst s2  }
0x8f: {  	_ = 	snop  }
0x90: {  	s2 =	sld [smem:$0x3FD0];
	(tm) =	ssettm $0x1  }
0x91: {  	s18 =	sld [smem:$0x3FFB];
	_ =	sdelay $0x3  }
0x92: {  	_ =	strace s18  }
0x93: {  	s3 =	sld [smem:$0x3FFC];
	_ =	sdelay $0x3  }
0x94: {  	_ =	strace s3  }
0x95: {  	s3 =	sld [smem:$0x3FFD];
	_ =	sdelay $0x3  }
0x96: {  	_ =	strace s3  }
0x97: {  	_ =	strace $0x8FFFFFFF  }
0x98: {  	s19 =	sld [smem:$0x3FDB];
	_ =	sdelay $0x1  }
0x99: {  	s4 =	simm.s32 $_scs_section_size  }
0x9a: {  	s5 =	simm.s32 $_size__tile_overlayer_lowered;
	s6 =	simm.s32 $_tile_overlayer_lowered  }
0x9b: {  	s22 =	simm.s32 $0x1BFF;
	s21 =	sshll.u32 s6, $0x1;
	s3 =	sadd.s32 s4, s19  }
0x9c: {  	s7 =	simm.s32 $0x0;
	s20 =	sshll.u32 s5, $0x1;
	s5 =	sadd.s32 s21, s3  }
0x9d: {  	[timem:s7], [sflag:s22] =	dma.local [hbm:s5], s20  }
0x9e: {  	_ =	swait.ge [sflag:s22], s20  }
0x9f: {  	s4 =	ssub.s32 $0x0, s20;
	[sflag:s22] =	ssyncset.done $0x0  }
0xa0: {  	[sflag:s22] =	ssyncadd.s32 s4;
	_ =	sdelay $0x1  }
0xa1: {  	s23 =	simm.s32 $0x1B8B  }
0xa2: {  	_ =	swait.ge [sflag:s23], $0x1  }
0xa3: {  	[sflag:s23] =	ssyncset.done $0x0  }
0xa4: {  	s25 =	simm.s32 $0x1B8E;
	s24 =	sld [smem:$0x3FFE];
	[sflag:s23] =	ssyncadd.s32 $0xFFFFFFFF  }
0xa5: {  	s26 =	simm.s32 $execute0_lowered;
	[smem:$0x3FD2] =	sst s25  }
0xa6: {  	s5 =	sshll.u32 s26, $0x1;
	_ =	strace $0x80000046;
	[dreg:$0x1] =	wrdreg $0xFFFFFFFF  }
0xa7: {  	s28 =	simm.s32 $_size_execute0_lowered;
	s3 =	sadd.s32 s3, s5;
	[dreg:$0x0] =	wrdreg $0x0  }
0xa8: {  	s5 =	sshll.u32 s28, $0x1;
	[dreg:$0x2] =	wrdreg s3  }
0xa9: {  	[dreg:$0x3] =	wrdreg s5  }
0xaa: {  	[dreg:$0x4] =	wrdreg $0xC0  }
0xab: {  	_ =	task [dreg:s7], $0x5FFFF  }
0xac: {  	[dreg:$0x1] =	wrdreg $0xFFFFFFFF  }
0xad: {  	[dreg:$0x0] =	wrdreg $0x60  }
0xae: {  	[dreg:$0x2] =	wrdreg s24  }
0xaf: {  	[dreg:$0x3] =	wrdreg s2  }
0xb0: {  	[dreg:$0x4] =	wrdreg $0xA7800  }
0xb1: {  	[dreg:$0x5] =	wrdreg $0x1E7800  }
0xb2: {  	[dreg:$0x6] =	wrdreg $0x1EA000  }
0xb3: {  	[dreg:$0x7] =	wrdreg $0x1EC800  }
0xb4: {  	[dreg:$0x8] =	wrdreg $0x9  }
0xb5: {  	_ =	task.clear_ibuf [dreg:s7], $0x9FFFF;
	_ =	strace $0x90000046  }
0xb6: {  	s29 =	simm.s32 $0x9;
	_ =	strace $0x80000048  }
0xb7: {  	_ =	swait.ge [sflag:s29], $0x1  }
0xb8: {  	[sflag:s29] =	ssyncadd.s32 $0xFFFFFFFF  }
0xb9: {  	_ =	strace $0x90000048  }
0xba: {  	_ =	sfence  }
0xbb: {  	s30 =	sld [smem:$0x0];
	_ =	sdelay $0x2  }
0xbc: {  	s31 =	sshll.u32 s1, $0xD;
	s1 =	sshrl.u32 s1, $0x2  }
0xbd: {  	s3 =	sand.u32 $0x4000, s31;
	s1 =	sadd.s32 s1, s30  }
0xbe: {  	s0 =	sor.u32 s3, s0;
	s1 =	sshll.u32 s1, $0x11  }
0xbf: {  	s0 =	sor.u32 s1, s0  }
0xc0: {  	s0 =	sadd.s32 $0x8F2B, s0  }
0xc1: {  	[sflag:s0] =	ssyncadd.remote.s32 $0x1  }
0xc2: {  	_ =	sfence.sel $0xFFFF  }
0xc3: {  	[dreg:$0x0] =	wrdreg $0xFFFFFFFF;
	(pc) =	sbr.abs _section_cstart, $3  }
0xc4: {  	[dreg:$0x1] =	wrdreg $0xFFFFFFFF  }
0xc5: {  	_ =	task.clear_ibuf [dreg:s7], $0x2FFFF;
	_ =	strace $0x9FFFFFFF  }
0xc6: {  	(tm) =	ssettm $0x7FFFFFFF  }
0xc7: {  	_ =	shalt  }
tec
execute0_lowered:
.L_overlay_start_1:
0x0: {  	(tag) =	ssettag $0x1  }
0x1: {  	s0 =	rddreg [dreg:$0x0]  }
0x2: {  	s5 =	rddreg [dreg:$0x1]  }
0x3: {  	s1 =	rddreg [dreg:$0x2]  }
0x4: {  	s2 =	rddreg [dreg:$0x3]  }
0x5: {  	s3 =	rddreg [dreg:$0x4]  }
0x6: {  	s4 =	rddreg [dreg:$0x5]  }
0x7: {  	s7 =	simm.s32 $0x0;
	s6 =	srdreg.scid;
	s17 =	stileid.u32  }
0x8: {  	[smem:$0x7FF] =	sst s7;
	s6 =	sand.u32 $0x1, s6;
	s11 =	smul.u32 $0x14000, s17  }
0x9: {  	s7 =	sadd.s32 $0x3200, s0;
	s8 =	sadd.s32 $0x13200, s0;
	s9 =	sadd.s32 $0x23200, s0  }
0xa: {  	s12 =	sadd.s32 $0x5B200, s0;
	s24 =	smul.u32 $0x500, s17;
	s25 =	sadd.s32 $0x5B800, s0  }
0xb: {  	s14 =	sshll.u32 s17, $0xE;
	s10 =	smul.u32 $0x140000, s6;
	_ =	strace $0x80000047  }
0xc: {  	s13 =	sshll.u32 s6, $0x7;
	s26 =	sshll.u32 s6, $0x12;
	s6 =	ssub.s32 $0x2, s6  }
0xd: {  	[dreg:$0x7] =	wrdreg s12;
	s30 =	sshrl.u32 s6, $0x1;
	s10 =	sadd.s32 s11, s10  }
0xe: {  	s11 =	sor.u32 s13, s24;
	s13 =	sor.u32 s14, s26;
	s6 =	ssub.s32 s6, s30  }
0xf: {  	[dreg:$0x8] =	wrdreg s25;
	s15 =	sshrl.u32 s13, $0x3;
	s24 =	smax.u32 s6, $0x1  }
0x10: {  	s12 =	sadd.s32 $0x33200, s0;
	s31 =	sadd.s32 s7, s15;
	[dreg:$0x10] =	wrdreg s24  }
0x11: {  	s14 =	smul.u32 $0x280, s17;
	s18 =	sadd.s32 s8, s15;
	[dreg:$0x9] =	wrdreg s31  }
0x12: {  	s11 =	sshrl.u32 s11, $0x3;
	s15 =	sadd.s32 s9, s15;
	[dreg:$0xa] =	wrdreg s18  }
0x13: {  	s10 =	sshrl.u32 s10, $0x3;
	s5 =	sadd.s32 s5, s11;
	[dreg:$0xb] =	wrdreg s15  }
0x14: {  	s10 =	sadd.s32 s10, s0;
	s29 =	sadd.s32 s14, s4;
	[dreg:$0xd] =	wrdreg s5  }
0x15: {  	s0 =	sadd.s32 s11, s0;
	s10 =	sadd.s32 $0x5BE00, s10;
	[smem:$0x7FD] =	sst s29  }
0x16: {  	s16 =	smul.u32 $0x50000, s17;
	s21 =	sadd.s32 $0xABE00, s0;
	[dreg:$0xc] =	wrdreg s10  }
0x17: {  	s20 =	sor.u32 $0x50, s14;
	s0 =	sadd.s32 $0xAC800, s0;
	[dreg:$0xe] =	wrdreg s21  }
0x18: {  	s26 =	sadd.s32 s20, s2;
	[dreg:$0xf] =	wrdreg s0  }
0x19: {  	s19 =	sshrl.u32 s16, $0x2;
	s30 =	sadd.s32 s20, s3;
	[dreg:$0x12] =	wrdreg s26  }
0x1a: {  	s11 =	sadd.s32 $0xF0, s14;
	s6 =	sadd.s32 s20, s4;
	[dreg:$0x13] =	wrdreg s30  }
0x1b: {  	s22 =	sadd.s32 s19, s1;
	s19 =	sadd.s32 s11, s2;
	[dreg:$0x14] =	wrdreg s6  }
0x1c: {  	s23 =	sshll.u32 s20, $0x7;
	s20 =	sadd.s32 s11, s3;
	[dreg:$0x1a] =	wrdreg s19  }
0x1d: {  	s31 =	sadd.s32 $0xA0, s14;
	s25 =	sadd.s32 s23, s1;
	[dreg:$0x1b] =	wrdreg s20  }
0x1e: {  	s15 =	sadd.s32 s31, s2;
	[dreg:$0x11] =	wrdreg s25  }
0x1f: {  	s17 =	sadd.s32 s31, s3;
	[dreg:$0x16] =	wrdreg s15  }
0x20: {  	s16 =	sshll.u32 s11, $0x7;
	s0 =	sadd.s32 s31, s4;
	[dreg:$0x17] =	wrdreg s17  }
0x21: {  	s18 =	sadd.s32 s16, s1;
	[dreg:$0x18] =	wrdreg s0  }
0x22: {  	s10 =	sshll.u32 s31, $0x7;
	s23 =	sadd.s32 s11, s4;
	[dreg:$0x19] =	wrdreg s18  }
0x23: {  	s21 =	sadd.s32 $0x140, s14;
	s5 =	sadd.s32 s10, s1;
	[dreg:$0x1c] =	wrdreg s23  }
0x24: {  	s28 =	simm.s32 $0x0;
	s26 =	sadd.s32 s21, s2;
	[dreg:$0x15] =	wrdreg s5  }
0x25: {  	s16 =	sadd.s32 $0x1E0, s14;
	s31 =	sadd.s32 s21, s3;
	[dreg:$0x1e] =	wrdreg s26  }
0x26: {  	s24 =	sshll.u32 s21, $0x7;
	s0 =	sadd.s32 s21, s4;
	[dreg:$0x1f] =	wrdreg s31  }
0x27: {  	s25 =	sadd.s32 $0x190, s14;
	s19 =	sadd.s32 s16, s2;
	[smem:$0x7EF] =	sst s0  }
0x28: {  	s17 =	sadd.s32 $0x230, s14;
	s21 =	sadd.s32 s16, s3;
	[smem:$0x7F5] =	sst s19  }
0x29: {  	s18 =	sshll.u32 s16, $0x7;
	s5 =	sadd.s32 s24, s1;
	[smem:$0x7F6] =	sst s21  }
0x2a: {  	s30 =	sshll.u32 s25, $0x7;
	s10 =	sadd.s32 s25, s2;
	[dreg:$0x1d] =	wrdreg s5  }
0x2b: {  	s11 =	sadd.s32 s25, s3;
	s15 =	sadd.s32 s25, s4;
	[smem:$0x7F1] =	sst s10  }
0x2c: {  	s25 =	sadd.s32 s14, s2;
	s26 =	sadd.s32 s14, s3;
	[smem:$0x7F2] =	sst s11  }
0x2d: {  	s6 =	sadd.s32 s18, s1;
	s20 =	sshll.u32 s17, $0x7;
	[smem:$0x7F3] =	sst s15  }
0x2e: {  	s0 =	sadd.s32 s16, s4;
	s24 =	sadd.s32 s17, s2;
	[smem:$0x7F4] =	sst s6  }
0x2f: {  	s31 =	sadd.s32 s17, s4;
	s14 =	simm.s32 $0x5600;
	[smem:$0x7F7] =	sst s0  }
0x30: {  	s16 =	simm.s32 $0x1;
	s19 =	simm.s32 $0x2;
	[smem:$0x7F9] =	sst s24  }
0x31: {  	s21 =	simm.s32 $0x3;
	s5 =	sadd.s32 s30, s1;
	[smem:$0x7FB] =	sst s31  }
0x32: {  	s23 =	sadd.s32 s20, s1;
	s30 =	sadd.s32 s17, s3;
	[smem:$0x7FC] =	sst s26  }
0x33: {  	s6 =	simm.s32 $0x600;
	s10 =	simm.s32 $0x4;
	[smem:$0x7F0] =	sst s5  }
0x34: {  	s11 =	simm.s32 $0x2E00;
	s15 =	simm.s32 $0xA600;
	[smem:$0x7F8] =	sst s23  }
0x35: {  	v0 =	vimm.f32 $0.0e+00;
	v1 =	vimm.f32 $1.000000000e+00;
	s17 =	simm.s32 $0x50;
	s20 =	simm.s32 $0xA700;
	[smem:$0x7FA] =	sst s30  }
.LBB2_1:
0x36: {  	s0 =	simm.s32 $0x0;
	s5 =	rddreg [dreg:$0x7]  }
0x37: {  	[tilespmem:s6], [sflag:$0x4] =	stream.linear.gather [hbm4b:s5+s0], $0x2800, $0x38;
	[tilespmem:$0x1EF00] =	vst v63  }
0x38: {  	_ =	swait.ge [sflag:s10], $0x2800  }
0x39: {  	[sflag:s10] =	ssyncset.done $0x0  }
0x3a: {  	s31 =	rddreg [dreg:$0x8];
	[sflag:s10] =	ssyncadd.s32 $0xFFFFD800  }
0x3b: {  	[tilespmem:s11], [sflag:$0x4] =	stream.linear.gather [hbm4b:s31+s0], $0x2800, $0x38;
	[tilespmem:$0x1EF00] =	vst v63  }
0x3c: {  	_ =	swait.ge [sflag:s10], $0x2800  }
0x3d: {  	[sflag:s10] =	ssyncset.done $0x0  }
0x3e: {  	s5 =	simm.s32 $0x200;
	s0 =	simm.s32 $0x0;
	[sflag:s10] =	ssyncadd.s32 $0xFFFFD800  }
.LBB2_2:
0x3f: {  	p0 =	sne.s32 s5, $0x9E00;
	[tilespmem:s0+$0x5670] =	vst v0  }
0x40: {  	[tilespmem:s0+$0x5600] =	vst v0  }
0x41: {  	[tilespmem:s0+$0x5610] =	vst v0  }
.Ltmp0:
0x42: {  	[tilespmem:s0+$0x5620] =	vst v0;
	(pc) =	sbr.rel @p0 .LBB2_2-.Ltmp0, $4  }
0x43: {  	[tilespmem:s0+$0x5630] =	vst v0  }
0x44: {  	[tilespmem:s0+$0x5640] =	vst v0  }
0x45: {  	[tilespmem:s0+$0x5650] =	vst v0  }
0x46: {  	[tilespmem:s0+$0x5660] =	vst v0;
	s0 =	sshra.s32 s5, $0x2;
	s5 =	sadd.s32 $0x200, s5  }
0x47: {  	[tilespmem:s0+$0x5670] =	vst v0  }
0x48: {  	[tilespmem:s0+$0x5600] =	vst v0  }
0x49: {  	[tilespmem:s0+$0x5610] =	vst v0  }
0x4a: {  	[tilespmem:s0+$0x5620] =	vst v0  }
0x4b: {  	[tilespmem:s0+$0x5630] =	vst v0  }
0x4c: {  	[tilespmem:s0+$0x5640] =	vst v0  }
0x4d: {  	[tilespmem:s0+$0x5650] =	vst v0  }
0x4e: {  	[tilespmem:s0+$0x5660] =	vst v0  }
0x4f: {  	[tilespmem:$0xA600] =	vst v0  }
0x50: {  	[tilespmem:$0xA610] =	vst v0  }
0x51: {  	[tilespmem:$0xA620] =	vst v0  }
0x52: {  	[tilespmem:$0xA630] =	vst v0  }
0x53: {  	[tilespmem:$0xA640] =	vst v0  }
0x54: {  	[spmem:s22] =	stream.linear.scatter [tilespmem:s14], [sflag:$0x4], $0x2800, $0x38;
	[tilespmem:$0x1EF00] =	vst v63  }
0x55: {  	_ =	swait.ge [sflag:s10], $0x2800  }
0x56: {  	[sflag:s10] =	ssyncset.done $0x0  }
0x57: {  	[sflag:s10] =	ssyncadd.s32 $0xFFFFD800  }
0x58: {  	[spmem:s25] =	stream.linear.scatter [tilespmem:s15], [sflag:$0x4], $0x50, $0x38;
	[tilespmem:$0x1EF00] =	vst v63  }
0x59: {  	_ =	swait.ge [sflag:s10], $0x50  }
0x5a: {  	[sflag:s10] =	ssyncset.done $0x0  }
0x5b: {  	[sflag:s10] =	ssyncadd.s32 $0xFFFFFFB0  }
0x5c: {  	[spmem:s26] =	stream.linear.scatter [tilespmem:s15], [sflag:$0x4], $0x50, $0x38;
	[tilespmem:$0x1EF00] =	vst v63  }
0x5d: {  	_ =	swait.ge [sflag:s10], $0x50  }
0x5e: {  	[sflag:s10] =	ssyncset.done $0x0  }
0x5f: {  	[sflag:s10] =	ssyncadd.s32 $0xFFFFFFB0  }
0x60: {  	[spmem:s29] =	stream.linear.scatter [tilespmem:s15], [sflag:$0x4], $0x50, $0x38;
	[tilespmem:$0x1EF00] =	vst v63  }
0x61: {  	_ =	swait.ge [sflag:s10], $0x50  }
0x62: {  	[sflag:s10] =	ssyncset.done $0x0  }
0x63: {  	s24 =	smov.u32 s25;
	s25 =	rddreg [dreg:$0x11];
	[sflag:s10] =	ssyncadd.s32 $0xFFFFFFB0  }
0x64: {  	[spmem:s25] =	stream.linear.scatter [tilespmem:s14], [sflag:$0x4], $0x2800, $0x38;
	[tilespmem:$0x1EF00] =	vst v63  }
0x65: {  	_ =	swait.ge [sflag:s10], $0x2800  }
0x66: {  	[sflag:s10] =	ssyncset.done $0x0  }
0x67: {  	s26 =	rddreg [dreg:$0x12];
	[sflag:s10] =	ssyncadd.s32 $0xFFFFD800  }
0x68: {  	[spmem:s26] =	stream.linear.scatter [tilespmem:s15], [sflag:$0x4], $0x50, $0x38;
	[tilespmem:$0x1EF00] =	vst v63  }
0x69: {  	_ =	swait.ge [sflag:s10], $0x50  }
0x6a: {  	[sflag:s10] =	ssyncset.done $0x0  }
0x6b: {  	s30 =	rddreg [dreg:$0x13];
	[sflag:s10] =	ssyncadd.s32 $0xFFFFFFB0  }
0x6c: {  	[spmem:s30] =	stream.linear.scatter [tilespmem:s15], [sflag:$0x4], $0x50, $0x38;
	[tilespmem:$0x1EF00] =	vst v63  }
0x6d: {  	_ =	swait.ge [sflag:s10], $0x50  }
0x6e: {  	[sflag:s10] =	ssyncset.done $0x0  }
0x6f: {  	s31 =	rddreg [dreg:$0x14];
	[sflag:s10] =	ssyncadd.s32 $0xFFFFFFB0  }
0x70: {  	[spmem:s31] =	stream.linear.scatter [tilespmem:s15], [sflag:$0x4], $0x50, $0x38;
	[tilespmem:$0x1EF00] =	vst v63  }
0x71: {  	_ =	swait.ge [sflag:s10], $0x50  }
0x72: {  	[sflag:s10] =	ssyncset.done $0x0  }
0x73: {  	s5 =	rddreg [dreg:$0x15];
	[sflag:s10] =	ssyncadd.s32 $0xFFFFFFB0  }
0x74: {  	[spmem:s5] =	stream.linear.scatter [tilespmem:s14], [sflag:$0x4], $0x2800, $0x38;
	[tilespmem:$0x1EF00] =	vst v63  }
0x75: {  	_ =	swait.ge [sflag:s10], $0x2800  }
0x76: {  	[sflag:s10] =	ssyncset.done $0x0  }
0x77: {  	s18 =	rddreg [dreg:$0x16];
	[sflag:s10] =	ssyncadd.s32 $0xFFFFD800  }
0x78: {  	[spmem:s18] =	stream.linear.scatter [tilespmem:s15], [sflag:$0x4], $0x50, $0x38;
	[tilespmem:$0x1EF00] =	vst v63  }
0x79: {  	_ =	swait.ge [sflag:s10], $0x50  }
0x7a: {  	[sflag:s10] =	ssyncset.done $0x0  }
0x7b: {  	s23 =	smov.u32 s22;
	s22 =	rddreg [dreg:$0x17];
	[sflag:s10] =	ssyncadd.s32 $0xFFFFFFB0  }
0x7c: {  	[spmem:s22] =	stream.linear.scatter [tilespmem:s15], [sflag:$0x4], $0x50, $0x38;
	[tilespmem:$0x1EF00] =	vst v63  }
0x7d: {  	_ =	swait.ge [sflag:s10], $0x50  }
0x7e: {  	[sflag:s10] =	ssyncset.done $0x0  }
0x7f: {  	s25 =	rddreg [dreg:$0x18];
	[sflag:s10] =	ssyncadd.s32 $0xFFFFFFB0  }
0x80: {  	[spmem:s25] =	stream.linear.scatter [tilespmem:s15], [sflag:$0x4], $0x50, $0x38;
	[tilespmem:$0x1EF00] =	vst v63  }
0x81: {  	_ =	swait.ge [sflag:s10], $0x50  }
0x82: {  	[sflag:s10] =	ssyncset.done $0x0  }
0x83: {  	s26 =	rddreg [dreg:$0x19];
	[sflag:s10] =	ssyncadd.s32 $0xFFFFFFB0  }
0x84: {  	[spmem:s26] =	stream.linear.scatter [tilespmem:s14], [sflag:$0x4], $0x2800, $0x38;
	[tilespmem:$0x1EF00] =	vst v63  }
0x85: {  	_ =	swait.ge [sflag:s10], $0x2800  }
0x86: {  	[sflag:s10] =	ssyncset.done $0x0  }
0x87: {  	s30 =	rddreg [dreg:$0x1a];
	[sflag:s10] =	ssyncadd.s32 $0xFFFFD800  }
0x88: {  	[spmem:s30] =	stream.linear.scatter [tilespmem:s15], [sflag:$0x4], $0x50, $0x38;
	[tilespmem:$0x1EF00] =	vst v63  }
0x89: {  	_ =	swait.ge [sflag:s10], $0x50  }
0x8a: {  	[sflag:s10] =	ssyncset.done $0x0  }
0x8b: {  	s31 =	rddreg [dreg:$0x1b];
	[sflag:s10] =	ssyncadd.s32 $0xFFFFFFB0  }
0x8c: {  	[spmem:s31] =	stream.linear.scatter [tilespmem:s15], [sflag:$0x4], $0x50, $0x38;
	[tilespmem:$0x1EF00] =	vst v63  }
0x8d: {  	_ =	swait.ge [sflag:s10], $0x50  }
0x8e: {  	[sflag:s10] =	ssyncset.done $0x0  }
0x8f: {  	s5 =	rddreg [dreg:$0x1c];
	[sflag:s10] =	ssyncadd.s32 $0xFFFFFFB0  }
0x90: {  	[spmem:s5] =	stream.linear.scatter [tilespmem:s15], [sflag:$0x4], $0x50, $0x38;
	[tilespmem:$0x1EF00] =	vst v63  }
0x91: {  	_ =	swait.ge [sflag:s10], $0x50  }
0x92: {  	[sflag:s10] =	ssyncset.done $0x0  }
0x93: {  	s18 =	rddreg [dreg:$0x1d];
	[sflag:s10] =	ssyncadd.s32 $0xFFFFFFB0  }
0x94: {  	[spmem:s18] =	stream.linear.scatter [tilespmem:s14], [sflag:$0x4], $0x2800, $0x38;
	[tilespmem:$0x1EF00] =	vst v63  }
0x95: {  	_ =	swait.ge [sflag:s10], $0x2800  }
0x96: {  	[sflag:s10] =	ssyncset.done $0x0  }
0x97: {  	s22 =	rddreg [dreg:$0x1e];
	[sflag:s10] =	ssyncadd.s32 $0xFFFFD800  }
0x98: {  	[spmem:s22] =	stream.linear.scatter [tilespmem:s15], [sflag:$0x4], $0x50, $0x38;
	[tilespmem:$0x1EF00] =	vst v63  }
0x99: {  	_ =	swait.ge [sflag:s10], $0x50  }
0x9a: {  	[sflag:s10] =	ssyncset.done $0x0  }
0x9b: {  	s25 =	rddreg [dreg:$0x1f];
	[sflag:s10] =	ssyncadd.s32 $0xFFFFFFB0  }
0x9c: {  	[spmem:s25] =	stream.linear.scatter [tilespmem:s15], [sflag:$0x4], $0x50, $0x38;
	[tilespmem:$0x1EF00] =	vst v63  }
0x9d: {  	_ =	swait.ge [sflag:s10], $0x50  }
0x9e: {  	s26 =	sld [smem:$0x7EF]  }
0x9f: {  	[sflag:s10] =	ssyncset.done $0x0  }
0xa0: {  	[sflag:s10] =	ssyncadd.s32 $0xFFFFFFB0  }
0xa1: {  	[spmem:s26] =	stream.linear.scatter [tilespmem:s15], [sflag:$0x4], $0x50, $0x38;
	[tilespmem:$0x1EF00] =	vst v63  }
0xa2: {  	_ =	swait.ge [sflag:s10], $0x50  }
0xa3: {  	s30 =	sld [smem:$0x7F0]  }
0xa4: {  	[sflag:s10] =	ssyncset.done $0x0  }
0xa5: {  	[sflag:s10] =	ssyncadd.s32 $0xFFFFFFB0  }
0xa6: {  	[spmem:s30] =	stream.linear.scatter [tilespmem:s14], [sflag:$0x4], $0x2800, $0x38;
	[tilespmem:$0x1EF00] =	vst v63  }
0xa7: {  	_ =	swait.ge [sflag:s10], $0x2800  }
0xa8: {  	s31 =	sld [smem:$0x7F1]  }
0xa9: {  	[sflag:s10] =	ssyncset.done $0x0  }
0xaa: {  	[sflag:s10] =	ssyncadd.s32 $0xFFFFD800  }
0xab: {  	[spmem:s31] =	stream.linear.scatter [tilespmem:s15], [sflag:$0x4], $0x50, $0x38;
	[tilespmem:$0x1EF00] =	vst v63  }
0xac: {  	_ =	swait.ge [sflag:s10], $0x50  }
0xad: {  	s5 =	sld [smem:$0x7F2]  }
0xae: {  	[sflag:s10] =	ssyncset.done $0x0  }
0xaf: {  	[sflag:s10] =	ssyncadd.s32 $0xFFFFFFB0  }
0xb0: {  	[spmem:s5] =	stream.linear.scatter [tilespmem:s15], [sflag:$0x4], $0x50, $0x38;
	[tilespmem:$0x1EF00] =	vst v63  }
0xb1: {  	_ =	swait.ge [sflag:s10], $0x50  }
0xb2: {  	s18 =	sld [smem:$0x7F3]  }
0xb3: {  	[sflag:s10] =	ssyncset.done $0x0  }
0xb4: {  	[sflag:s10] =	ssyncadd.s32 $0xFFFFFFB0  }
0xb5: {  	[spmem:s18] =	stream.linear.scatter [tilespmem:s15], [sflag:$0x4], $0x50, $0x38;
	[tilespmem:$0x1EF00] =	vst v63  }
0xb6: {  	_ =	swait.ge [sflag:s10], $0x50  }
0xb7: {  	s22 =	sld [smem:$0x7F4]  }
0xb8: {  	[sflag:s10] =	ssyncset.done $0x0  }
0xb9: {  	[sflag:s10] =	ssyncadd.s32 $0xFFFFFFB0  }
0xba: {  	[spmem:s22] =	stream.linear.scatter [tilespmem:s14], [sflag:$0x4], $0x2800, $0x38;
	[tilespmem:$0x1EF00] =	vst v63  }
0xbb: {  	_ =	swait.ge [sflag:s10], $0x2800  }
0xbc: {  	s25 =	sld [smem:$0x7F5]  }
0xbd: {  	[sflag:s10] =	ssyncset.done $0x0  }
0xbe: {  	[sflag:s10] =	ssyncadd.s32 $0xFFFFD800  }
0xbf: {  	[spmem:s25] =	stream.linear.scatter [tilespmem:s15], [sflag:$0x4], $0x50, $0x38;
	[tilespmem:$0x1EF00] =	vst v63  }
0xc0: {  	_ =	swait.ge [sflag:s10], $0x50  }
0xc1: {  	s26 =	sld [smem:$0x7F6]  }
0xc2: {  	[sflag:s10] =	ssyncset.done $0x0  }
0xc3: {  	[sflag:s10] =	ssyncadd.s32 $0xFFFFFFB0  }
0xc4: {  	[spmem:s26] =	stream.linear.scatter [tilespmem:s15], [sflag:$0x4], $0x50, $0x38;
	[tilespmem:$0x1EF00] =	vst v63  }
0xc5: {  	_ =	swait.ge [sflag:s10], $0x50  }
0xc6: {  	s30 =	sld [smem:$0x7F7]  }
0xc7: {  	[sflag:s10] =	ssyncset.done $0x0  }
0xc8: {  	[sflag:s10] =	ssyncadd.s32 $0xFFFFFFB0  }
0xc9: {  	[spmem:s30] =	stream.linear.scatter [tilespmem:s15], [sflag:$0x4], $0x50, $0x38;
	[tilespmem:$0x1EF00] =	vst v63  }
0xca: {  	_ =	swait.ge [sflag:s10], $0x50  }
0xcb: {  	s31 =	sld [smem:$0x7F8]  }
0xcc: {  	[sflag:s10] =	ssyncset.done $0x0  }
0xcd: {  	[sflag:s10] =	ssyncadd.s32 $0xFFFFFFB0  }
0xce: {  	[spmem:s31] =	stream.linear.scatter [tilespmem:s14], [sflag:$0x4], $0x2800, $0x38;
	[tilespmem:$0x1EF00] =	vst v63  }
0xcf: {  	_ =	swait.ge [sflag:s10], $0x2800  }
0xd0: {  	s5 =	sld [smem:$0x7F9]  }
0xd1: {  	[sflag:s10] =	ssyncset.done $0x0  }
0xd2: {  	[sflag:s10] =	ssyncadd.s32 $0xFFFFD800  }
0xd3: {  	[spmem:s5] =	stream.linear.scatter [tilespmem:s15], [sflag:$0x4], $0x50, $0x38;
	[tilespmem:$0x1EF00] =	vst v63  }
0xd4: {  	_ =	swait.ge [sflag:s10], $0x50  }
0xd5: {  	s18 =	sld [smem:$0x7FA]  }
0xd6: {  	[sflag:s10] =	ssyncset.done $0x0  }
0xd7: {  	[sflag:s10] =	ssyncadd.s32 $0xFFFFFFB0  }
0xd8: {  	[spmem:s18] =	stream.linear.scatter [tilespmem:s15], [sflag:$0x4], $0x50, $0x38;
	[tilespmem:$0x1EF00] =	vst v63  }
0xd9: {  	_ =	swait.ge [sflag:s10], $0x50  }
0xda: {  	s22 =	sld [smem:$0x7FB]  }
0xdb: {  	[sflag:s10] =	ssyncset.done $0x0  }
0xdc: {  	[sflag:s10] =	ssyncadd.s32 $0xFFFFFFB0  }
0xdd: {  	[spmem:s22] =	stream.linear.scatter [tilespmem:s15], [sflag:$0x4], $0x50, $0x38;
	[tilespmem:$0x1EF00] =	vst v63  }
0xde: {  	_ =	swait.ge [sflag:s10], $0x50  }
0xdf: {  	[sflag:s10] =	ssyncset.done $0x0  }
0xe0: {  	[sflag:s10] =	ssyncadd.s32 $0xFFFFFFB0  }
0xe1: {  	[tilespmem:$0xA700] =	vst v1  }
0xe2: {  	[tilespmem:$0xA710] =	vst v1  }
0xe3: {  	[tilespmem:$0xA720] =	vst v1  }
0xe4: {  	[tilespmem:$0xA730] =	vst v1  }
0xe5: {  	[tilespmem:$0xA740] =	vst v1  }
0xe6: {  	[bflag:$0x0] =	sbarrier.arrive $0xFFFF  }
0xe7: {  	s29 =	simm.s32 $0x0;
	s25 =	rddreg [dreg:$0x9]  }
0xe8: {  	[tilespmem:s29], [sflag:$0x1] =	stream.linear.gather [hbm4b:s25+s29], $0x80, $0x38;
	[tilespmem:$0x1EF00] =	vst v63  }
0xe9: {  	s5 =	simm.s32 $0x200;
	s26 =	rddreg [dreg:$0xa]  }
0xea: {  	[tilespmem:s5], [sflag:$0x1] =	stream.linear.gather [hbm4b:s26+s29], $0x80, $0x38;
	[tilespmem:$0x1EF00] =	vst v63  }
0xeb: {  	s31 =	simm.s32 $0x400;
	s30 =	rddreg [dreg:$0xb]  }
0xec: {  	[tilespmem:s31], [sflag:$0x1] =	stream.linear.gather [hbm4b:s30+s29], $0x80, $0x38;
	[tilespmem:$0x1EF00] =	vst v63  }
0xed: {  	_ =	swait.ge [sflag:s16], $0x80  }
0xee: {  	[sflag:s16] =	ssyncset.done $0x0  }
0xef: {  	[sflag:s16] =	ssyncadd.s32 $0xFFFFFF80  }
0xf0: {  	_ =	swait.ge [sflag:s16], $0x80  }
0xf1: {  	[sflag:s16] =	ssyncset.done $0x0  }
0xf2: {  	[sflag:s16] =	ssyncadd.s32 $0xFFFFFF80  }
0xf3: {  	_ =	swait.ge [sflag:s16], $0x80  }
0xf4: {  	[sflag:s16] =	ssyncset.done $0x0  }
0xf5: {  	p0 =	por $0x0, $0x0;
	[sflag:s16] =	ssyncadd.s32 $0xFFFFFF80  }
0xf6: {  	[tilespmem:s14], [sflag:$0x2] =	stream.indirect.gather [hbm4b:s12+s17], $0x80, s29, s17, $0xb8;
	[tilespmem:$0x1EF00] =	vst v63  }
.LBB2_4:
0xf7: {  	s0 =	smul.u32 $0xAB, s29;
	_ =	sdelay $0x1  }
0xf8: {  	s18 =	smov.u32 s29;
	s5 =	sadd.s32 $0xAB, s0  }
0xf9: {  	s29 =	sadd.s32 $0x1, s29;
	p1 =	seq.s32 s18, $0x7C;
	s5 =	sshrl.u32 s5, $0x9  }
0xfa: {  	s25 =	sshll.u32 @!p1 s29, $0x7;
	s5 =	sand.u32 $0x7F, s5  }
0xfb: {  	s26 =	sand.u32 @!p1 $0x7C00, s25;
	s5 =	smul.u32 $0x3, s5  }
0xfc: {  	s25 =	sand.u32 @!p1 $0x380, s25;
	s26 =	sadd.s32 @!p1 s13, s26  }
0xfd: {  	s25 =	sor.u32 @!p1 s25, s26;
	s5 =	ssub.s32 s29, s5  }
0xfe: {  	s0 =	sshrl.u32 s0, $0x9;
	s25 =	sshrl.u32 @!p1 s25, $0x3;
	s5 =	sand.u32 $0xFF, s5  }
0xff: {  	s31 =	simm.s32 @!p1 $0x0;
	s30 =	sadd.s32 @!p1 s7, s25;
	s26 =	sshll.u32 @!p1 s5, $0x7  }
0x100: {  	[tilespmem:s26], [sflag:$0x1] =	stream.linear.gather @!p1 [hbm4b:s30+s31], $0x80, $0x38;
	[tilespmem:$0x1EF00] =	vst v63  }
0x101: {  	s0 =	sand.u32 $0x7F, s0;
	s22 =	sadd.s32 @!p1 s8, s25;
	s30 =	sadd.s32 @!p1 $0x200, s26  }
0x102: {  	[tilespmem:s30], [sflag:$0x1] =	stream.linear.gather @!p1 [hbm4b:s22+s31], $0x80, $0x38;
	[tilespmem:$0x1EF00] =	vst v63  }
0x103: {  	s0 =	smul.u32 $0x3, s0;
	s25 =	sadd.s32 @!p1 s9, s25;
	s22 =	sadd.s32 @!p1 $0x400, s26  }
0x104: {  	[tilespmem:s22], [sflag:$0x1] =	stream.linear.gather @!p1 [hbm4b:s25+s31], $0x80, $0x38;
	[tilespmem:$0x1EF00] =	vst v63  }
0x105: {  	s0 =	ssub.s32 s18, s0;
	_ =	swait.ge [sflag:s19], $0x2800  }
0x106: {  	s0 =	sand.u32 $0xFF, s0;
	[sflag:s19] =	ssyncset.done $0x0  }
0x107: {  	s22 =	sshll.u32 s0, $0x7;
	[sflag:s19] =	ssyncadd.s32 $0xFFFFD800  }
0x108: {  	v2 =	vld [tilespmem:s22+$0x0]  }
0x109: {  	v3 =	vld [tilespmem:s22+$0x200];
	_ =	sdelay $0x6  }
0x10a: {  	v2 =	vld.idx.msk [tilespmem:v2+s6+$0x0], $0xffff  }
0x10b: {  	v3 =	vld.idx.msk [tilespmem:v3+s11+$0x0], $0xffff;
	_ =	sdelay $0x1  }
0x10c: {  	v4 =	vld [tilespmem:s22+$0x400];
	_ =	sdelay $0x2  }
0x10d: {  	v2 =	vadd.f32 v3, v2;
	_ =	sdelay $0x1  }
0x10e: {  	v2 =	vadd.f32 v4, v2;
	_ =	sdelay $0x1  }
0x10f: {  	v3 =	vmul.f32 $2.000000030e-01, v2  }
0x110: {  	vm0 =	vge.f32 v2, $0.0e+00  }
0x111: {  	v2 =	vsel vm0, v2, v3  }
0x112: {  	v2 =	vmul.f32 $1.442695020e+00, v2;
	_ =	sdelay $0x1  }
0x113: {  	(erf) = vpow2.f32 v2;
	_ =	sdelay $0x7  }
0x114: {  	s0 =	sand.u32 $0x1, s18  }
0x115: {  	s26 =	sshll.u32 s0, $0x7;
	v2 =	vpop (erf)  }
0x116: {  	[tilespmem:s26+$0xA600] =	vst v2  }
0x117: {  	v2 =	vld [tilespmem:s22+$0x10]  }
0x118: {  	v3 =	vld [tilespmem:s22+$0x210];
	_ =	sdelay $0x6  }
0x119: {  	v2 =	vld.idx.msk [tilespmem:v2+s6+$0x0], $0xffff  }
0x11a: {  	v3 =	vld.idx.msk [tilespmem:v3+s11+$0x0], $0xffff;
	_ =	sdelay $0x1  }
0x11b: {  	v60 =	vld [tilespmem:s22+$0x410];
	_ =	sdelay $0x2  }
0x11c: {  	v2 =	vadd.f32 v3, v2;
	_ =	sdelay $0x1  }
0x11d: {  	v2 =	vadd.f32 v60, v2;
	_ =	sdelay $0x1  }
0x11e: {  	v3 =	vmul.f32 $2.000000030e-01, v2  }
0x11f: {  	vm12 =	vge.f32 v2, $0.0e+00  }
0x120: {  	v2 =	vsel vm12, v2, v3  }
0x121: {  	v2 =	vmul.f32 $1.442695020e+00, v2;
	_ =	sdelay $0x1  }
0x122: {  	(erf) = vpow2.f32 v2;
	_ =	sdelay $0x8  }
0x123: {  	v2 =	vpop (erf)  }
0x124: {  	[tilespmem:s26+$0xA610] =	vst v2  }
0x125: {  	v2 =	vld [tilespmem:s22+$0x20]  }
0x126: {  	v3 =	vld [tilespmem:s22+$0x220];
	_ =	sdelay $0x6  }
0x127: {  	v2 =	vld.idx.msk [tilespmem:v2+s6+$0x0], $0xffff  }
0x128: {  	v3 =	vld.idx.msk [tilespmem:v3+s11+$0x0], $0xffff;
	_ =	sdelay $0x1  }
0x129: {  	v61 =	vld [tilespmem:s22+$0x420];
	_ =	sdelay $0x2  }
0x12a: {  	v2 =	vadd.f32 v3, v2;
	_ =	sdelay $0x1  }
0x12b: {  	v2 =	vadd.f32 v61, v2;
	_ =	sdelay $0x1  }
0x12c: {  	v3 =	vmul.f32 $2.000000030e-01, v2  }
0x12d: {  	vm13 =	vge.f32 v2, $0.0e+00  }
0x12e: {  	v2 =	vsel vm13, v2, v3  }
0x12f: {  	v2 =	vmul.f32 $1.442695020e+00, v2;
	_ =	sdelay $0x1  }
0x130: {  	(erf) = vpow2.f32 v2;
	_ =	sdelay $0x8  }
0x131: {  	v2 =	vpop (erf)  }
0x132: {  	[tilespmem:s26+$0xA620] =	vst v2  }
0x133: {  	v2 =	vld [tilespmem:s22+$0x30]  }
0x134: {  	v3 =	vld [tilespmem:s22+$0x230];
	_ =	sdelay $0x6  }
0x135: {  	v2 =	vld.idx.msk [tilespmem:v2+s6+$0x0], $0xffff  }
0x136: {  	v3 =	vld.idx.msk [tilespmem:v3+s11+$0x0], $0xffff;
	_ =	sdelay $0x1  }
0x137: {  	v62 =	vld [tilespmem:s22+$0x430];
	_ =	sdelay $0x2  }
0x138: {  	v2 =	vadd.f32 v3, v2;
	_ =	sdelay $0x1  }
0x139: {  	v2 =	vadd.f32 v62, v2;
	_ =	sdelay $0x1  }
0x13a: {  	v3 =	vmul.f32 $2.000000030e-01, v2  }
0x13b: {  	vm14 =	vge.f32 v2, $0.0e+00  }
0x13c: {  	v2 =	vsel vm14, v2, v3  }
0x13d: {  	v2 =	vmul.f32 $1.442695020e+00, v2;
	_ =	sdelay $0x1  }
0x13e: {  	(erf) = vpow2.f32 v2;
	_ =	sdelay $0x8  }
0x13f: {  	v2 =	vpop (erf)  }
0x140: {  	[tilespmem:s26+$0xA630] =	vst v2  }
0x141: {  	v2 =	vld [tilespmem:s22+$0x40]  }
0x142: {  	v3 =	vld [tilespmem:s22+$0x240];
	_ =	sdelay $0x6  }
0x143: {  	v2 =	vld.idx.msk [tilespmem:v2+s6+$0x0], $0xffff  }
0x144: {  	v3 =	vld.idx.msk [tilespmem:v3+s11+$0x0], $0xffff;
	_ =	sdelay $0x1  }
0x145: {  	v63 =	vld [tilespmem:s22+$0x440];
	_ =	sdelay $0x2  }
0x146: {  	v2 =	vadd.f32 v3, v2;
	_ =	sdelay $0x1  }
0x147: {  	v2 =	vadd.f32 v63, v2;
	_ =	sdelay $0x1  }
0x148: {  	v3 =	vmul.f32 $2.000000030e-01, v2  }
0x149: {  	vm15 =	vge.f32 v2, $0.0e+00  }
0x14a: {  	v2 =	vsel vm15, v2, v3  }
0x14b: {  	v2 =	vmul.f32 $1.442695020e+00, v2;
	_ =	sdelay $0x1  }
0x14c: {  	(erf) = vpow2.f32 v2;
	_ =	sdelay $0x4  }
0x14d: {  	p2 =	sne.s32 s18, $0x0  }
.Ltmp1:
0x14e: {  	_ = 	snop;
	(pc) =	sbr.rel @!p2 .LBB2_5-.Ltmp1, $3  }
0x14f: {  	_ =	sdelay $0x1  }
0x150: {  	v2 =	vpop (erf)  }
0x151: {  	s30 =	sadd.s32 $0x200, s22;
	s18 =	sadd.s32 $0x400, s22;
	s31 =	sor.u32 $0xA600, s26;
	[tilespmem:s26+$0xA640] =	vst v2  }
0x152: {  	_ =	swait.ge [sflag:s21], $0x2800  }
0x153: {  	[sflag:s21] =	ssyncset.done $0x0  }
0x154: {  	[sflag:s21] =	ssyncadd.s32 $0xFFFFD800  }
0x155: {  	_ =	swait.ge [sflag:s21], $0x50  }
0x156: {  	[sflag:s21] =	ssyncset.done $0x0  }
0x157: {  	[sflag:s21] =	ssyncadd.s32 $0xFFFFFFB0  }
0x158: {  	_ =	swait.ge [sflag:s21], $0x50  }
0x159: {  	[sflag:s21] =	ssyncset.done $0x0  }
0x15a: {  	[sflag:s21] =	ssyncadd.s32 $0xFFFFFFB0  }
0x15b: {  	_ =	swait.ge [sflag:s21], $0x50  }
0x15c: {  	[sflag:s21] =	ssyncset.done $0x0  }
0x15d: {  	[sflag:s21] =	ssyncadd.s32 $0xFFFFFFB0  }
0x15e: {  	[spmem:s2] =	stream.indirect.scatter.add.f32 [tilespmem:s31], [sflag:$0x3], $0x1, s30, s17, $0xb8;
	[tilespmem:$0x1EF00] =	vst v63  }
.Ltmp2:
0x15f: {  	_ = 	snop;
	(pc) =	sbr.rel @p1 .LBB2_8-.Ltmp2, $4  }
.Ltmp3:
0x160: {  	_ = 	snop;
	(pc) =	sbr.rel @!p1 .LBB2_7-.Ltmp3, $4  }
0x161: {  	[spmem:s3] =	stream.indirect.scatter.add.f32 [tilespmem:s20], [sflag:$0x3], $0x1, s30, s17, $0xb8;
	[tilespmem:$0x1EF00] =	vst v63  }
0x162: {  	_ = 	snop  }
0x163: {  	[spmem:s4] =	stream.indirect.scatter.add.f32 [tilespmem:s18], [sflag:$0x3], $0x1, s30, s17, $0xb8;
	[tilespmem:$0x1EF00] =	vst v63  }
0x164: {  	_ = 	snop  }
.LBB2_5:
0x165: {  	[spmem:s2] =	stream.indirect.scatter.add.f32 [tilespmem:s31], [sflag:$0x3], $0x1, s30, s17, $0xb8;
	[tilespmem:$0x1EF00] =	vst v63  }
0x166: {  	_ = 	snop  }
0x167: {  	[spmem:s3] =	stream.indirect.scatter.add.f32 [tilespmem:s20], [sflag:$0x3], $0x1, s30, s17, $0xb8;
	[tilespmem:$0x1EF00] =	vst v63  }
0x168: {  	_ = 	snop  }
0x169: {  	[spmem:s4] =	stream.indirect.scatter.add.f32 [tilespmem:s18], [sflag:$0x3], $0x1, s30, s17, $0xb8;
	[tilespmem:$0x1EF00] =	vst v63  }
.LBB2_7:
0x16a: {  	_ =	swait.ge [sflag:s16], $0x80  }
0x16b: {  	[sflag:s16] =	ssyncset.done $0x0  }
0x16c: {  	[sflag:s16] =	ssyncadd.s32 $0xFFFFFF80  }
0x16d: {  	_ =	swait.ge [sflag:s16], $0x80  }
0x16e: {  	s18 =	sxor.u32 $0x1, s0;
	[sflag:s16] =	ssyncset.done $0x0  }
0x16f: {  	s18 =	smul.u32 $0xA000, s18;
	[sflag:s16] =	ssyncadd.s32 $0xFFFFFF80  }
0x170: {  	_ =	swait.ge [sflag:s16], $0x80  }
0x171: {  	s18 =	sshrl.u32 s18, $0x2;
	[sflag:s16] =	ssyncset.done $0x0  }
0x172: {  	s5 =	sshll.u32 s5, $0x7;
	s18 =	sadd.s32 $0x5600, s18;
	[sflag:s16] =	ssyncadd.s32 $0xFFFFFF80  }
0x173: {  	[tilespmem:s18], [sflag:$0x2] =	stream.indirect.gather [hbm4b:s12+s17], $0x80, s5, s17, $0xb8;
	[tilespmem:$0x1EF00] =	vst v63  }
.LBB2_8:
0x174: {  	s5 =	simm.s32 $0x0  }
0x175: {  	v2 =	vmov s5  }
0x176: {  	s18 =	simm.s32 $0x1;
	v2 =	vand.u32 $0xFFFFFFFC, v2  }
0x177: {  	s18 =	simm.s32 @!p0 $0x0;
	v2 =	vbroadcast v2, $0x0  }
0x178: {  	s22 =	smul.u32 $0xA000, s18;
	_ =	sdelay $0x1  }
0x179: {  	s5 =	sshrl.u32 s22, $0x2  }
0x17a: {  	s18 =	sadd.s32 $0x5700, s5  }
0x17b: {  	v4 =	vld [tilespmem:s18+$0xFFFFFF70]  }
0x17c: {  	v2 =	vld.idx.msk [tilespmem:v2+s31+$0x0], $0xffff  }
0x17d: {  	v5 =	vld [tilespmem:s18+$0xFFFFFF00]  }
0x17e: {  	v6 =	vld [tilespmem:s18+$0xFFFFFF20]  }
0x17f: {  	v7 =	vld [tilespmem:s18+$0xFFFFFF30]  }
0x180: {  	v3 =	vld [tilespmem:s18+$0xFFFFFF50]  }
0x181: {  	v9 =	vld [tilespmem:s18+$0xFFFFFF10];
	v4 =	vmul.f32 v4, v2  }
0x182: {  	s25 =	simm.s32 $0x1;
	v8 =	vld [tilespmem:s18+$0xFFFFFF60];
	v5 =	vmul.f32 v5, v2  }
0x183: {  	v10 =	vld [tilespmem:s18+$0xFFFFFF40];
	v6 =	vmul.f32 v6, v2;
	[tilespmem:s18+$0xFFFFFF70] =	vst v4;
	v4 =	vmov s25  }
0x184: {  	v7 =	vmul.f32 v7, v2;
	[tilespmem:s18+$0xFFFFFF00] =	vst v5;
	v4 =	vand.u32 $0xFFFFFFFD, v4  }
0x185: {  	v3 =	vmul.f32 v3, v2;
	[tilespmem:s18+$0xFFFFFF20] =	vst v6;
	v4 =	vbroadcast v4, $0x0  }
0x186: {  	v5 =	vmul.f32 v9, v2;
	[tilespmem:s18+$0xFFFFFF30] =	vst v7  }
0x187: {  	v6 =	vmul.f32 v8, v2;
	[tilespmem:s18+$0xFFFFFF50] =	vst v3  }
0x188: {  	v2 =	vmul.f32 v10, v2;
	[tilespmem:s18+$0xFFFFFF10] =	vst v5  }
0x189: {  	[tilespmem:s18+$0xFFFFFF60] =	vst v6  }
0x18a: {  	[tilespmem:s18+$0xFFFFFF40] =	vst v2;
	v2 =	vld [tilespmem:s18+$0xFFFFFF80]  }
0x18b: {  	v4 =	vld.idx.msk [tilespmem:v4+s31+$0x0], $0xffff  }
0x18c: {  	v3 =	vld [tilespmem:s18+$0xFFFFFFA0]  }
0x18d: {  	v5 =	vld [tilespmem:s18+$0xFFFFFF90]  }
0x18e: {  	v6 =	vld [tilespmem:s18+$0xFFFFFFD0]  }
0x18f: {  	v7 =	vld [tilespmem:s18+$0xFFFFFFE0]  }
0x190: {  	v8 =	vld [tilespmem:s18+$0xFFFFFFF0];
	v2 =	vmul.f32 v2, v4  }
0x191: {  	s26 =	simm.s32 $0x2;
	v9 =	vld [tilespmem:s18+$0xFFFFFFB0];
	v3 =	vmul.f32 v3, v4  }
0x192: {  	v10 =	vld [tilespmem:s18+$0xFFFFFFC0];
	v5 =	vmul.f32 v5, v4;
	[tilespmem:s18+$0xFFFFFF80] =	vst v2;
	v2 =	vmov s26  }
0x193: {  	v6 =	vmul.f32 v6, v4;
	[tilespmem:s18+$0xFFFFFFA0] =	vst v3;
	v2 =	vand.u32 $0xFFFFFFFE, v2  }
0x194: {  	v3 =	vmul.f32 v7, v4;
	[tilespmem:s18+$0xFFFFFF90] =	vst v5;
	v7 =	vld [tilespmem:s18+$0x0];
	v11 =	vbroadcast v2, $0x0  }
0x195: {  	v5 =	vmul.f32 v8, v4;
	[tilespmem:s18+$0xFFFFFFD0] =	vst v6;
	v8 =	vld [tilespmem:s18+$0x30]  }
0x196: {  	s0 =	smul.u32 $0xA000, s0;
	v6 =	vmul.f32 v9, v4;
	v2 =	vld [tilespmem:s18+$0x40];
	[tilespmem:s18+$0xFFFFFFE0] =	vst v3  }
0x197: {  	v4 =	vmul.f32 v10, v4;
	v3 =	vld [tilespmem:s18+$0x70];
	[tilespmem:s18+$0xFFFFFFF0] =	vst v5  }
0x198: {  	s0 =	sshrl.u32 s0, $0x2;
	[tilespmem:s18+$0xFFFFFFB0] =	vst v6;
	v5 =	vld [tilespmem:s18+$0x20]  }
0x199: {  	s5 =	sadd.s32 $0x5600, s0;
	[tilespmem:s18+$0xFFFFFFC0] =	vst v4;
	v6 =	vld [tilespmem:s18+$0x10]  }
0x19a: {  	s0 =	smov.u32 s18;
	s25 =	simm.s32 $0x3;
	s26 =	simm.s32 $0x7;
	v4 =	vld.idx.msk [tilespmem:v11+s31+$0x0], $0xffff  }
.LBB2_9:
0x19b: {  	p1 =	sne.s32 s26, $0x4F  }
0x19c: {  	v9 =	vld [tilespmem:s18+$0x50];
	s0 =	sadd.s32 $0x200, s0;
	s22 =	smov.u32 s26;
	s26 =	sadd.s32 $0x4, s26  }
0x19d: {  	v10 =	vld [tilespmem:s18+$0x60];
	_ =	sdelay $0x1  }
0x19e: {  	v7 =	vmul.f32 v7, v4;
	v6 =	vmul.f32 v6, v4  }
0x19f: {  	v5 =	vmul.f32 v5, v4;
	v8 =	vmul.f32 v8, v4  }
0x1a0: {  	v2 =	vmul.f32 v2, v4;
	v3 =	vmul.f32 v3, v4;
	[tilespmem:s18+$0x0] =	vst v7  }
0x1a1: {  	[tilespmem:s18+$0x20] =	vst v5;
	v5 =	vmul.f32 v9, v4;
	v4 =	vmul.f32 v10, v4  }
0x1a2: {  	[tilespmem:s18+$0x30] =	vst v8;
	v7 =	vld [tilespmem:s18+$0x80]  }
0x1a3: {  	[tilespmem:s18+$0x60] =	vst v4;
	v4 =	vmov s25;
	v8 =	vld [tilespmem:s18+$0xD0];
	s25 =	smov.u32 s22  }
0x1a4: {  	[tilespmem:s18+$0x50] =	vst v5;
	v5 =	vld [tilespmem:s18+$0xE0]  }
0x1a5: {  	[tilespmem:s18+$0x40] =	vst v2;
	v9 =	vld [tilespmem:s18+$0xB0]  }
0x1a6: {  	v2 =	vld [tilespmem:s0+$0x40];
	[tilespmem:s18+$0x70] =	vst v3  }
0x1a7: {  	v3 =	vld [tilespmem:s0+$0x70];
	[tilespmem:s18+$0x10] =	vst v6  }
0x1a8: {  	v4 =	vld.idx.msk [tilespmem:v4+s31+$0x0], $0xffff  }
0x1a9: {  	v6 =	vld [tilespmem:s18+$0x90]  }
0x1aa: {  	v10 =	vld [tilespmem:s18+$0xA0]  }
0x1ab: {  	v11 =	vld [tilespmem:s18+$0xC0]  }
0x1ac: {  	v12 =	vld [tilespmem:s18+$0xF0];
	_ =	sdelay $0x1  }
0x1ad: {  	v7 =	vmul.f32 v7, v4;
	v6 =	vmul.f32 v6, v4  }
0x1ae: {  	s22 =	sadd.s32 $0xFFFFFFFD, s25;
	v9 =	vmul.f32 v9, v4;
	v10 =	vmul.f32 v10, v4  }
0x1af: {  	v13 =	vmov s22;
	v8 =	vmul.f32 v8, v4;
	[tilespmem:s18+$0x80] =	vst v7;
	v7 =	vmul.f32 v11, v4  }
0x1b0: {  	v5 =	vmul.f32 v5, v4;
	v11 =	vand.u32 $0xFFFFFFFC, v13;
	[tilespmem:s18+$0x90] =	vst v6;
	v4 =	vmul.f32 v12, v4  }
0x1b1: {  	v6 =	vbroadcast v11, $0x0;
	[tilespmem:s18+$0xA0] =	vst v10  }
0x1b2: {  	[tilespmem:s18+$0xD0] =	vst v8  }
0x1b3: {  	v8 =	vld [tilespmem:s0+$0xFFFFFF50];
	[tilespmem:s18+$0xB0] =	vst v9  }
0x1b4: {  	v9 =	vld [tilespmem:s0+$0xFFFFFF30];
	[tilespmem:s18+$0xC0] =	vst v7  }
0x1b5: {  	v7 =	vld [tilespmem:s0+$0xFFFFFF60];
	[tilespmem:s18+$0xE0] =	vst v5  }
0x1b6: {  	v5 =	vld [tilespmem:s0+$0xFFFFFF70];
	[tilespmem:s18+$0xF0] =	vst v4;
	s18 =	smov.u32 s0  }
0x1b7: {  	v4 =	vld.idx.msk [tilespmem:v6+s31+$0x0], $0xffff  }
0x1b8: {  	v6 =	vld [tilespmem:s0+$0xFFFFFF00]  }
0x1b9: {  	v10 =	vld [tilespmem:s0+$0xFFFFFF20]  }
0x1ba: {  	v11 =	vld [tilespmem:s0+$0xFFFFFF10]  }
0x1bb: {  	v12 =	vld [tilespmem:s0+$0xFFFFFF40];
	_ =	sdelay $0x1  }
0x1bc: {  	v5 =	vmul.f32 v5, v4;
	v6 =	vmul.f32 v6, v4  }
0x1bd: {  	s22 =	sadd.s32 $0xFFFFFFFE, s25;
	v7 =	vmul.f32 v7, v4;
	v10 =	vmul.f32 v10, v4  }
0x1be: {  	v9 =	vmul.f32 v9, v4;
	v11 =	vmul.f32 v11, v4;
	[tilespmem:s0+$0xFFFFFF70] =	vst v5;
	v5 =	vmov s22  }
0x1bf: {  	[tilespmem:s0+$0xFFFFFF00] =	vst v6;
	v6 =	vmul.f32 v12, v4;
	v4 =	vmul.f32 v8, v4;
	v5 =	vand.u32 $0xFFFFFFFD, v5  }
0x1c0: {  	[tilespmem:s0+$0xFFFFFF20] =	vst v10;
	v5 =	vbroadcast v5, $0x0  }
0x1c1: {  	[tilespmem:s0+$0xFFFFFF30] =	vst v9  }
0x1c2: {  	[tilespmem:s0+$0xFFFFFF50] =	vst v4;
	v4 =	vld [tilespmem:s0+$0xFFFFFFF0]  }
0x1c3: {  	[tilespmem:s0+$0xFFFFFF10] =	vst v11;
	v8 =	vld [tilespmem:s0+$0xFFFFFFD0]  }
0x1c4: {  	[tilespmem:s0+$0xFFFFFF60] =	vst v7;
	v7 =	vld [tilespmem:s0+$0xFFFFFFB0]  }
0x1c5: {  	[tilespmem:s0+$0xFFFFFF40] =	vst v6;
	v6 =	vld [tilespmem:s0+$0xFFFFFF90]  }
0x1c6: {  	v5 =	vld.idx.msk [tilespmem:v5+s31+$0x0], $0xffff  }
0x1c7: {  	v9 =	vld [tilespmem:s0+$0xFFFFFF80]  }
0x1c8: {  	v10 =	vld [tilespmem:s0+$0xFFFFFFA0]  }
0x1c9: {  	v11 =	vld [tilespmem:s0+$0xFFFFFFC0]  }
0x1ca: {  	v12 =	vld [tilespmem:s0+$0xFFFFFFE0];
	_ =	sdelay $0x1  }
0x1cb: {  	v6 =	vmul.f32 v6, v5;
	v9 =	vmul.f32 v9, v5  }
0x1cc: {  	s22 =	sadd.s32 $0xFFFFFFFF, s25;
	v7 =	vmul.f32 v7, v5;
	v10 =	vmul.f32 v10, v5  }
0x1cd: {  	v8 =	vmul.f32 v8, v5;
	[tilespmem:s0+$0xFFFFFF80] =	vst v9;
	v9 =	vmul.f32 v11, v5;
	v11 =	vmov s22  }
0x1ce: {  	v4 =	vmul.f32 v4, v5;
	[tilespmem:s0+$0xFFFFFFA0] =	vst v10;
	v10 =	vmul.f32 v12, v5;
	v5 =	vand.u32 $0xFFFFFFFE, v11  }
0x1cf: {  	[tilespmem:s0+$0xFFFFFF90] =	vst v6;
	v6 =	vbroadcast v5, $0x0  }
0x1d0: {  	[tilespmem:s0+$0xFFFFFFD0] =	vst v8  }
0x1d1: {  	[tilespmem:s0+$0xFFFFFFE0] =	vst v10  }
0x1d2: {  	[tilespmem:s0+$0xFFFFFFB0] =	vst v7  }
.Ltmp4:
0x1d3: {  	[tilespmem:s0+$0xFFFFFFF0] =	vst v4;
	v5 =	vld [tilespmem:s0+$0x20];
	(pc) =	sbr.rel @p1 .LBB2_9-.Ltmp4, $4  }
0x1d4: {  	[tilespmem:s0+$0xFFFFFFC0] =	vst v9;
	v7 =	vld [tilespmem:s0+$0x0]  }
0x1d5: {  	v4 =	vld.idx.msk [tilespmem:v6+s31+$0x0], $0xffff  }
0x1d6: {  	v6 =	vld [tilespmem:s0+$0x10]  }
0x1d7: {  	v8 =	vld [tilespmem:s0+$0x30]  }
0x1d8: {  	_ =	sdelay $0x1  }
0x1d9: {  	v7 =	vmul.f32 v7, v4  }
0x1da: {  	v9 =	vld [tilespmem:s18+$0x60];
	v5 =	vmul.f32 v5, v4  }
0x1db: {  	v10 =	vld [tilespmem:s18+$0x50];
	v2 =	vmul.f32 v2, v4;
	[tilespmem:s18+$0x0] =	vst v7  }
0x1dc: {  	v3 =	vmul.f32 v3, v4;
	[tilespmem:s18+$0x20] =	vst v5  }
0x1dd: {  	v55 =	vmul.f32 v6, v4;
	[tilespmem:s18+$0x40] =	vst v2  }
0x1de: {  	v54 =	vmov s25;
	v8 =	vmul.f32 v8, v4;
	[tilespmem:s18+$0x70] =	vst v3  }
0x1df: {  	v51 =	vmul.f32 v9, v4;
	[tilespmem:s18+$0x10] =	vst v55  }
0x1e0: {  	v52 =	vmul.f32 v10, v4;
	[tilespmem:s18+$0x30] =	vst v8  }
0x1e1: {  	[tilespmem:s18+$0x60] =	vst v51  }
0x1e2: {  	v53 =	vld [tilespmem:s18+$0x80];
	[tilespmem:s18+$0x50] =	vst v52  }
0x1e3: {  	v2 =	vld.idx.msk [tilespmem:v54+s31+$0x0], $0xffff  }
0x1e4: {  	v3 =	vld [tilespmem:s18+$0x90]  }
0x1e5: {  	v56 =	vld [tilespmem:s18+$0xA0]  }
0x1e6: {  	v57 =	vld [tilespmem:s18+$0xD0]  }
0x1e7: {  	v59 =	vld [tilespmem:s18+$0xC0]  }
0x1e8: {  	v60 =	vld [tilespmem:s18+$0xE0];
	v8 =	vmul.f32 v53, v2  }
0x1e9: {  	v58 =	vld [tilespmem:s18+$0xB0];
	v3 =	vmul.f32 v3, v2  }
0x1ea: {  	v61 =	vld [tilespmem:s18+$0xF0];
	v4 =	vmul.f32 v56, v2;
	[tilespmem:s18+$0x80] =	vst v8  }
0x1eb: {  	v5 =	vmul.f32 v57, v2;
	[tilespmem:s18+$0x90] =	vst v3  }
0x1ec: {  	v62 =	vmul.f32 v59, v2;
	[tilespmem:s18+$0xA0] =	vst v4  }
0x1ed: {  	p1 =	sne.s32 s29, $0x7D;
	v63 =	vmul.f32 v60, v2;
	[tilespmem:s18+$0xD0] =	vst v5  }
.Ltmp5:
0x1ee: {  	v3 =	vmul.f32 v58, v2;
	[tilespmem:s18+$0xC0] =	vst v62;
	(pc) =	sbr.rel @p1 .LBB2_4-.Ltmp5, $4  }
0x1ef: {  	v2 =	vmul.f32 v61, v2;
	[tilespmem:s18+$0xE0] =	vst v63  }
0x1f0: {  	[tilespmem:s18+$0xB0] =	vst v3  }
0x1f1: {  	p0 =	por !p0, !p0;
	[tilespmem:s18+$0xF0] =	vst v2  }
0x1f2: {  	[spmem:s1] =	stream.indirect.scatter.add.f32 [tilespmem:s5], [sflag:$0x3], $0x80, s30, s17, $0xb8;
	[tilespmem:$0x1EF00] =	vst v63  }
0x1f3: {  	_ =	swait.ge [sflag:s21], $0x2800  }
0x1f4: {  	[sflag:s21] =	ssyncset.done $0x0  }
0x1f5: {  	[sflag:s21] =	ssyncadd.s32 $0xFFFFD800  }
0x1f6: {  	_ =	swait.ge [sflag:s21], $0x50  }
0x1f7: {  	[sflag:s21] =	ssyncset.done $0x0  }
0x1f8: {  	[sflag:s21] =	ssyncadd.s32 $0xFFFFFFB0  }
0x1f9: {  	_ =	swait.ge [sflag:s21], $0x50  }
0x1fa: {  	[sflag:s21] =	ssyncset.done $0x0  }
0x1fb: {  	[sflag:s21] =	ssyncadd.s32 $0xFFFFFFB0  }
0x1fc: {  	_ =	swait.ge [sflag:s21], $0x50  }
0x1fd: {  	[sflag:s21] =	ssyncset.done $0x0  }
0x1fe: {  	s0 =	stileid.u32;
	[sflag:s21] =	ssyncadd.s32 $0xFFFFFFB0  }
0x1ff: {  	s0 =	sshll.u32 s0, $0x6;
	[bflag:$0x0] =	sbarrier.arrive $0xFFFF  }
0x200: {  	s5 =	sshrl.u32 s23, $0x3;
	s0 =	sor.u32 $0x1C04, s0;
	s18 =	rddreg [dreg:$0xc]  }
0x201: {  	[hbm:s18], [sflag:s0] =	dma.local [spmem:s5], $0x2800  }
0x202: {  	s22 =	smov.u32 s23;
	s25 =	smov.u32 s24;
	_ =	swait.ge [sflag:s10], $0x2800  }
0x203: {  	s23 =	simm.s32 $0x20;
	s18 =	sshrl.u32 s24, $0x3;
	[sflag:s10] =	ssyncset.done $0x0  }
0x204: {  	s24 =	simm.s32 $0x10;
	s26 =	rddreg [dreg:$0xd];
	[sflag:s10] =	ssyncadd.s32 $0xFFFFD800  }
0x205: {  	[hbm:s26@s23], [sflag:s0] =	dma.strided [spmem:s18@s24], $0x50, s16, $0x10   }
0x206: {  	_ =	swait.ge [sflag:s10], $0x50  }
0x207: {  	s26 =	sld [smem:$0x7FC];
	_ =	sdelay $0x1  }
0x208: {  	[sflag:s10] =	ssyncset.done $0x0  }
0x209: {  	s31 =	rddreg [dreg:$0xe];
	[sflag:s10] =	ssyncadd.s32 $0xFFFFFFB0;
	s30 =	sshrl.u32 s26, $0x3  }
0x20a: {  	[hbm:s31@s23], [sflag:s0] =	dma.strided [spmem:s30@s24], $0x50, s16, $0x10   }
0x20b: {  	_ =	swait.ge [sflag:s10], $0x50  }
0x20c: {  	s29 =	sld [smem:$0x7FD];
	_ =	sdelay $0x1  }
0x20d: {  	[sflag:s10] =	ssyncset.done $0x0  }
0x20e: {  	s30 =	rddreg [dreg:$0xf];
	[sflag:s10] =	ssyncadd.s32 $0xFFFFFFB0;
	s18 =	sshrl.u32 s29, $0x3  }
0x20f: {  	[hbm:s30@s23], [sflag:s0] =	dma.strided [spmem:s18@s24], $0x50, s16, $0x10   }
0x210: {  	_ =	swait.ge [sflag:s10], $0x50  }
0x211: {  	s28 =	sadd.s32 $0x1, s28;
	s31 =	rddreg [dreg:$0x10]  }
0x212: {  	p0 =	sne.s32 s28, s31  }
.Ltmp6:
0x213: {  	_ = 	snop;
	(pc) =	sbr.rel @p0 .LBB2_1-.Ltmp6, $3  }
0x214: {  	_ =	sdelay $0x1  }
0x215: {  	[sflag:s10] =	ssyncset.done $0x0  }
0x216: {  	[sflag:s10] =	ssyncadd.s32 $0xFFFFFFB0  }
0x217: {  	_ =	sfence.sel $0x180000  }
0x218: {  	[bflag:$0x0] =	sbarrier.arrive $0xFFFF  }
0x219: {  	_ =	strace $0x90000047  }
0x21a: {  	s0 =	stileid.u32;
	[bflag:$0x2] =	sbarrier.arrive $0xFFFF  }
0x21b: {  	p0 =	sne.s32 s0, $0x0;
	s0 =	rddreg [dreg:$0x6]  }
0x21c: {  	s0 =	sadd.s32 @!p0 $0x100000, s0  }
0x21d: {  	[sflag:s0] =	ssyncadd.tile.s32 @!p0 $0x1;
	_ =	shalt  }
.Lfunc_end2:
_tile_overlayer_lowered:
.L_overlay_start_2:
0x21e: {  	(tag) =	ssettag $0x2  }
0x21f: {  	s0 =	rddreg [dreg:$0x0];
	s2 =	stileid.u32  }
0x220: {  	s1 =	rddreg [dreg:$0x1];
	p0 =	sne.s32 s2, $0x0  }
0x221: {  	s3 =	rddreg [dreg:$0x2];
	[bflag:$0x3] =	sbarrier.arrive $0xFFFF;
	s2 =	simm.s32 @!p0 $0x1C04  }
0x222: {  	[timem:s3], [sflag:s2] =	dma.local @!p0 [hbm:s0], s1  }
0x223: {  	s0 =	simm.s32 @!p0 $0x4  }
0x224: {  	_ =	swait.ge @!p0 [sflag:s0], s1  }
0x225: {  	s1 =	ssub.s32 @!p0 $0x0, s1;
	[sflag:s0] =	ssyncset.done @!p0 $0x0  }
0x226: {  	[sflag:s0] =	ssyncadd.s32 @!p0 s1  }
0x227: {  	[bflag:$0x3] =	sbarrier.arrive $0xFFFF  }
0x228: {  	_ =	shalt  }

</sc_bundles>
